<compile_context>
chip_gen: v7x
topology: tpu7x:2x2x1
jax: 0.10.2.dev20260603
libtpu: 0.0.44.dev20260713+nightly
codegen_flags: <defaults>
</compile_context>

<pallas_src>
import functools

import jax
import jax.numpy as jnp
from jax import lax
from jax.experimental import pallas as pl
from jax.experimental.pallas import tpu as pltpu
from jax.experimental.pallas import tpu_sc as plsc

DM = 768
HID = 768
NE = 64
NTOK = 4096
TILE = 128
MAX_TILES = NTOK // TILE + NE
PADN = MAX_TILES * TILE
BLK_A = 512
NW = 32


def _dot_nt(a, b):
    return lax.dot_general(a, b, (((1,), (1,)), ((), ())),
                           precision=lax.Precision.DEFAULT,
                           preferred_element_type=jnp.float32)


def _mlp_bf16(x, w1, w2, cp):
    a = _dot_nt(x, w1)
    b = _dot_nt(x, w2)
    h = (a * jax.nn.sigmoid(a)) * b
    return _dot_nt(h, cp)


def _router_shared_body(x_ref, w1_ref, w2_ref, cp_ref, rw_ref,
                        shared_ref, probs_ref, eid_ref, rank_ref, counts_ref,
                        carry_ref):
    i = pl.program_id(0)

    @pl.when(i == 0)
    def _init():
        carry_ref[...] = jnp.zeros_like(carry_ref)

    x = x_ref[...]
    shared_ref[...] = _mlp_bf16(x, w1_ref[...], w2_ref[...], cp_ref[...])

    logits = _dot_nt(x, rw_ref[...])
    m = jnp.max(logits, axis=1, keepdims=True)
    e = jnp.exp(logits - m)
    probs_ref[...] = e / jnp.sum(e, axis=1, keepdims=True)

    col = lax.broadcasted_iota(jnp.int32, (BLK_A, NE), 1)
    is_max = logits == jnp.max(logits, axis=1, keepdims=True)
    eid = jnp.min(jnp.where(is_max, col, NE), axis=1).astype(jnp.int32)
    eid_ref[...] = eid[:, None]

    onehot = (eid[:, None] == lax.broadcasted_iota(jnp.int32, (1, NE), 1)
              ).astype(jnp.float32)
    r_i = lax.broadcasted_iota(jnp.int32, (BLK_A, BLK_A), 0)
    c_i = lax.broadcasted_iota(jnp.int32, (BLK_A, BLK_A), 1)
    tril = (c_i < r_i).astype(jnp.float32)
    cum = lax.dot_general(tril, onehot, (((1,), (0,)), ((), ())),
                          preferred_element_type=jnp.float32)
    prev = carry_ref[...]
    rank = jnp.sum((cum + prev) * onehot, axis=1)
    rank_ref[...] = rank[:, None].astype(jnp.int32)
    new = prev + jnp.sum(onehot, axis=0, keepdims=True)
    carry_ref[...] = new
    counts_ref[...] = new


def _router_shared(x_flat, sw1, sw2, scp, rw):
    return pl.pallas_call(
        _router_shared_body,
        grid=(NTOK // BLK_A,),
        in_specs=[
            pl.BlockSpec((BLK_A, DM), lambda i: (i, 0)),
            pl.BlockSpec((HID, DM), lambda i: (0, 0)),
            pl.BlockSpec((HID, DM), lambda i: (0, 0)),
            pl.BlockSpec((DM, HID), lambda i: (0, 0)),
            pl.BlockSpec((NE, DM), lambda i: (0, 0)),
        ],
        out_specs=[
            pl.BlockSpec((BLK_A, DM), lambda i: (i, 0)),
            pl.BlockSpec((BLK_A, NE), lambda i: (i, 0)),
            pl.BlockSpec((BLK_A, 1), lambda i: (i, 0)),
            pl.BlockSpec((BLK_A, 1), lambda i: (i, 0)),
            pl.BlockSpec((1, NE), lambda i: (0, 0)),
        ],
        out_shape=[
            jax.ShapeDtypeStruct((NTOK, DM), jnp.float32),
            jax.ShapeDtypeStruct((NTOK, NE), jnp.float32),
            jax.ShapeDtypeStruct((NTOK, 1), jnp.int32),
            jax.ShapeDtypeStruct((NTOK, 1), jnp.int32),
            jax.ShapeDtypeStruct((1, NE), jnp.float32),
        ],
        scratch_shapes=[pltpu.VMEM((1, NE), jnp.float32)],
    )(x_flat, sw1, sw2, scp, rw)


def _bookkeep_body(counts_ref, eid_ref, rank_ref,
                   padpos_ref, teid_ref, tact_ref):
    sizes = counts_ref[...]
    tp = jnp.floor((sizes + (TILE - 1)) * (1.0 / TILE))
    e_i = lax.broadcasted_iota(jnp.int32, (NE, NE), 0)
    j_i = lax.broadcasted_iota(jnp.int32, (NE, NE), 1)
    ut = (e_i <= j_i).astype(jnp.float32)
    cumt = lax.dot_general(tp, ut, (((1,), (0,)), ((), ())),
                           preferred_element_type=jnp.float32)
    padded_start = (cumt - tp) * TILE

    eid = eid_ref[...]
    col = lax.broadcasted_iota(jnp.int32, (NTOK, NE), 1)
    oh = (eid == col).astype(jnp.float32)
    padpos = (jnp.sum(oh * padded_start, axis=1, keepdims=True)
              + rank_ref[...].astype(jnp.float32))
    padpos_ref[...] = padpos.astype(jnp.int32)

    jrow = lax.broadcasted_iota(jnp.int32, (MAX_TILES, NE), 0
                                ).astype(jnp.float32)
    te = jnp.sum((cumt <= jrow).astype(jnp.float32), axis=1, keepdims=True)
    te = jnp.minimum(te, NE - 1)
    total = jnp.sum(tp)
    tact = (lax.broadcasted_iota(jnp.int32, (MAX_TILES, 1), 0
                                 ).astype(jnp.float32)
            < total).astype(jnp.float32)
    te_last = jnp.max(te * tact)
    teid_ref[...] = jnp.where(tact > 0, te, te_last).astype(jnp.int32)
    tact_ref[...] = tact.astype(jnp.int32)


def _bookkeep(counts, eid2, rank2):
    return pl.pallas_call(
        _bookkeep_body,
        out_shape=[
            jax.ShapeDtypeStruct((NTOK, 1), jnp.int32),
            jax.ShapeDtypeStruct((MAX_TILES, 1), jnp.int32),
            jax.ShapeDtypeStruct((MAX_TILES, 1), jnp.int32),
        ],
    )(counts, eid2, rank2)


def _expert_body(teid_ref, tact_ref,
                 x_ref, w1a_ref, w2a_ref, cpa_ref, w1b_ref, w2b_ref, cpb_ref,
                 out_ref):
    i = pl.program_id(0)

    @pl.when(tact_ref[2 * i] > 0)
    def _go_a():
        out_ref[0:TILE, :] = _mlp_bf16(
            x_ref[0:TILE, :], w1a_ref[0], w2a_ref[0], cpa_ref[0])

    @pl.when(tact_ref[2 * i + 1] > 0)
    def _go_b():
        out_ref[TILE:2 * TILE, :] = _mlp_bf16(
            x_ref[TILE:2 * TILE, :], w1b_ref[0], w2b_ref[0], cpb_ref[0])


def _grouped_mlp(x_padded, ew1, ew2, ecp, tile_eid, tile_act):
    grid_spec = pltpu.PrefetchScalarGridSpec(
        num_scalar_prefetch=2,
        grid=(MAX_TILES // 2,),
        in_specs=[
            pl.BlockSpec((2 * TILE, DM), lambda i, te, ta: (i, 0)),
            pl.BlockSpec((1, HID, DM), lambda i, te, ta: (te[2 * i], 0, 0)),
            pl.BlockSpec((1, HID, DM), lambda i, te, ta: (te[2 * i], 0, 0)),
            pl.BlockSpec((1, DM, HID), lambda i, te, ta: (te[2 * i], 0, 0)),
            pl.BlockSpec((1, HID, DM), lambda i, te, ta: (te[2 * i + 1], 0, 0)),
            pl.BlockSpec((1, HID, DM), lambda i, te, ta: (te[2 * i + 1], 0, 0)),
            pl.BlockSpec((1, DM, HID), lambda i, te, ta: (te[2 * i + 1], 0, 0)),
        ],
        out_specs=pl.BlockSpec((2 * TILE, DM), lambda i, te, ta: (i, 0)),
    )
    return pl.pallas_call(
        _expert_body,
        grid_spec=grid_spec,
        out_shape=jax.ShapeDtypeStruct((PADN, DM), jnp.float32),
        compiler_params=pltpu.CompilerParams(
            dimension_semantics=("parallel",)),
    )(tile_eid, tile_act, x_padded, ew1, ew2, ecp, ew1, ew2, ecp)


_CHUNK_D = NTOK // NW
_CHUNK_C = 64


@functools.cache
def _sc_kernels():
    mesh = plsc.VectorSubcoreMesh(core_axis_name="c", subcore_axis_name="s")

    @functools.partial(
        pl.kernel, mesh=mesh,
        out_type=jax.ShapeDtypeStruct((PADN, DM), jnp.float32),
        scratch_types=[
            pltpu.VMEM((_CHUNK_D,), jnp.int32),
            pltpu.VMEM((_CHUNK_D, DM), jnp.float32),
            pltpu.SemaphoreType.DMA,
        ],
    )
    def _sc_dispatch(x_hbm, pp_hbm, xp_hbm, idx_v, rows_v, sem):
        wid = lax.axis_index("s") * 2 + lax.axis_index("c")
        base = wid * _CHUNK_D
        pltpu.sync_copy(pp_hbm.at[pl.ds(base, _CHUNK_D)], idx_v)
        pltpu.sync_copy(x_hbm.at[pl.ds(base, _CHUNK_D)], rows_v)
        pltpu.async_copy(rows_v, xp_hbm.at[idx_v], sem).wait()

    @functools.partial(
        pl.kernel, mesh=mesh,
        out_type=jax.ShapeDtypeStruct((NTOK, DM), jnp.float32),
        scratch_types=[
            pltpu.VMEM((_CHUNK_C,), jnp.int32),
            pltpu.VMEM((_CHUNK_C, DM), jnp.float32),
            pltpu.VMEM((_CHUNK_C, DM), jnp.float32),
            pltpu.SemaphoreType.DMA,
        ],
    )
    def _sc_combine(outp_hbm, pp_hbm, sh_hbm, fin_hbm, idx_v, g_v, s_v, sem):
        wid = lax.axis_index("s") * 2 + lax.axis_index("c")
        for c in range(_CHUNK_D // _CHUNK_C):
            base = wid * _CHUNK_D + c * _CHUNK_C
            pltpu.sync_copy(pp_hbm.at[pl.ds(base, _CHUNK_C)], idx_v)
            pltpu.async_copy(outp_hbm.at[idx_v], g_v, sem).wait()
            pltpu.sync_copy(sh_hbm.at[pl.ds(base, _CHUNK_C)], s_v)

            def _row(r, _):
                for cc in range(DM // 16):
                    off = cc * 16
                    g_v[r, pl.ds(off, 16)] = (g_v[r, pl.ds(off, 16)]
                                              + s_v[r, pl.ds(off, 16)])
                return 0

            lax.fori_loop(0, _CHUNK_C, _row, 0)
            pltpu.sync_copy(g_v, fin_hbm.at[pl.ds(base, _CHUNK_C)])

    return _sc_dispatch, _sc_combine


def kernel(x, shared_w1, shared_w2, shared_cp, expert_w1, expert_w2,
           expert_cp, router_w):
    b, s, d = x.shape
    x_flat = x.reshape(b * s, d)

    shared_out, probs, eid2, rank2, counts = _router_shared(
        x_flat, shared_w1[0], shared_w2[0], shared_cp[0], router_w)

    padpos2, tile_eid2, tile_act2 = _bookkeep(counts, eid2, rank2)
    padpos = padpos2.reshape(NTOK)
    tile_eid = tile_eid2.reshape(MAX_TILES)
    tile_act = tile_act2.reshape(MAX_TILES)

    sc_dispatch, sc_combine = _sc_kernels()
    x_padded = sc_dispatch(x_flat, padpos)
    out_padded = _grouped_mlp(x_padded, expert_w1, expert_w2, expert_cp,
                              tile_eid, tile_act)
    final = sc_combine(out_padded, padpos, shared_out)

    return final.reshape(b, s, d), probs.reshape(b, s, NE)

# --- scband reference (transcript-rebuilt; emitter-appended) ---
"""Pipeline reference for scband-mo-elayer-90245852823703 (READ-ONLY COPY).

The authoritative reference and input builder live on the scoring server;
editing this copy changes nothing except your own understanding.
"""

import jax, jax.numpy as jnp
import numpy as np

D_MODEL = 768
HIDDEN = 768
N_SHARED = 1
N_EXPERTS = 64
TOP_K = 1
BATCH = 2
SEQ = 2048


def setup_inputs(seed: int = 0) -> dict:
    key = jax.random.key(seed)
    ks = jax.random.split(key, 8)
    s = 0.02
    x = jax.random.normal(ks[0], (BATCH, SEQ, D_MODEL), dtype=jnp.float32)
    shared_w1 = jax.random.normal(ks[1], (N_SHARED, HIDDEN, D_MODEL), dtype=jnp.float32) * s
    shared_w2 = jax.random.normal(ks[2], (N_SHARED, HIDDEN, D_MODEL), dtype=jnp.float32) * s
    shared_cp = jax.random.normal(ks[3], (N_SHARED, D_MODEL, HIDDEN), dtype=jnp.float32) * s
    expert_w1 = jax.random.normal(ks[4], (N_EXPERTS, HIDDEN, D_MODEL), dtype=jnp.float32) * s
    expert_w2 = jax.random.normal(ks[5], (N_EXPERTS, HIDDEN, D_MODEL), dtype=jnp.float32) * s
    expert_cp = jax.random.normal(ks[6], (N_EXPERTS, D_MODEL, HIDDEN), dtype=jnp.float32) * s
    router_w = jax.random.normal(ks[7], (N_EXPERTS, D_MODEL), dtype=jnp.float32) * s
    return {"x": x, "shared_w1": shared_w1, "shared_w2": shared_w2, "shared_cp": shared_cp,
            "expert_w1": expert_w1, "expert_w2": expert_w2, "expert_cp": expert_cp,
            "router_w": router_w}


def _mlp(x, w1, w2, cp):
    # nn.Linear(in, out, bias=False): y = x @ W.T with W [out, in]
    return (jax.nn.silu(x @ w1.T) * (x @ w2.T)) @ cp.T


def reference(x, shared_w1, shared_w2, shared_cp, expert_w1, expert_w2, expert_cp, router_w):
    b, s, d = x.shape
    # shared experts
    shared_sum = jnp.zeros_like(x)
    for i in range(N_SHARED):
        shared_sum = shared_sum + _mlp(x, shared_w1[i], shared_w2[i], shared_cp[i])
    # router
    logits = jax.nn.softmax(x @ router_w.T, axis=-1)  # [B, S, E]
    weights, indices = jax.lax.top_k(logits, TOP_K)
    weights = weights / jnp.sum(weights, axis=-1, keepdims=True)
    x_flat = x.reshape(b * s, d)
    w_flat = weights.reshape(b * s, TOP_K)
    idx_flat = indices.reshape(b * s, TOP_K)
    routed = jnp.zeros_like(x_flat)
    for e in range(N_EXPERTS):
        # combined routing weight for this expert per token (0 if not routed here);
        # mathematically identical to torch.where-based gather/scatter in the original.
        cw = jnp.sum(w_flat * (idx_flat == e).astype(w_flat.dtype), axis=-1)
        routed = routed + _mlp(x_flat, expert_w1[e], expert_w2[e], expert_cp[e]) * cw[:, None]
    final = shared_sum + routed.reshape(b, s, d)
    return (final, logits)

if __name__ == "__main__":
    import jax
    _d = setup_inputs()
    print(jax.jit(kernel)(*tuple(_d.values())))

</pallas_src>

<mosaic_0001>
#map = affine_map<(d0, d1) -> (0, 0)>
#map1 = affine_map<(d0, d1) -> (0)>
module attributes {stable_mosaic.version = 14 : i64} {
  func.func @_sc_dispatch(%arg0: i32, %arg1: i32, %arg2: memref<4096x768xf32, #tpu.memory_space<hbm>>, %arg3: memref<4096xi32, #tpu.memory_space<hbm>>, %arg4: memref<12288x768xf32, #tpu.memory_space<hbm>>, %arg5: memref<128xi32, #tpu.memory_space<vmem>>, %arg6: memref<128x768xf32, #tpu.memory_space<vmem>>, %arg7: memref<!tpu.dma_semaphore, #tpu.memory_space<semaphore_mem>>) attributes {dimension_semantics = [#tpu.dimension_semantics<core_parallel>, #tpu.dimension_semantics<subcore_parallel>], iteration_bounds = array<i64: 2, 16>, scalar_prefetch = 0 : i64, scratch_operands = 3 : i64, tpu.core_type = #tpu.core_type<sc_vector_subcore>, window_params = [{transform_indices = #map}, {transform_indices = #map1}, {transform_indices = #map}]} {
    %mul3A = arith.constant 2 : i32
    %mul3A_0 = arith.muli %arg1, %mul3A : i32
    %add3A = arith.addi %mul3A_0, %arg0 : i32
    %mul3A_1 = arith.constant 128 : i32
    %mul3A_2 = arith.muli %add3A, %mul3A_1 : i32
    "tpu.region"() ({
      %run_scoped3A = tpu.sem_alloc : memref<!tpu.dma_semaphore, #tpu.memory_space<semaphore_mem>>
      %dma_start3A_7 = tpu.memref_slice %arg3[%mul3A_2] : memref<4096xi32, #tpu.memory_space<hbm>> -> memref<128xi32, #tpu.memory_space<hbm>>
      %dma_start3A_8 = tpu.memref_slice %arg3[%mul3A_2] : memref<4096xi32, #tpu.memory_space<hbm>> -> memref<128xi32, #tpu.memory_space<hbm>>
      tpu.enqueue_dma source(%dma_start3A_8 : memref<128xi32, #tpu.memory_space<hbm>>) target(%arg5 : memref<128xi32, #tpu.memory_space<vmem>>) target_semaphore(%run_scoped3A : memref<!tpu.dma_semaphore, #tpu.memory_space<semaphore_mem>>)
      %dma_wait3A_9 = tpu.memref_slice %arg3[%mul3A_2] : memref<4096xi32, #tpu.memory_space<hbm>> -> memref<128xi32, #tpu.memory_space<hbm>>
      %dma_wait3A_10 = tpu.memref_slice %arg3[%mul3A_2] : memref<4096xi32, #tpu.memory_space<hbm>> -> memref<128xi32, #tpu.memory_space<hbm>>
      tpu.wait_dma2 semaphore(%run_scoped3A : memref<!tpu.dma_semaphore, #tpu.memory_space<semaphore_mem>>) src(%dma_wait3A_10 : memref<128xi32, #tpu.memory_space<hbm>>) dst(%arg5 : memref<128xi32, #tpu.memory_space<vmem>>)
      tpu.yield
    }) : () -> ()
    "tpu.region"() ({
      %run_scoped3A = tpu.sem_alloc : memref<!tpu.dma_semaphore, #tpu.memory_space<semaphore_mem>>
      %dma_start3A_7 = arith.constant 0 : i32
      %dma_start3A_8 = tpu.memref_slice %arg2[%mul3A_2, %dma_start3A_7] : memref<4096x768xf32, #tpu.memory_space<hbm>> -> memref<128x768xf32, #tpu.memory_space<hbm>>
      %dma_start3A_9 = arith.constant 0 : i32
      %dma_start3A_10 = tpu.memref_slice %arg2[%mul3A_2, %dma_start3A_9] : memref<4096x768xf32, #tpu.memory_space<hbm>> -> memref<128x768xf32, #tpu.memory_space<hbm>>
      tpu.enqueue_dma source(%dma_start3A_10 : memref<128x768xf32, #tpu.memory_space<hbm>>) target(%arg6 : memref<128x768xf32, #tpu.memory_space<vmem>>) target_semaphore(%run_scoped3A : memref<!tpu.dma_semaphore, #tpu.memory_space<semaphore_mem>>)
      %dma_wait3A_11 = arith.constant 0 : i32
      %dma_wait3A_12 = tpu.memref_slice %arg2[%mul3A_2, %dma_wait3A_11] : memref<4096x768xf32, #tpu.memory_space<hbm>> -> memref<128x768xf32, #tpu.memory_space<hbm>>
      %dma_wait3A_13 = arith.constant 0 : i32
      %dma_wait3A_14 = tpu.memref_slice %arg2[%mul3A_2, %dma_wait3A_13] : memref<4096x768xf32, #tpu.memory_space<hbm>> -> memref<128x768xf32, #tpu.memory_space<hbm>>
      tpu.wait_dma2 semaphore(%run_scoped3A : memref<!tpu.dma_semaphore, #tpu.memory_space<semaphore_mem>>) src(%dma_wait3A_14 : memref<128x768xf32, #tpu.memory_space<hbm>>) dst(%arg6 : memref<128x768xf32, #tpu.memory_space<vmem>>)
      tpu.yield
    }) : () -> ()
    %dma_start3A = arith.constant 0 : i32
    %dma_start3A_3 = arith.constant 0 : i32
    %dma_start3A_4 = tpu.memref_slice %arg4[%dma_start3A, %dma_start3A_3] : memref<12288x768xf32, #tpu.memory_space<hbm>> -> memref<12288x768xf32, #tpu.memory_space<hbm>>
    tpu.enqueue_indirect_dma source(%arg6 : memref<128x768xf32, #tpu.memory_space<vmem>>) target(%dma_start3A_4 : memref<12288x768xf32, #tpu.memory_space<hbm>>) offsets(%arg5 : memref<128xi32, #tpu.memory_space<vmem>>) semaphore(%arg7 : memref<!tpu.dma_semaphore, #tpu.memory_space<semaphore_mem>>)
    %dma_wait3A = arith.constant 0 : i32
    %dma_wait3A_5 = arith.constant 0 : i32
    %dma_wait3A_6 = tpu.memref_slice %arg4[%dma_wait3A, %dma_wait3A_5] : memref<12288x768xf32, #tpu.memory_space<hbm>> -> memref<12288x768xf32, #tpu.memory_space<hbm>>
    tpu.wait_indirect_dma semaphore(%arg7 : memref<!tpu.dma_semaphore, #tpu.memory_space<semaphore_mem>>) src(%arg6 : memref<128x768xf32, #tpu.memory_space<vmem>>) dst(%dma_wait3A_6 : memref<12288x768xf32, #tpu.memory_space<hbm>>)
    return
  }
}

#map = affine_map<(d0, d1) -> (0, 0)>
#map1 = affine_map<(d0, d1) -> (0)>
module attributes {stable_mosaic.version = 14 : i64} {
  func.func @_sc_combine(%arg0: i32, %arg1: i32, %arg2: memref<12288x768xf32, #tpu.memory_space<hbm>>, %arg3: memref<4096xi32, #tpu.memory_space<hbm>>, %arg4: memref<4096x768xf32, #tpu.memory_space<hbm>>, %arg5: memref<4096x768xf32, #tpu.memory_space<hbm>>, %arg6: memref<64xi32, #tpu.memory_space<vmem>>, %arg7: memref<64x768xf32, #tpu.memory_space<vmem>>, %arg8: memref<64x768xf32, #tpu.memory_space<vmem>>, %arg9: memref<!tpu.dma_semaphore, #tpu.memory_space<semaphore_mem>>) attributes {dimension_semantics = [#tpu.dimension_semantics<core_parallel>, #tpu.dimension_semantics<subcore_parallel>], iteration_bounds = array<i64: 2, 16>, scalar_prefetch = 0 : i64, scratch_operands = 4 : i64, tpu.core_type = #tpu.core_type<sc_vector_subcore>, window_params = [{transform_indices = #map}, {transform_indices = #map1}, {transform_indices = #map}, {transform_indices = #map}]} {
    %mul3A = arith.constant 2 : i32
    %mul3A_0 = arith.muli %arg1, %mul3A : i32
    %add3A = arith.addi %mul3A_0, %arg0 : i32
    %mul3A_1 = arith.constant 128 : i32
    %mul3A_2 = arith.muli %add3A, %mul3A_1 : i32
    %add3A_3 = arith.constant 0 : i32
    %add3A_4 = arith.addi %mul3A_2, %add3A_3 : i32
    "tpu.region"() ({
      %run_scoped3A = tpu.sem_alloc : memref<!tpu.dma_semaphore, #tpu.memory_space<semaphore_mem>>
      %dma_start3A_32 = tpu.memref_slice %arg3[%add3A_4] : memref<4096xi32, #tpu.memory_space<hbm>> -> memref<64xi32, #tpu.memory_space<hbm>>
      %dma_start3A_33 = tpu.memref_slice %arg3[%add3A_4] : memref<4096xi32, #tpu.memory_space<hbm>> -> memref<64xi32, #tpu.memory_space<hbm>>
      tpu.enqueue_dma source(%dma_start3A_33 : memref<64xi32, #tpu.memory_space<hbm>>) target(%arg6 : memref<64xi32, #tpu.memory_space<vmem>>) target_semaphore(%run_scoped3A : memref<!tpu.dma_semaphore, #tpu.memory_space<semaphore_mem>>)
      %dma_wait3A_34 = tpu.memref_slice %arg3[%add3A_4] : memref<4096xi32, #tpu.memory_space<hbm>> -> memref<64xi32, #tpu.memory_space<hbm>>
      %dma_wait3A_35 = tpu.memref_slice %arg3[%add3A_4] : memref<4096xi32, #tpu.memory_space<hbm>> -> memref<64xi32, #tpu.memory_space<hbm>>
      tpu.wait_dma2 semaphore(%run_scoped3A : memref<!tpu.dma_semaphore, #tpu.memory_space<semaphore_mem>>) src(%dma_wait3A_35 : memref<64xi32, #tpu.memory_space<hbm>>) dst(%arg6 : memref<64xi32, #tpu.memory_space<vmem>>)
      tpu.yield
    }) : () -> ()
    %dma_start3A = arith.constant 0 : i32
    %dma_start3A_5 = arith.constant 0 : i32
    %dma_start3A_6 = tpu.memref_slice %arg2[%dma_start3A, %dma_start3A_5] : memref<12288x768xf32, #tpu.memory_space<hbm>> -> memref<12288x768xf32, #tpu.memory_space<hbm>>
    tpu.enqueue_indirect_dma source(%dma_start3A_6 : memref<12288x768xf32, #tpu.memory_space<hbm>>) target(%arg7 : memref<64x768xf32, #tpu.memory_space<vmem>>) offsets(%arg6 : memref<64xi32, #tpu.memory_space<vmem>>) semaphore(%arg9 : memref<!tpu.dma_semaphore, #tpu.memory_space<semaphore_mem>>)
    %dma_wait3A = arith.constant 0 : i32
    %dma_wait3A_7 = arith.constant 0 : i32
    %dma_wait3A_8 = tpu.memref_slice %arg2[%dma_wait3A, %dma_wait3A_7] : memref<12288x768xf32, #tpu.memory_space<hbm>> -> memref<12288x768xf32, #tpu.memory_space<hbm>>
    tpu.wait_indirect_dma semaphore(%arg9 : memref<!tpu.dma_semaphore, #tpu.memory_space<semaphore_mem>>) src(%dma_wait3A_8 : memref<12288x768xf32, #tpu.memory_space<hbm>>) dst(%arg7 : memref<64x768xf32, #tpu.memory_space<vmem>>)
    "tpu.region"() ({
      %run_scoped3A = tpu.sem_alloc : memref<!tpu.dma_semaphore, #tpu.memory_space<semaphore_mem>>
      %dma_start3A_32 = arith.constant 0 : i32
      %dma_start3A_33 = tpu.memref_slice %arg4[%add3A_4, %dma_start3A_32] : memref<4096x768xf32, #tpu.memory_space<hbm>> -> memref<64x768xf32, #tpu.memory_space<hbm>>
      %dma_start3A_34 = arith.constant 0 : i32
      %dma_start3A_35 = tpu.memref_slice %arg4[%add3A_4, %dma_start3A_34] : memref<4096x768xf32, #tpu.memory_space<hbm>> -> memref<64x768xf32, #tpu.memory_space<hbm>>
      tpu.enqueue_dma source(%dma_start3A_35 : memref<64x768xf32, #tpu.memory_space<hbm>>) target(%arg8 : memref<64x768xf32, #tpu.memory_space<vmem>>) target_semaphore(%run_scoped3A : memref<!tpu.dma_semaphore, #tpu.memory_space<semaphore_mem>>)
      %dma_wait3A_36 = arith.constant 0 : i32
      %dma_wait3A_37 = tpu.memref_slice %arg4[%add3A_4, %dma_wait3A_36] : memref<4096x768xf32, #tpu.memory_space<hbm>> -> memref<64x768xf32, #tpu.memory_space<hbm>>
      %dma_wait3A_38 = arith.constant 0 : i32
      %dma_wait3A_39 = tpu.memref_slice %arg4[%add3A_4, %dma_wait3A_38] : memref<4096x768xf32, #tpu.memory_space<hbm>> -> memref<64x768xf32, #tpu.memory_space<hbm>>
      tpu.wait_dma2 semaphore(%run_scoped3A : memref<!tpu.dma_semaphore, #tpu.memory_space<semaphore_mem>>) src(%dma_wait3A_39 : memref<64x768xf32, #tpu.memory_space<hbm>>) dst(%arg8 : memref<64x768xf32, #tpu.memory_space<vmem>>)
      tpu.yield
    }) : () -> ()
    %scan3A = arith.constant 0 : i32
    %scan3A_9 = arith.constant 0 : i32
    %scan3A_10 = arith.constant 64 : i32
    %scan3A_11 = arith.addi %scan3A_9, %scan3A_10 : i32
    %scan3A_12 = arith.constant 1 : i32
    %scan3A_13 = scf.for %scan3A_32 = %scan3A_9 to %scan3A_11 step %scan3A_12 iter_args(%scan3A_33 = %scan3A) -> (i32)  : i32 {
      %get3A = arith.index_cast %scan3A_32 : i32 to index
      %get3A_34 = arith.constant 0 : index
      %get3A_35 = tpu.vector_load %arg7[%get3A, %get3A_34] {strides = array<i32>} : memref<64x768xf32, #tpu.memory_space<vmem>>, vector<1x16xf32>,
      %get3A_36 = vector.shape_cast %get3A_35 : vector<1x16xf32> to vector<16xf32>
      %get3A_37 = arith.index_cast %scan3A_32 : i32 to index
      %get3A_38 = arith.constant 0 : index
      %get3A_39 = tpu.vector_load %arg8[%get3A_37, %get3A_38] {strides = array<i32>} : memref<64x768xf32, #tpu.memory_space<vmem>>, vector<1x16xf32>,
      %get3A_40 = vector.shape_cast %get3A_39 : vector<1x16xf32> to vector<16xf32>
      %add3A_41 = arith.addf %get3A_36, %get3A_40 : vector<16xf32>
      %swap3A = arith.index_cast %scan3A_32 : i32 to index
      %swap3A_42 = arith.constant 0 : index
      %swap3A_43 = tpu.vector_load %arg7[%swap3A, %swap3A_42] {strides = array<i32>} : memref<64x768xf32, #tpu.memory_space<vmem>>, vector<1x16xf32>,
      %swap3A_44 = vector.shape_cast %swap3A_43 : vector<1x16xf32> to vector<16xf32>
      %swap3A_45 = vector.shape_cast %add3A_41 : vector<16xf32> to vector<1x16xf32>
      tpu.vector_store %arg7[%swap3A, %swap3A_42], %swap3A_45 {strides = array<i32>} : memref<64x768xf32, #tpu.memory_space<vmem>>, vector<1x16xf32>,
      %get3A_46 = arith.index_cast %scan3A_32 : i32 to index
      %get3A_47 = arith.constant 16 : index
      %get3A_48 = tpu.vector_load %arg7[%get3A_46, %get3A_47] {strides = array<i32>} : memref<64x768xf32, #tpu.memory_space<vmem>>, vector<1x16xf32>,
      %get3A_49 = vector.shape_cast %get3A_48 : vector<1x16xf32> to vector<16xf32>
      %get3A_50 = arith.index_cast %scan3A_32 : i32 to index
      %get3A_51 = arith.constant 16 : index
      %get3A_52 = tpu.vector_load %arg8[%get3A_50, %get3A_51] {strides = array<i32>} : memref<64x768xf32, #tpu.memory_space<vmem>>, vector<1x16xf32>,
      %get3A_53 = vector.shape_cast %get3A_52 : vector<1x16xf32> to vector<16xf32>
      %add3A_54 = arith.addf %get3A_49, %get3A_53 : vector<16xf32>
      %swap3A_55 = arith.index_cast %scan3A_32 : i32 to index
      %swap3A_56 = arith.constant 16 : index
      %swap3A_57 = tpu.vector_load %arg7[%swap3A_55, %swap3A_56] {strides = array<i32>} : memref<64x768xf32, #tpu.memory_space<vmem>>, vector<1x16xf32>,
      %swap3A_58 = vector.shape_cast %swap3A_57 : vector<1x16xf32> to vector<16xf32>
      %swap3A_59 = vector.shape_cast %add3A_54 : vector<16xf32> to vector<1x16xf32>
      tpu.vector_store %arg7[%swap3A_55, %swap3A_56], %swap3A_59 {strides = array<i32>} : memref<64x768xf32, #tpu.memory_space<vmem>>, vector<1x16xf32>,
      %get3A_60 = arith.index_cast %scan3A_32 : i32 to index
      %get3A_61 = arith.constant 32 : index
      %get3A_62 = tpu.vector_load %arg7[%get3A_60, %get3A_61] {strides = array<i32>} : memref<64x768xf32, #tpu.memory_space<vmem>>, vector<1x16xf32>,
      %get3A_63 = vector.shape_cast %get3A_62 : vector<1x16xf32> to vector<16xf32>
      %get3A_64 = arith.index_cast %scan3A_32 : i32 to index
      %get3A_65 = arith.constant 32 : index
      %get3A_66 = tpu.vector_load %arg8[%get3A_64, %get3A_65] {strides = array<i32>} : memref<64x768xf32, #tpu.memory_space<vmem>>, vector<1x16xf32>,
      %get3A_67 = vector.shape_cast %get3A_66 : vector<1x16xf32> to vector<16xf32>
      %add3A_68 = arith.addf %get3A_63, %get3A_67 : vector<16xf32>
      %swap3A_69 = arith.index_cast %scan3A_32 : i32 to index
      %swap3A_70 = arith.constant 32 : index
      %swap3A_71 = tpu.vector_load %arg7[%swap3A_69, %swap3A_70] {strides = array<i32>} : memref<64x768xf32, #tpu.memory_space<vmem>>, vector<1x16xf32>,
      %swap3A_72 = vector.shape_cast %swap3A_71 : vector<1x16xf32> to vector<16xf32>
      %swap3A_73 = vector.shape_cast %add3A_68 : vector<16xf32> to vector<1x16xf32>
      tpu.vector_store %arg7[%swap3A_69, %swap3A_70], %swap3A_73 {strides = array<i32>} : memref<64x768xf32, #tpu.memory_space<vmem>>, vector<1x16xf32>,
      %get3A_74 = arith.index_cast %scan3A_32 : i32 to index
      %get3A_75 = arith.constant 48 : index
      %get3A_76 = tpu.vector_load %arg7[%get3A_74, %get3A_75] {strides = array<i32>} : memref<64x768xf32, #tpu.memory_space<vmem>>, vector<1x16xf32>,
      %get3A_77 = vector.shape_cast %get3A_76 : vector<1x16xf32> to vector<16xf32>
      %get3A_78 = arith.index_cast %scan3A_32 : i32 to index
      %get3A_79 = arith.constant 48 : index
      %get3A_80 = tpu.vector_load %arg8[%get3A_78, %get3A_79] {strides = array<i32>} : memref<64x768xf32, #tpu.memory_space<vmem>>, vector<1x16xf32>,
      %get3A_81 = vector.shape_cast %get3A_80 : vector<1x16xf32> to vector<16xf32>
      %add3A_82 = arith.addf %get3A_77, %get3A_81 : vector<16xf32>
      %swap3A_83 = arith.index_cast %scan3A_32 : i32 to index
      %swap3A_84 = arith.constant 48 : index
      %swap3A_85 = tpu.vector_load %arg7[%swap3A_83, %swap3A_84] {strides = array<i32>} : memref<64x768xf32, #tpu.memory_space<vmem>>, vector<1x16xf32>,
      %swap3A_86 = vector.shape_cast %swap3A_85 : vector<1x16xf32> to vector<16xf32>
      %swap3A_87 = vector.shape_cast %add3A_82 : vector<16xf32> to vector<1x16xf32>
      tpu.vector_store %arg7[%swap3A_83, %swap3A_84], %swap3A_87 {strides = array<i32>} : memref<64x768xf32, #tpu.memory_space<vmem>>, vector<1x16xf32>,
      %get3A_88 = arith.index_cast %scan3A_32 : i32 to index
      %get3A_89 = arith.constant 64 : index
      %get3A_90 = tpu.vector_load %arg7[%get3A_88, %get3A_89] {strides = array<i32>} : memref<64x768xf32, #tpu.memory_space<vmem>>, vector<1x16xf32>,
      %get3A_91 = vector.shape_cast %get3A_90 : vector<1x16xf32> to vector<16xf32>
      %get3A_92 = arith.index_cast %scan3A_32 : i32 to index
      %get3A_93 = arith.constant 64 : index
      %get3A_94 = tpu.vector_load %arg8[%get3A_92, %get3A_93] {strides = array<i32>} : memref<64x768xf32, #tpu.memory_space<vmem>>, vector<1x16xf32>,
      %get3A_95 = vector.shape_cast %get3A_94 : vector<1x16xf32> to vector<16xf32>
      %add3A_96 = arith.addf %get3A_91, %get3A_95 : vector<16xf32>
      %swap3A_97 = arith.index_cast %scan3A_32 : i32 to index
      %swap3A_98 = arith.constant 64 : index
      %swap3A_99 = tpu.vector_load %arg7[%swap3A_97, %swap3A_98] {strides = array<i32>} : memref<64x768xf32, #tpu.memory_space<vmem>>, vector<1x16xf32>,
      %swap3A_100 = vector.shape_cast %swap3A_99 : vector<1x16xf32> to vector<16xf32>
      %swap3A_101 = vector.shape_cast %add3A_96 : vector<16xf32> to vector<1x16xf32>
      tpu.vector_store %arg7[%swap3A_97, %swap3A_98], %swap3A_101 {strides = array<i32>} : memref<64x768xf32, #tpu.memory_space<vmem>>, vector<1x16xf32>,
      %get3A_102 = arith.index_cast %scan3A_32 : i32 to index
      %get3A_103 = arith.constant 80 : index
      %get3A_104 = tpu.vector_load %arg7[%get3A_102, %get3A_103] {strides = array<i32>} : memref<64x768xf32, #tpu.memory_space<vmem>>, vector<1x16xf32>,
      %get3A_105 = vector.shape_cast %get3A_104 : vector<1x16xf32> to vector<16xf32>
      %get3A_106 = arith.index_cast %scan3A_32 : i32 to index
      %get3A_107 = arith.constant 80 : index
      %get3A_108 = tpu.vector_load %arg8[%get3A_106, %get3A_107] {strides = array<i32>} : memref<64x768xf32, #tpu.memory_space<vmem>>, vector<1x16xf32>,
      %get3A_109 = vector.shape_cast %get3A_108 : vector<1x16xf32> to vector<16xf32>
      %add3A_110 = arith.addf %get3A_105, %get3A_109 : vector<16xf32>
      %swap3A_111 = arith.index_cast %scan3A_32 : i32 to index
      %swap3A_112 = arith.constant 80 : index
      %swap3A_113 = tpu.vector_load %arg7[%swap3A_111, %swap3A_112] {strides = array<i32>} : memref<64x768xf32, #tpu.memory_space<vmem>>, vector<1x16xf32>,
      %swap3A_114 = vector.shape_cast %swap3A_113 : vector<1x16xf32> to vector<16xf32>
      %swap3A_115 = vector.shape_cast %add3A_110 : vector<16xf32> to vector<1x16xf32>
      tpu.vector_store %arg7[%swap3A_111, %swap3A_112], %swap3A_115 {strides = array<i32>} : memref<64x768xf32, #tpu.memory_space<vmem>>, vector<1x16xf32>,
      %get3A_116 = arith.index_cast %scan3A_32 : i32 to index
      %get3A_117 = arith.constant 96 : index
      %get3A_118 = tpu.vector_load %arg7[%get3A_116, %get3A_117] {strides = array<i32>} : memref<64x768xf32, #tpu.memory_space<vmem>>, vector<1x16xf32>,
      %get3A_119 = vector.shape_cast %get3A_118 : vector<1x16xf32> to vector<16xf32>
      %get3A_120 = arith.index_cast %scan3A_32 : i32 to index
      %get3A_121 = arith.constant 96 : index
      %get3A_122 = tpu.vector_load %arg8[%get3A_120, %get3A_121] {strides = array<i32>} : memref<64x768xf32, #tpu.memory_space<vmem>>, vector<1x16xf32>,
      %get3A_123 = vector.shape_cast %get3A_122 : vector<1x16xf32> to vector<16xf32>
      %add3A_124 = arith.addf %get3A_119, %get3A_123 : vector<16xf32>
      %swap3A_125 = arith.index_cast %scan3A_32 : i32 to index
      %swap3A_126 = arith.constant 96 : index
      %swap3A_127 = tpu.vector_load %arg7[%swap3A_125, %swap3A_126] {strides = array<i32>} : memref<64x768xf32, #tpu.memory_space<vmem>>, vector<1x16xf32>,
      %swap3A_128 = vector.shape_cast %swap3A_127 : vector<1x16xf32> to vector<16xf32>
      %swap3A_129 = vector.shape_cast %add3A_124 : vector<16xf32> to vector<1x16xf32>
      tpu.vector_store %arg7[%swap3A_125, %swap3A_126], %swap3A_129 {strides = array<i32>} : memref<64x768xf32, #tpu.memory_space<vmem>>, vector<1x16xf32>,
      %get3A_130 = arith.index_cast %scan3A_32 : i32 to index
      %get3A_131 = arith.constant 112 : index
      %get3A_132 = tpu.vector_load %arg7[%get3A_130, %get3A_131] {strides = array<i32>} : memref<64x768xf32, #tpu.memory_space<vmem>>, vector<1x16xf32>,
      %get3A_133 = vector.shape_cast %get3A_132 : vector<1x16xf32> to vector<16xf32>
      %get3A_134 = arith.index_cast %scan3A_32 : i32 to index
      %get3A_135 = arith.constant 112 : index
      %get3A_136 = tpu.vector_load %arg8[%get3A_134, %get3A_135] {strides = array<i32>} : memref<64x768xf32, #tpu.memory_space<vmem>>, vector<1x16xf32>,
      %get3A_137 = vector.shape_cast %get3A_136 : vector<1x16xf32> to vector<16xf32>
      %add3A_138 = arith.addf %get3A_133, %get3A_137 : vector<16xf32>
      %swap3A_139 = arith.index_cast %scan3A_32 : i32 to index
      %swap3A_140 = arith.constant 112 : index
      %swap3A_141 = tpu.vector_load %arg7[%swap3A_139, %swap3A_140] {strides = array<i32>} : memref<64x768xf32, #tpu.memory_space<vmem>>, vector<1x16xf32>,
      %swap3A_142 = vector.shape_cast %swap3A_141 : vector<1x16xf32> to vector<16xf32>
      %swap3A_143 = vector.shape_cast %add3A_138 : vector<16xf32> to vector<1x16xf32>
      tpu.vector_store %arg7[%swap3A_139, %swap3A_140], %swap3A_143 {strides = array<i32>} : memref<64x768xf32, #tpu.memory_space<vmem>>, vector<1x16xf32>,
      %get3A_144 = arith.index_cast %scan3A_32 : i32 to index
      %get3A_145 = arith.constant 128 : index
      %get3A_146 = tpu.vector_load %arg7[%get3A_144, %get3A_145] {strides = array<i32>} : memref<64x768xf32, #tpu.memory_space<vmem>>, vector<1x16xf32>,
      %get3A_147 = vector.shape_cast %get3A_146 : vector<1x16xf32> to vector<16xf32>
      %get3A_148 = arith.index_cast %scan3A_32 : i32 to index
      %get3A_149 = arith.constant 128 : index
      %get3A_150 = tpu.vector_load %arg8[%get3A_148, %get3A_149] {strides = array<i32>} : memref<64x768xf32, #tpu.memory_space<vmem>>, vector<1x16xf32>,
      %get3A_151 = vector.shape_cast %get3A_150 : vector<1x16xf32> to vector<16xf32>
      %add3A_152 = arith.addf %get3A_147, %get3A_151 : vector<16xf32>
      %swap3A_153 = arith.index_cast %scan3A_32 : i32 to index
      %swap3A_154 = arith.constant 128 : index
      %swap3A_155 = tpu.vector_load %arg7[%swap3A_153, %swap3A_154] {strides = array<i32>} : memref<64x768xf32, #tpu.memory_space<vmem>>, vector<1x16xf32>,
      %swap3A_156 = vector.shape_cast %swap3A_155 : vector<1x16xf32> to vector<16xf32>
      %swap3A_157 = vector.shape_cast %add3A_152 : vector<16xf32> to vector<1x16xf32>
      tpu.vector_store %arg7[%swap3A_153, %swap3A_154], %swap3A_157 {strides = array<i32>} : memref<64x768xf32, #tpu.memory_space<vmem>>, vector<1x16xf32>,
      %get3A_158 = arith.index_cast %scan3A_32 : i32 to index
      %get3A_159 = arith.constant 144 : index
      %get3A_160 = tpu.vector_load %arg7[%get3A_158, %get3A_159] {strides = array<i32>} : memref<64x768xf32, #tpu.memory_space<vmem>>, vector<1x16xf32>,
      %get3A_161 = vector.shape_cast %get3A_160 : vector<1x16xf32> to vector<16xf32>
      %get3A_162 = arith.index_cast %scan3A_32 : i32 to index
      %get3A_163 = arith.constant 144 : index
      %get3A_164 = tpu.vector_load %arg8[%get3A_162, %get3A_163] {strides = array<i32>} : memref<64x768xf32, #tpu.memory_space<vmem>>, vector<1x16xf32>,
      %get3A_165 = vector.shape_cast %get3A_164 : vector<1x16xf32> to vector<16xf32>
      %add3A_166 = arith.addf %get3A_161, %get3A_165 : vector<16xf32>
      %swap3A_167 = arith.index_cast %scan3A_32 : i32 to index
      %swap3A_168 = arith.constant 144 : index
      %swap3A_169 = tpu.vector_load %arg7[%swap3A_167, %swap3A_168] {strides = array<i32>} : memref<64x768xf32, #tpu.memory_space<vmem>>, vector<1x16xf32>,
      %swap3A_170 = vector.shape_cast %swap3A_169 : vector<1x16xf32> to vector<16xf32>
      %swap3A_171 = vector.shape_cast %add3A_166 : vector<16xf32> to vector<1x16xf32>
      tpu.vector_store %arg7[%swap3A_167, %swap3A_168], %swap3A_171 {strides = array<i32>} : memref<64x768xf32, #tpu.memory_space<vmem>>, vector<1x16xf32>,
      %get3A_172 = arith.index_cast %scan3A_32 : i32 to index
      %get3A_173 = arith.constant 160 : index
      %get3A_174 = tpu.vector_load %arg7[%get3A_172, %get3A_173] {strides = array<i32>} : memref<64x768xf32, #tpu.memory_space<vmem>>, vector<1x16xf32>,
      %get3A_175 = vector.shape_cast %get3A_174 : vector<1x16xf32> to vector<16xf32>
      %get3A_176 = arith.index_cast %scan3A_32 : i32 to index
      %get3A_177 = arith.constant 160 : index
      %get3A_178 = tpu.vector_load %arg8[%get3A_176, %get3A_177] {strides = array<i32>} : memref<64x768xf32, #tpu.memory_space<vmem>>, vector<1x16xf32>,
      %get3A_179 = vector.shape_cast %get3A_178 : vector<1x16xf32> to vector<16xf32>
      %add3A_180 = arith.addf %get3A_175, %get3A_179 : vector<16xf32>
      %swap3A_181 = arith.index_cast %scan3A_32 : i32 to index
      %swap3A_182 = arith.constant 160 : index
      %swap3A_183 = tpu.vector_load %arg7[%swap3A_181, %swap3A_182] {strides = array<i32>} : memref<64x768xf32, #tpu.memory_space<vmem>>, vector<1x16xf32>,
      %swap3A_184 = vector.shape_cast %swap3A_183 : vector<1x16xf32> to vector<16xf32>
      %swap3A_185 = vector.shape_cast %add3A_180 : vector<16xf32> to vector<1x16xf32>
      tpu.vector_store %arg7[%swap3A_181, %swap3A_182], %swap3A_185 {strides = array<i32>} : memref<64x768xf32, #tpu.memory_space<vmem>>, vector<1x16xf32>,
      %get3A_186 = arith.index_cast %scan3A_32 : i32 to index
      %get3A_187 = arith.constant 176 : index
      %get3A_188 = tpu.vector_load %arg7[%get3A_186, %get3A_187] {strides = array<i32>} : memref<64x768xf32, #tpu.memory_space<vmem>>, vector<1x16xf32>,
      %get3A_189 = vector.shape_cast %get3A_188 : vector<1x16xf32> to vector<16xf32>
      %get3A_190 = arith.index_cast %scan3A_32 : i32 to index
      %get3A_191 = arith.constant 176 : index
      %get3A_192 = tpu.vector_load %arg8[%get3A_190, %get3A_191] {strides = array<i32>} : memref<64x768xf32, #tpu.memory_space<vmem>>, vector<1x16xf32>,
      %get3A_193 = vector.shape_cast %get3A_192 : vector<1x16xf32> to vector<16xf32>
      %add3A_194 = arith.addf %get3A_189, %get3A_193 : vector<16xf32>
      %swap3A_195 = arith.index_cast %scan3A_32 : i32 to index
      %swap3A_196 = arith.constant 176 : index
      %swap3A_197 = tpu.vector_load %arg7[%swap3A_195, %swap3A_196] {strides = array<i32>} : memref<64x768xf32, #tpu.memory_space<vmem>>, vector<1x16xf32>,
      %swap3A_198 = vector.shape_cast %swap3A_197 : vector<1x16xf32> to vector<16xf32>
      %swap3A_199 = vector.shape_cast %add3A_194 : vector<16xf32> to vector<1x16xf32>
      tpu.vector_store %arg7[%swap3A_195, %swap3A_196], %swap3A_199 {strides = array<i32>} : memref<64x768xf32, #tpu.memory_space<vmem>>, vector<1x16xf32>,
      %get3A_200 = arith.index_cast %scan3A_32 : i32 to index
      %get3A_201 = arith.constant 192 : index
      %get3A_202 = tpu.vector_load %arg7[%get3A_200, %get3A_201] {strides = array<i32>} : memref<64x768xf32, #tpu.memory_space<vmem>>, vector<1x16xf32>,
      %get3A_203 = vector.shape_cast %get3A_202 : vector<1x16xf32> to vector<16xf32>
      %get3A_204 = arith.index_cast %scan3A_32 : i32 to index
      %get3A_205 = arith.constant 192 : index
      %get3A_206 = tpu.vector_load %arg8[%get3A_204, %get3A_205] {strides = array<i32>} : memref<64x768xf32, #tpu.memory_space<vmem>>, vector<1x16xf32>,
      %get3A_207 = vector.shape_cast %get3A_206 : vector<1x16xf32> to vector<16xf32>
      %add3A_208 = arith.addf %get3A_203, %get3A_207 : vector<16xf32>
      %swap3A_209 = arith.index_cast %scan3A_32 : i32 to index
      %swap3A_210 = arith.constant 192 : index
      %swap3A_211 = tpu.vector_load %arg7[%swap3A_209, %swap3A_210] {strides = array<i32>} : memref<64x768xf32, #tpu.memory_space<vmem>>, vector<1x16xf32>,
      %swap3A_212 = vector.shape_cast %swap3A_211 : vector<1x16xf32> to vector<16xf32>
      %swap3A_213 = vector.shape_cast %add3A_208 : vector<16xf32> to vector<1x16xf32>
      tpu.vector_store %arg7[%swap3A_209, %swap3A_210], %swap3A_213 {strides = array<i32>} : memref<64x768xf32, #tpu.memory_space<vmem>>, vector<1x16xf32>,
      %get3A_214 = arith.index_cast %scan3A_32 : i32 to index
      %get3A_215 = arith.constant 208 : index
      %get3A_216 = tpu.vector_load %arg7[%get3A_214, %get3A_215] {strides = array<i32>} : memref<64x768xf32, #tpu.memory_space<vmem>>, vector<1x16xf32>,
      %get3A_217 = vector.shape_cast %get3A_216 : vector<1x16xf32> to vector<16xf32>
      %get3A_218 = arith.index_cast %scan3A_32 : i32 to index
      %get3A_219 = arith.constant 208 : index
      %get3A_220 = tpu.vector_load %arg8[%get3A_218, %get3A_219] {strides = array<i32>} : memref<64x768xf32, #tpu.memory_space<vmem>>, vector<1x16xf32>,
      %get3A_221 = vector.shape_cast %get3A_220 : vector<1x16xf32> to vector<16xf32>
      %add3A_222 = arith.addf %get3A_217, %get3A_221 : vector<16xf32>
      %swap3A_223 = arith.index_cast %scan3A_32 : i32 to index
      %swap3A_224 = arith.constant 208 : index
      %swap3A_225 = tpu.vector_load %arg7[%swap3A_223, %swap3A_224] {strides = array<i32>} : memref<64x768xf32, #tpu.memory_space<vmem>>, vector<1x16xf32>,
      %swap3A_226 = vector.shape_cast %swap3A_225 : vector<1x16xf32> to vector<16xf32>
      %swap3A_227 = vector.shape_cast %add3A_222 : vector<16xf32> to vector<1x16xf32>
      tpu.vector_store %arg7[%swap3A_223, %swap3A_224], %swap3A_227 {strides = array<i32>} : memref<64x768xf32, #tpu.memory_space<vmem>>, vector<1x16xf32>,
      %get3A_228 = arith.index_cast %scan3A_32 : i32 to index
      %get3A_229 = arith.constant 224 : index
      %get3A_230 = tpu.vector_load %arg7[%get3A_228, %get3A_229] {strides = array<i32>} : memref<64x768xf32, #tpu.memory_space<vmem>>, vector<1x16xf32>,
      %get3A_231 = vector.shape_cast %get3A_230 : vector<1x16xf32> to vector<16xf32>
      %get3A_232 = arith.index_cast %scan3A_32 : i32 to index
      %get3A_233 = arith.constant 224 : index
      %get3A_234 = tpu.vector_load %arg8[%get3A_232, %get3A_233] {strides = array<i32>} : memref<64x768xf32, #tpu.memory_space<vmem>>, vector<1x16xf32>,
      %get3A_235 = vector.shape_cast %get3A_234 : vector<1x16xf32> to vector<16xf32>
      %add3A_236 = arith.addf %get3A_231, %get3A_235 : vector<16xf32>
      %swap3A_237 = arith.index_cast %scan3A_32 : i32 to index
      %swap3A_238 = arith.constant 224 : index
      %swap3A_239 = tpu.vector_load %arg7[%swap3A_237, %swap3A_238] {strides = array<i32>} : memref<64x768xf32, #tpu.memory_space<vmem>>, vector<1x16xf32>,
      %swap3A_240 = vector.shape_cast %swap3A_239 : vector<1x16xf32> to vector<16xf32>
      %swap3A_241 = vector.shape_cast %add3A_236 : vector<16xf32> to vector<1x16xf32>
      tpu.vector_store %arg7[%swap3A_237, %swap3A_238], %swap3A_241 {strides = array<i32>} : memref<64x768xf32, #tpu.memory_space<vmem>>, vector<1x16xf32>,
      %get3A_242 = arith.index_cast %scan3A_32 : i32 to index
      %get3A_243 = arith.constant 240 : index
      %get3A_244 = tpu.vector_load %arg7[%get3A_242, %get3A_243] {strides = array<i32>} : memref<64x768xf32, #tpu.memory_space<vmem>>, vector<1x16xf32>,
      %get3A_245 = vector.shape_cast %get3A_244 : vector<1x16xf32> to vector<16xf32>
      %get3A_246 = arith.index_cast %scan3A_32 : i32 to index
      %get3A_247 = arith.constant 240 : index
      %get3A_248 = tpu.vector_load %arg8[%get3A_246, %get3A_247] {strides = array<i32>} : memref<64x768xf32, #tpu.memory_space<vmem>>, vector<1x16xf32>,
      %get3A_249 = vector.shape_cast %get3A_248 : vector<1x16xf32> to vector<16xf32>
      %add3A_250 = arith.addf %get3A_245, %get3A_249 : vector<16xf32>
      %swap3A_251 = arith.index_cast %scan3A_32 : i32 to index
      %swap3A_252 = arith.constant 240 : index
      %swap3A_253 = tpu.vector_load %arg7[%swap3A_251, %swap3A_252] {strides = array<i32>} : memref<64x768xf32, #tpu.memory_space<vmem>>, vector<1x16xf32>,
      %swap3A_254 = vector.shape_cast %swap3A_253 : vector<1x16xf32> to vector<16xf32>
      %swap3A_255 = vector.shape_cast %add3A_250 : vector<16xf32> to vector<1x16xf32>
      tpu.vector_store %arg7[%swap3A_251, %swap3A_252], %swap3A_255 {strides = array<i32>} : memref<64x768xf32, #tpu.memory_space<vmem>>, vector<1x16xf32>,
      %get3A_256 = arith.index_cast %scan3A_32 : i32 to index
      %get3A_257 = arith.constant 256 : index
      %get3A_258 = tpu.vector_load %arg7[%get3A_256, %get3A_257] {strides = array<i32>} : memref<64x768xf32, #tpu.memory_space<vmem>>, vector<1x16xf32>,
      %get3A_259 = vector.shape_cast %get3A_258 : vector<1x16xf32> to vector<16xf32>
      %get3A_260 = arith.index_cast %scan3A_32 : i32 to index
      %get3A_261 = arith.constant 256 : index
      %get3A_262 = tpu.vector_load %arg8[%get3A_260, %get3A_261] {strides = array<i32>} : memref<64x768xf32, #tpu.memory_space<vmem>>, vector<1x16xf32>,
      %get3A_263 = vector.shape_cast %get3A_262 : vector<1x16xf32> to vector<16xf32>
      %add3A_264 = arith.addf %get3A_259, %get3A_263 : vector<16xf32>
      %swap3A_265 = arith.index_cast %scan3A_32 : i32 to index
      %swap3A_266 = arith.constant 256 : index
      %swap3A_267 = tpu.vector_load %arg7[%swap3A_265, %swap3A_266] {strides = array<i32>} : memref<64x768xf32, #tpu.memory_space<vmem>>, vector<1x16xf32>,
      %swap3A_268 = vector.shape_cast %swap3A_267 : vector<1x16xf32> to vector<16xf32>
      %swap3A_269 = vector.shape_cast %add3A_264 : vector<16xf32> to vector<1x16xf32>
      tpu.vector_store %arg7[%swap3A_265, %swap3A_266], %swap3A_269 {strides = array<i32>} : memref<64x768xf32, #tpu.memory_space<vmem>>, vector<1x16xf32>,
      %get3A_270 = arith.index_cast %scan3A_32 : i32 to index
      %get3A_271 = arith.constant 272 : index
      %get3A_272 = tpu.vector_load %arg7[%get3A_270, %get3A_271] {strides = array<i32>} : memref<64x768xf32, #tpu.memory_space<vmem>>, vector<1x16xf32>,
      %get3A_273 = vector.shape_cast %get3A_272 : vector<1x16xf32> to vector<16xf32>
      %get3A_274 = arith.index_cast %scan3A_32 : i32 to index
      %get3A_275 = arith.constant 272 : index
      %get3A_276 = tpu.vector_load %arg8[%get3A_274, %get3A_275] {strides = array<i32>} : memref<64x768xf32, #tpu.memory_space<vmem>>, vector<1x16xf32>,
      %get3A_277 = vector.shape_cast %get3A_276 : vector<1x16xf32> to vector<16xf32>
      %add3A_278 = arith.addf %get3A_273, %get3A_277 : vector<16xf32>
      %swap3A_279 = arith.index_cast %scan3A_32 : i32 to index
      %swap3A_280 = arith.constant 272 : index
      %swap3A_281 = tpu.vector_load %arg7[%swap3A_279, %swap3A_280] {strides = array<i32>} : memref<64x768xf32, #tpu.memory_space<vmem>>, vector<1x16xf32>,
      %swap3A_282 = vector.shape_cast %swap3A_281 : vector<1x16xf32> to vector<16xf32>
      %swap3A_283 = vector.shape_cast %add3A_278 : vector<16xf32> to vector<1x16xf32>
      tpu.vector_store %arg7[%swap3A_279, %swap3A_280], %swap3A_283 {strides = array<i32>} : memref<64x768xf32, #tpu.memory_space<vmem>>, vector<1x16xf32>,
      %get3A_284 = arith.index_cast %scan3A_32 : i32 to index
      %get3A_285 = arith.constant 288 : index
      %get3A_286 = tpu.vector_load %arg7[%get3A_284, %get3A_285] {strides = array<i32>} : memref<64x768xf32, #tpu.memory_space<vmem>>, vector<1x16xf32>,
      %get3A_287 = vector.shape_cast %get3A_286 : vector<1x16xf32> to vector<16xf32>
      %get3A_288 = arith.index_cast %scan3A_32 : i32 to index
      %get3A_289 = arith.constant 288 : index
      %get3A_290 = tpu.vector_load %arg8[%get3A_288, %get3A_289] {strides = array<i32>} : memref<64x768xf32, #tpu.memory_space<vmem>>, vector<1x16xf32>,
      %get3A_291 = vector.shape_cast %get3A_290 : vector<1x16xf32> to vector<16xf32>
      %add3A_292 = arith.addf %get3A_287, %get3A_291 : vector<16xf32>
      %swap3A_293 = arith.index_cast %scan3A_32 : i32 to index
      %swap3A_294 = arith.constant 288 : index
      %swap3A_295 = tpu.vector_load %arg7[%swap3A_293, %swap3A_294] {strides = array<i32>} : memref<64x768xf32, #tpu.memory_space<vmem>>, vector<1x16xf32>,
      %swap3A_296 = vector.shape_cast %swap3A_295 : vector<1x16xf32> to vector<16xf32>
      %swap3A_297 = vector.shape_cast %add3A_292 : vector<16xf32> to vector<1x16xf32>
      tpu.vector_store %arg7[%swap3A_293, %swap3A_294], %swap3A_297 {strides = array<i32>} : memref<64x768xf32, #tpu.memory_space<vmem>>, vector<1x16xf32>,
      %get3A_298 = arith.index_cast %scan3A_32 : i32 to index
      %get3A_299 = arith.constant 304 : index
      %get3A_300 = tpu.vector_load %arg7[%get3A_298, %get3A_299] {strides = array<i32>} : memref<64x768xf32, #tpu.memory_space<vmem>>, vector<1x16xf32>,
      %get3A_301 = vector.shape_cast %get3A_300 : vector<1x16xf32> to vector<16xf32>
      %get3A_302 = arith.index_cast %scan3A_32 : i32 to index
      %get3A_303 = arith.constant 304 : index
      %get3A_304 = tpu.vector_load %arg8[%get3A_302, %get3A_303] {strides = array<i32>} : memref<64x768xf32, #tpu.memory_space<vmem>>, vector<1x16xf32>,
      %get3A_305 = vector.shape_cast %get3A_304 : vector<1x16xf32> to vector<16xf32>
      %add3A_306 = arith.addf %get3A_301, %get3A_305 : vector<16xf32>
      %swap3A_307 = arith.index_cast %scan3A_32 : i32 to index
      %swap3A_308 = arith.constant 304 : index
      %swap3A_309 = tpu.vector_load %arg7[%swap3A_307, %swap3A_308] {strides = array<i32>} : memref<64x768xf32, #tpu.memory_space<vmem>>, vector<1x16xf32>,
      %swap3A_310 = vector.shape_cast %swap3A_309 : vector<1x16xf32> to vector<16xf32>
      %swap3A_311 = vector.shape_cast %add3A_306 : vector<16xf32> to vector<1x16xf32>
      tpu.vector_store %arg7[%swap3A_307, %swap3A_308], %swap3A_311 {strides = array<i32>} : memref<64x768xf32, #tpu.memory_space<vmem>>, vector<1x16xf32>,
      %get3A_312 = arith.index_cast %scan3A_32 : i32 to index
      %get3A_313 = arith.constant 320 : index
      %get3A_314 = tpu.vector_load %arg7[%get3A_312, %get3A_313] {strides = array<i32>} : memref<64x768xf32, #tpu.memory_space<vmem>>, vector<1x16xf32>,
      %get3A_315 = vector.shape_cast %get3A_314 : vector<1x16xf32> to vector<16xf32>
      %get3A_316 = arith.index_cast %scan3A_32 : i32 to index
      %get3A_317 = arith.constant 320 : index
      %get3A_318 = tpu.vector_load %arg8[%get3A_316, %get3A_317] {strides = array<i32>} : memref<64x768xf32, #tpu.memory_space<vmem>>, vector<1x16xf32>,
      %get3A_319 = vector.shape_cast %get3A_318 : vector<1x16xf32> to vector<16xf32>
      %add3A_320 = arith.addf %get3A_315, %get3A_319 : vector<16xf32>
      %swap3A_321 = arith.index_cast %scan3A_32 : i32 to index
      %swap3A_322 = arith.constant 320 : index
      %swap3A_323 = tpu.vector_load %arg7[%swap3A_321, %swap3A_322] {strides = array<i32>} : memref<64x768xf32, #tpu.memory_space<vmem>>, vector<1x16xf32>,
      %swap3A_324 = vector.shape_cast %swap3A_323 : vector<1x16xf32> to vector<16xf32>
      %swap3A_325 = vector.shape_cast %add3A_320 : vector<16xf32> to vector<1x16xf32>
      tpu.vector_store %arg7[%swap3A_321, %swap3A_322], %swap3A_325 {strides = array<i32>} : memref<64x768xf32, #tpu.memory_space<vmem>>, vector<1x16xf32>,
      %get3A_326 = arith.index_cast %scan3A_32 : i32 to index
      %get3A_327 = arith.constant 336 : index
      %get3A_328 = tpu.vector_load %arg7[%get3A_326, %get3A_327] {strides = array<i32>} : memref<64x768xf32, #tpu.memory_space<vmem>>, vector<1x16xf32>,
      %get3A_329 = vector.shape_cast %get3A_328 : vector<1x16xf32> to vector<16xf32>
      %get3A_330 = arith.index_cast %scan3A_32 : i32 to index
      %get3A_331 = arith.constant 336 : index
      %get3A_332 = tpu.vector_load %arg8[%get3A_330, %get3A_331] {strides = array<i32>} : memref<64x768xf32, #tpu.memory_space<vmem>>, vector<1x16xf32>,
      %get3A_333 = vector.shape_cast %get3A_332 : vector<1x16xf32> to vector<16xf32>
      %add3A_334 = arith.addf %get3A_329, %get3A_333 : vector<16xf32>
      %swap3A_335 = arith.index_cast %scan3A_32 : i32 to index
      %swap3A_336 = arith.constant 336 : index
      %swap3A_337 = tpu.vector_load %arg7[%swap3A_335, %swap3A_336] {strides = array<i32>} : memref<64x768xf32, #tpu.memory_space<vmem>>, vector<1x16xf32>,
      %swap3A_338 = vector.shape_cast %swap3A_337 : vector<1x16xf32> to vector<16xf32>
      %swap3A_339 = vector.shape_cast %add3A_334 : vector<16xf32> to vector<1x16xf32>
      tpu.vector_store %arg7[%swap3A_335, %swap3A_336], %swap3A_339 {strides = array<i32>} : memref<64x768xf32, #tpu.memory_space<vmem>>, vector<1x16xf32>,
      %get3A_340 = arith.index_cast %scan3A_32 : i32 to index
      %get3A_341 = arith.constant 352 : index
      %get3A_342 = tpu.vector_load %arg7[%get3A_340, %get3A_341] {strides = array<i32>} : memref<64x768xf32, #tpu.memory_space<vmem>>, vector<1x16xf32>,
      %get3A_343 = vector.shape_cast %get3A_342 : vector<1x16xf32> to vector<16xf32>
      %get3A_344 = arith.index_cast %scan3A_32 : i32 to index
      %get3A_345 = arith.constant 352 : index
      %get3A_346 = tpu.vector_load %arg8[%get3A_344, %get3A_345] {strides = array<i32>} : memref<64x768xf32, #tpu.memory_space<vmem>>, vector<1x16xf32>,
      %get3A_347 = vector.shape_cast %get3A_346 : vector<1x16xf32> to vector<16xf32>
      %add3A_348 = arith.addf %get3A_343, %get3A_347 : vector<16xf32>
      %swap3A_349 = arith.index_cast %scan3A_32 : i32 to index
      %swap3A_350 = arith.constant 352 : index
      %swap3A_351 = tpu.vector_load %arg7[%swap3A_349, %swap3A_350] {strides = array<i32>} : memref<64x768xf32, #tpu.memory_space<vmem>>, vector<1x16xf32>,
      %swap3A_352 = vector.shape_cast %swap3A_351 : vector<1x16xf32> to vector<16xf32>
      %swap3A_353 = vector.shape_cast %add3A_348 : vector<16xf32> to vector<1x16xf32>
      tpu.vector_store %arg7[%swap3A_349, %swap3A_350], %swap3A_353 {strides = array<i32>} : memref<64x768xf32, #tpu.memory_space<vmem>>, vector<1x16xf32>,
      %get3A_354 = arith.index_cast %scan3A_32 : i32 to index
      %get3A_355 = arith.constant 368 : index
      %get3A_356 = tpu.vector_load %arg7[%get3A_354, %get3A_355] {strides = array<i32>} : memref<64x768xf32, #tpu.memory_space<vmem>>, vector<1x16xf32>,
      %get3A_357 = vector.shape_cast %get3A_356 : vector<1x16xf32> to vector<16xf32>
      %get3A_358 = arith.index_cast %scan3A_32 : i32 to index
      %get3A_359 = arith.constant 368 : index
      %get3A_360 = tpu.vector_load %arg8[%get3A_358, %get3A_359] {strides = array<i32>} : memref<64x768xf32, #tpu.memory_space<vmem>>, vector<1x16xf32>,
      %get3A_361 = vector.shape_cast %get3A_360 : vector<1x16xf32> to vector<16xf32>
      %add3A_362 = arith.addf %get3A_357, %get3A_361 : vector<16xf32>
      %swap3A_363 = arith.index_cast %scan3A_32 : i32 to index
      %swap3A_364 = arith.constant 368 : index
      %swap3A_365 = tpu.vector_load %arg7[%swap3A_363, %swap3A_364] {strides = array<i32>} : memref<64x768xf32, #tpu.memory_space<vmem>>, vector<1x16xf32>,
      %swap3A_366 = vector.shape_cast %swap3A_365 : vector<1x16xf32> to vector<16xf32>
      %swap3A_367 = vector.shape_cast %add3A_362 : vector<16xf32> to vector<1x16xf32>
      tpu.vector_store %arg7[%swap3A_363, %swap3A_364], %swap3A_367 {strides = array<i32>} : memref<64x768xf32, #tpu.memory_space<vmem>>, vector<1x16xf32>,
      %get3A_368 = arith.index_cast %scan3A_32 : i32 to index
      %get3A_369 = arith.constant 384 : index
      %get3A_370 = tpu.vector_load %arg7[%get3A_368, %get3A_369] {strides = array<i32>} : memref<64x768xf32, #tpu.memory_space<vmem>>, vector<1x16xf32>,
      %get3A_371 = vector.shape_cast %get3A_370 : vector<1x16xf32> to vector<16xf32>
      %get3A_372 = arith.index_cast %scan3A_32 : i32 to index
      %get3A_373 = arith.constant 384 : index
      %get3A_374 = tpu.vector_load %arg8[%get3A_372, %get3A_373] {strides = array<i32>} : memref<64x768xf32, #tpu.memory_space<vmem>>, vector<1x16xf32>,
      %get3A_375 = vector.shape_cast %get3A_374 : vector<1x16xf32> to vector<16xf32>
      %add3A_376 = arith.addf %get3A_371, %get3A_375 : vector<16xf32>
      %swap3A_377 = arith.index_cast %scan3A_32 : i32 to index
      %swap3A_378 = arith.constant 384 : index
      %swap3A_379 = tpu.vector_load %arg7[%swap3A_377, %swap3A_378] {strides = array<i32>} : memref<64x768xf32, #tpu.memory_space<vmem>>, vector<1x16xf32>,
      %swap3A_380 = vector.shape_cast %swap3A_379 : vector<1x16xf32> to vector<16xf32>
      %swap3A_381 = vector.shape_cast %add3A_376 : vector<16xf32> to vector<1x16xf32>
      tpu.vector_store %arg7[%swap3A_377, %swap3A_378], %swap3A_381 {strides = array<i32>} : memref<64x768xf32, #tpu.memory_space<vmem>>, vector<1x16xf32>,
      %get3A_382 = arith.index_cast %scan3A_32 : i32 to index
      %get3A_383 = arith.constant 400 : index
      %get3A_384 = tpu.vector_load %arg7[%get3A_382, %get3A_383] {strides = array<i32>} : memref<64x768xf32, #tpu.memory_space<vmem>>, vector<1x16xf32>,
      %get3A_385 = vector.shape_cast %get3A_384 : vector<1x16xf32> to vector<16xf32>
      %get3A_386 = arith.index_cast %scan3A_32 : i32 to index
      %get3A_387 = arith.constant 400 : index
      %get3A_388 = tpu.vector_load %arg8[%get3A_386, %get3A_387] {strides = array<i32>} : memref<64x768xf32, #tpu.memory_space<vmem>>, vector<1x16xf32>,
      %get3A_389 = vector.shape_cast %get3A_388 : vector<1x16xf32> to vector<16xf32>
      %add3A_390 = arith.addf %get3A_385, %get3A_389 : vector<16xf32>
      %swap3A_391 = arith.index_cast %scan3A_32 : i32 to index
      %swap3A_392 = arith.constant 400 : index
      %swap3A_393 = tpu.vector_load %arg7[%swap3A_391, %swap3A_392] {strides = array<i32>} : memref<64x768xf32, #tpu.memory_space<vmem>>, vector<1x16xf32>,
      %swap3A_394 = vector.shape_cast %swap3A_393 : vector<1x16xf32> to vector<16xf32>
      %swap3A_395 = vector.shape_cast %add3A_390 : vector<16xf32> to vector<1x16xf32>
      tpu.vector_store %arg7[%swap3A_391, %swap3A_392], %swap3A_395 {strides = array<i32>} : memref<64x768xf32, #tpu.memory_space<vmem>>, vector<1x16xf32>,
      %get3A_396 = arith.index_cast %scan3A_32 : i32 to index
      %get3A_397 = arith.constant 416 : index
      %get3A_398 = tpu.vector_load %arg7[%get3A_396, %get3A_397] {strides = array<i32>} : memref<64x768xf32, #tpu.memory_space<vmem>>, vector<1x16xf32>,
      %get3A_399 = vector.shape_cast %get3A_398 : vector<1x16xf32> to vector<16xf32>
      %get3A_400 = arith.index_cast %scan3A_32 : i32 to index
      %get3A_401 = arith.constant 416 : index
      %get3A_402 = tpu.vector_load %arg8[%get3A_400, %get3A_401] {strides = array<i32>} : memref<64x768xf32, #tpu.memory_space<vmem>>, vector<1x16xf32>,
      %get3A_403 = vector.shape_cast %get3A_402 : vector<1x16xf32> to vector<16xf32>
      %add3A_404 = arith.addf %get3A_399, %get3A_403 : vector<16xf32>
      %swap3A_405 = arith.index_cast %scan3A_32 : i32 to index
      %swap3A_406 = arith.constant 416 : index
      %swap3A_407 = tpu.vector_load %arg7[%swap3A_405, %swap3A_406] {strides = array<i32>} : memref<64x768xf32, #tpu.memory_space<vmem>>, vector<1x16xf32>,
      %swap3A_408 = vector.shape_cast %swap3A_407 : vector<1x16xf32> to vector<16xf32>
      %swap3A_409 = vector.shape_cast %add3A_404 : vector<16xf32> to vector<1x16xf32>
      tpu.vector_store %arg7[%swap3A_405, %swap3A_406], %swap3A_409 {strides = array<i32>} : memref<64x768xf32, #tpu.memory_space<vmem>>, vector<1x16xf32>,
      %get3A_410 = arith.index_cast %scan3A_32 : i32 to index
      %get3A_411 = arith.constant 432 : index
      %get3A_412 = tpu.vector_load %arg7[%get3A_410, %get3A_411] {strides = array<i32>} : memref<64x768xf32, #tpu.memory_space<vmem>>, vector<1x16xf32>,
      %get3A_413 = vector.shape_cast %get3A_412 : vector<1x16xf32> to vector<16xf32>
      %get3A_414 = arith.index_cast %scan3A_32 : i32 to index
      %get3A_415 = arith.constant 432 : index
      %get3A_416 = tpu.vector_load %arg8[%get3A_414, %get3A_415] {strides = array<i32>} : memref<64x768xf32, #tpu.memory_space<vmem>>, vector<1x16xf32>,
      %get3A_417 = vector.shape_cast %get3A_416 : vector<1x16xf32> to vector<16xf32>
      %add3A_418 = arith.addf %get3A_413, %get3A_417 : vector<16xf32>
      %swap3A_419 = arith.index_cast %scan3A_32 : i32 to index
      %swap3A_420 = arith.constant 432 : index
      %swap3A_421 = tpu.vector_load %arg7[%swap3A_419, %swap3A_420] {strides = array<i32>} : memref<64x768xf32, #tpu.memory_space<vmem>>, vector<1x16xf32>,
      %swap3A_422 = vector.shape_cast %swap3A_421 : vector<1x16xf32> to vector<16xf32>
      %swap3A_423 = vector.shape_cast %add3A_418 : vector<16xf32> to vector<1x16xf32>
      tpu.vector_store %arg7[%swap3A_419, %swap3A_420], %swap3A_423 {strides = array<i32>} : memref<64x768xf32, #tpu.memory_space<vmem>>, vector<1x16xf32>,
      %get3A_424 = arith.index_cast %scan3A_32 : i32 to index
      %get3A_425 = arith.constant 448 : index
      %get3A_426 = tpu.vector_load %arg7[%get3A_424, %get3A_425] {strides = array<i32>} : memref<64x768xf32, #tpu.memory_space<vmem>>, vector<1x16xf32>,
      %get3A_427 = vector.shape_cast %get3A_426 : vector<1x16xf32> to vector<16xf32>
      %get3A_428 = arith.index_cast %scan3A_32 : i32 to index
      %get3A_429 = arith.constant 448 : index
      %get3A_430 = tpu.vector_load %arg8[%get3A_428, %get3A_429] {strides = array<i32>} : memref<64x768xf32, #tpu.memory_space<vmem>>, vector<1x16xf32>,
      %get3A_431 = vector.shape_cast %get3A_430 : vector<1x16xf32> to vector<16xf32>
      %add3A_432 = arith.addf %get3A_427, %get3A_431 : vector<16xf32>
      %swap3A_433 = arith.index_cast %scan3A_32 : i32 to index
      %swap3A_434 = arith.constant 448 : index
      %swap3A_435 = tpu.vector_load %arg7[%swap3A_433, %swap3A_434] {strides = array<i32>} : memref<64x768xf32, #tpu.memory_space<vmem>>, vector<1x16xf32>,
      %swap3A_436 = vector.shape_cast %swap3A_435 : vector<1x16xf32> to vector<16xf32>
      %swap3A_437 = vector.shape_cast %add3A_432 : vector<16xf32> to vector<1x16xf32>
      tpu.vector_store %arg7[%swap3A_433, %swap3A_434], %swap3A_437 {strides = array<i32>} : memref<64x768xf32, #tpu.memory_space<vmem>>, vector<1x16xf32>,
      %get3A_438 = arith.index_cast %scan3A_32 : i32 to index
      %get3A_439 = arith.constant 464 : index
      %get3A_440 = tpu.vector_load %arg7[%get3A_438, %get3A_439] {strides = array<i32>} : memref<64x768xf32, #tpu.memory_space<vmem>>, vector<1x16xf32>,
      %get3A_441 = vector.shape_cast %get3A_440 : vector<1x16xf32> to vector<16xf32>
      %get3A_442 = arith.index_cast %scan3A_32 : i32 to index
      %get3A_443 = arith.constant 464 : index
      %get3A_444 = tpu.vector_load %arg8[%get3A_442, %get3A_443] {strides = array<i32>} : memref<64x768xf32, #tpu.memory_space<vmem>>, vector<1x16xf32>,
      %get3A_445 = vector.shape_cast %get3A_444 : vector<1x16xf32> to vector<16xf32>
      %add3A_446 = arith.addf %get3A_441, %get3A_445 : vector<16xf32>
      %swap3A_447 = arith.index_cast %scan3A_32 : i32 to index
      %swap3A_448 = arith.constant 464 : index
      %swap3A_449 = tpu.vector_load %arg7[%swap3A_447, %swap3A_448] {strides = array<i32>} : memref<64x768xf32, #tpu.memory_space<vmem>>, vector<1x16xf32>,
      %swap3A_450 = vector.shape_cast %swap3A_449 : vector<1x16xf32> to vector<16xf32>
      %swap3A_451 = vector.shape_cast %add3A_446 : vector<16xf32> to vector<1x16xf32>
      tpu.vector_store %arg7[%swap3A_447, %swap3A_448], %swap3A_451 {strides = array<i32>} : memref<64x768xf32, #tpu.memory_space<vmem>>, vector<1x16xf32>,
      %get3A_452 = arith.index_cast %scan3A_32 : i32 to index
      %get3A_453 = arith.constant 480 : index
      %get3A_454 = tpu.vector_load %arg7[%get3A_452, %get3A_453] {strides = array<i32>} : memref<64x768xf32, #tpu.memory_space<vmem>>, vector<1x16xf32>,
      %get3A_455 = vector.shape_cast %get3A_454 : vector<1x16xf32> to vector<16xf32>
      %get3A_456 = arith.index_cast %scan3A_32 : i32 to index
      %get3A_457 = arith.constant 480 : index
      %get3A_458 = tpu.vector_load %arg8[%get3A_456, %get3A_457] {strides = array<i32>} : memref<64x768xf32, #tpu.memory_space<vmem>>, vector<1x16xf32>,
      %get3A_459 = vector.shape_cast %get3A_458 : vector<1x16xf32> to vector<16xf32>
      %add3A_460 = arith.addf %get3A_455, %get3A_459 : vector<16xf32>
      %swap3A_461 = arith.index_cast %scan3A_32 : i32 to index
      %swap3A_462 = arith.constant 480 : index
      %swap3A_463 = tpu.vector_load %arg7[%swap3A_461, %swap3A_462] {strides = array<i32>} : memref<64x768xf32, #tpu.memory_space<vmem>>, vector<1x16xf32>,
      %swap3A_464 = vector.shape_cast %swap3A_463 : vector<1x16xf32> to vector<16xf32>
      %swap3A_465 = vector.shape_cast %add3A_460 : vector<16xf32> to vector<1x16xf32>
      tpu.vector_store %arg7[%swap3A_461, %swap3A_462], %swap3A_465 {strides = array<i32>} : memref<64x768xf32, #tpu.memory_space<vmem>>, vector<1x16xf32>,
      %get3A_466 = arith.index_cast %scan3A_32 : i32 to index
      %get3A_467 = arith.constant 496 : index
      %get3A_468 = tpu.vector_load %arg7[%get3A_466, %get3A_467] {strides = array<i32>} : memref<64x768xf32, #tpu.memory_space<vmem>>, vector<1x16xf32>,
      %get3A_469 = vector.shape_cast %get3A_468 : vector<1x16xf32> to vector<16xf32>
      %get3A_470 = arith.index_cast %scan3A_32 : i32 to index
      %get3A_471 = arith.constant 496 : index
      %get3A_472 = tpu.vector_load %arg8[%get3A_470, %get3A_471] {strides = array<i32>} : memref<64x768xf32, #tpu.memory_space<vmem>>, vector<1x16xf32>,
      %get3A_473 = vector.shape_cast %get3A_472 : vector<1x16xf32> to vector<16xf32>
      %add3A_474 = arith.addf %get3A_469, %get3A_473 : vector<16xf32>
      %swap3A_475 = arith.index_cast %scan3A_32 : i32 to index
      %swap3A_476 = arith.constant 496 : index
      %swap3A_477 = tpu.vector_load %arg7[%swap3A_475, %swap3A_476] {strides = array<i32>} : memref<64x768xf32, #tpu.memory_space<vmem>>, vector<1x16xf32>,
      %swap3A_478 = vector.shape_cast %swap3A_477 : vector<1x16xf32> to vector<16xf32>
      %swap3A_479 = vector.shape_cast %add3A_474 : vector<16xf32> to vector<1x16xf32>
      tpu.vector_store %arg7[%swap3A_475, %swap3A_476], %swap3A_479 {strides = array<i32>} : memref<64x768xf32, #tpu.memory_space<vmem>>, vector<1x16xf32>,
      %get3A_480 = arith.index_cast %scan3A_32 : i32 to index
      %get3A_481 = arith.constant 512 : index
      %get3A_482 = tpu.vector_load %arg7[%get3A_480, %get3A_481] {strides = array<i32>} : memref<64x768xf32, #tpu.memory_space<vmem>>, vector<1x16xf32>,
      %get3A_483 = vector.shape_cast %get3A_482 : vector<1x16xf32> to vector<16xf32>
      %get3A_484 = arith.index_cast %scan3A_32 : i32 to index
      %get3A_485 = arith.constant 512 : index
      %get3A_486 = tpu.vector_load %arg8[%get3A_484, %get3A_485] {strides = array<i32>} : memref<64x768xf32, #tpu.memory_space<vmem>>, vector<1x16xf32>,
      %get3A_487 = vector.shape_cast %get3A_486 : vector<1x16xf32> to vector<16xf32>
      %add3A_488 = arith.addf %get3A_483, %get3A_487 : vector<16xf32>
      %swap3A_489 = arith.index_cast %scan3A_32 : i32 to index
      %swap3A_490 = arith.constant 512 : index
      %swap3A_491 = tpu.vector_load %arg7[%swap3A_489, %swap3A_490] {strides = array<i32>} : memref<64x768xf32, #tpu.memory_space<vmem>>, vector<1x16xf32>,
      %swap3A_492 = vector.shape_cast %swap3A_491 : vector<1x16xf32> to vector<16xf32>
      %swap3A_493 = vector.shape_cast %add3A_488 : vector<16xf32> to vector<1x16xf32>
      tpu.vector_store %arg7[%swap3A_489, %swap3A_490], %swap3A_493 {strides = array<i32>} : memref<64x768xf32, #tpu.memory_space<vmem>>, vector<1x16xf32>,
      %get3A_494 = arith.index_cast %scan3A_32 : i32 to index
      %get3A_495 = arith.constant 528 : index
      %get3A_496 = tpu.vector_load %arg7[%get3A_494, %get3A_495] {strides = array<i32>} : memref<64x768xf32, #tpu.memory_space<vmem>>, vector<1x16xf32>,
      %get3A_497 = vector.shape_cast %get3A_496 : vector<1x16xf32> to vector<16xf32>
      %get3A_498 = arith.index_cast %scan3A_32 : i32 to index
      %get3A_499 = arith.constant 528 : index
      %get3A_500 = tpu.vector_load %arg8[%get3A_498, %get3A_499] {strides = array<i32>} : memref<64x768xf32, #tpu.memory_space<vmem>>, vector<1x16xf32>,
      %get3A_501 = vector.shape_cast %get3A_500 : vector<1x16xf32> to vector<16xf32>
      %add3A_502 = arith.addf %get3A_497, %get3A_501 : vector<16xf32>
      %swap3A_503 = arith.index_cast %scan3A_32 : i32 to index
      %swap3A_504 = arith.constant 528 : index
      %swap3A_505 = tpu.vector_load %arg7[%swap3A_503, %swap3A_504] {strides = array<i32>} : memref<64x768xf32, #tpu.memory_space<vmem>>, vector<1x16xf32>,
      %swap3A_506 = vector.shape_cast %swap3A_505 : vector<1x16xf32> to vector<16xf32>
      %swap3A_507 = vector.shape_cast %add3A_502 : vector<16xf32> to vector<1x16xf32>
      tpu.vector_store %arg7[%swap3A_503, %swap3A_504], %swap3A_507 {strides = array<i32>} : memref<64x768xf32, #tpu.memory_space<vmem>>, vector<1x16xf32>,
      %get3A_508 = arith.index_cast %scan3A_32 : i32 to index
      %get3A_509 = arith.constant 544 : index
      %get3A_510 = tpu.vector_load %arg7[%get3A_508, %get3A_509] {strides = array<i32>} : memref<64x768xf32, #tpu.memory_space<vmem>>, vector<1x16xf32>,
      %get3A_511 = vector.shape_cast %get3A_510 : vector<1x16xf32> to vector<16xf32>
      %get3A_512 = arith.index_cast %scan3A_32 : i32 to index
      %get3A_513 = arith.constant 544 : index
      %get3A_514 = tpu.vector_load %arg8[%get3A_512, %get3A_513] {strides = array<i32>} : memref<64x768xf32, #tpu.memory_space<vmem>>, vector<1x16xf32>,
      %get3A_515 = vector.shape_cast %get3A_514 : vector<1x16xf32> to vector<16xf32>
      %add3A_516 = arith.addf %get3A_511, %get3A_515 : vector<16xf32>
      %swap3A_517 = arith.index_cast %scan3A_32 : i32 to index
      %swap3A_518 = arith.constant 544 : index
      %swap3A_519 = tpu.vector_load %arg7[%swap3A_517, %swap3A_518] {strides = array<i32>} : memref<64x768xf32, #tpu.memory_space<vmem>>, vector<1x16xf32>,
      %swap3A_520 = vector.shape_cast %swap3A_519 : vector<1x16xf32> to vector<16xf32>
      %swap3A_521 = vector.shape_cast %add3A_516 : vector<16xf32> to vector<1x16xf32>
      tpu.vector_store %arg7[%swap3A_517, %swap3A_518], %swap3A_521 {strides = array<i32>} : memref<64x768xf32, #tpu.memory_space<vmem>>, vector<1x16xf32>,
      %get3A_522 = arith.index_cast %scan3A_32 : i32 to index
      %get3A_523 = arith.constant 560 : index
      %get3A_524 = tpu.vector_load %arg7[%get3A_522, %get3A_523] {strides = array<i32>} : memref<64x768xf32, #tpu.memory_space<vmem>>, vector<1x16xf32>,
      %get3A_525 = vector.shape_cast %get3A_524 : vector<1x16xf32> to vector<16xf32>
      %get3A_526 = arith.index_cast %scan3A_32 : i32 to index
      %get3A_527 = arith.constant 560 : index
      %get3A_528 = tpu.vector_load %arg8[%get3A_526, %get3A_527] {strides = array<i32>} : memref<64x768xf32, #tpu.memory_space<vmem>>, vector<1x16xf32>,
      %get3A_529 = vector.shape_cast %get3A_528 : vector<1x16xf32> to vector<16xf32>
      %add3A_530 = arith.addf %get3A_525, %get3A_529 : vector<16xf32>
      %swap3A_531 = arith.index_cast %scan3A_32 : i32 to index
      %swap3A_532 = arith.constant 560 : index
      %swap3A_533 = tpu.vector_load %arg7[%swap3A_531, %swap3A_532] {strides = array<i32>} : memref<64x768xf32, #tpu.memory_space<vmem>>, vector<1x16xf32>,
      %swap3A_534 = vector.shape_cast %swap3A_533 : vector<1x16xf32> to vector<16xf32>
      %swap3A_535 = vector.shape_cast %add3A_530 : vector<16xf32> to vector<1x16xf32>
      tpu.vector_store %arg7[%swap3A_531, %swap3A_532], %swap3A_535 {strides = array<i32>} : memref<64x768xf32, #tpu.memory_space<vmem>>, vector<1x16xf32>,
      %get3A_536 = arith.index_cast %scan3A_32 : i32 to index
      %get3A_537 = arith.constant 576 : index
      %get3A_538 = tpu.vector_load %arg7[%get3A_536, %get3A_537] {strides = array<i32>} : memref<64x768xf32, #tpu.memory_space<vmem>>, vector<1x16xf32>,
      %get3A_539 = vector.shape_cast %get3A_538 : vector<1x16xf32> to vector<16xf32>
      %get3A_540 = arith.index_cast %scan3A_32 : i32 to index
      %get3A_541 = arith.constant 576 : index
      %get3A_542 = tpu.vector_load %arg8[%get3A_540, %get3A_541] {strides = array<i32>} : memref<64x768xf32, #tpu.memory_space<vmem>>, vector<1x16xf32>,
      %get3A_543 = vector.shape_cast %get3A_542 : vector<1x16xf32> to vector<16xf32>
      %add3A_544 = arith.addf %get3A_539, %get3A_543 : vector<16xf32>
      %swap3A_545 = arith.index_cast %scan3A_32 : i32 to index
      %swap3A_546 = arith.constant 576 : index
      %swap3A_547 = tpu.vector_load %arg7[%swap3A_545, %swap3A_546] {strides = array<i32>} : memref<64x768xf32, #tpu.memory_space<vmem>>, vector<1x16xf32>,
      %swap3A_548 = vector.shape_cast %swap3A_547 : vector<1x16xf32> to vector<16xf32>
      %swap3A_549 = vector.shape_cast %add3A_544 : vector<16xf32> to vector<1x16xf32>
      tpu.vector_store %arg7[%swap3A_545, %swap3A_546], %swap3A_549 {strides = array<i32>} : memref<64x768xf32, #tpu.memory_space<vmem>>, vector<1x16xf32>,
      %get3A_550 = arith.index_cast %scan3A_32 : i32 to index
      %get3A_551 = arith.constant 592 : index
      %get3A_552 = tpu.vector_load %arg7[%get3A_550, %get3A_551] {strides = array<i32>} : memref<64x768xf32, #tpu.memory_space<vmem>>, vector<1x16xf32>,
      %get3A_553 = vector.shape_cast %get3A_552 : vector<1x16xf32> to vector<16xf32>
      %get3A_554 = arith.index_cast %scan3A_32 : i32 to index
      %get3A_555 = arith.constant 592 : index
      %get3A_556 = tpu.vector_load %arg8[%get3A_554, %get3A_555] {strides = array<i32>} : memref<64x768xf32, #tpu.memory_space<vmem>>, vector<1x16xf32>,
      %get3A_557 = vector.shape_cast %get3A_556 : vector<1x16xf32> to vector<16xf32>
      %add3A_558 = arith.addf %get3A_553, %get3A_557 : vector<16xf32>
      %swap3A_559 = arith.index_cast %scan3A_32 : i32 to index
      %swap3A_560 = arith.constant 592 : index
      %swap3A_561 = tpu.vector_load %arg7[%swap3A_559, %swap3A_560] {strides = array<i32>} : memref<64x768xf32, #tpu.memory_space<vmem>>, vector<1x16xf32>,
      %swap3A_562 = vector.shape_cast %swap3A_561 : vector<1x16xf32> to vector<16xf32>
      %swap3A_563 = vector.shape_cast %add3A_558 : vector<16xf32> to vector<1x16xf32>
      tpu.vector_store %arg7[%swap3A_559, %swap3A_560], %swap3A_563 {strides = array<i32>} : memref<64x768xf32, #tpu.memory_space<vmem>>, vector<1x16xf32>,
      %get3A_564 = arith.index_cast %scan3A_32 : i32 to index
      %get3A_565 = arith.constant 608 : index
      %get3A_566 = tpu.vector_load %arg7[%get3A_564, %get3A_565] {strides = array<i32>} : memref<64x768xf32, #tpu.memory_space<vmem>>, vector<1x16xf32>,
      %get3A_567 = vector.shape_cast %get3A_566 : vector<1x16xf32> to vector<16xf32>
      %get3A_568 = arith.index_cast %scan3A_32 : i32 to index
      %get3A_569 = arith.constant 608 : index
      %get3A_570 = tpu.vector_load %arg8[%get3A_568, %get3A_569] {strides = array<i32>} : memref<64x768xf32, #tpu.memory_space<vmem>>, vector<1x16xf32>,
      %get3A_571 = vector.shape_cast %get3A_570 : vector<1x16xf32> to vector<16xf32>
      %add3A_572 = arith.addf %get3A_567, %get3A_571 : vector<16xf32>
      %swap3A_573 = arith.index_cast %scan3A_32 : i32 to index
      %swap3A_574 = arith.constant 608 : index
      %swap3A_575 = tpu.vector_load %arg7[%swap3A_573, %swap3A_574] {strides = array<i32>} : memref<64x768xf32, #tpu.memory_space<vmem>>, vector<1x16xf32>,
      %swap3A_576 = vector.shape_cast %swap3A_575 : vector<1x16xf32> to vector<16xf32>
      %swap3A_577 = vector.shape_cast %add3A_572 : vector<16xf32> to vector<1x16xf32>
      tpu.vector_store %arg7[%swap3A_573, %swap3A_574], %swap3A_577 {strides = array<i32>} : memref<64x768xf32, #tpu.memory_space<vmem>>, vector<1x16xf32>,
      %get3A_578 = arith.index_cast %scan3A_32 : i32 to index
      %get3A_579 = arith.constant 624 : index
      %get3A_580 = tpu.vector_load %arg7[%get3A_578, %get3A_579] {strides = array<i32>} : memref<64x768xf32, #tpu.memory_space<vmem>>, vector<1x16xf32>,
      %get3A_581 = vector.shape_cast %get3A_580 : vector<1x16xf32> to vector<16xf32>
      %get3A_582 = arith.index_cast %scan3A_32 : i32 to index
      %get3A_583 = arith.constant 624 : index
      %get3A_584 = tpu.vector_load %arg8[%get3A_582, %get3A_583] {strides = array<i32>} : memref<64x768xf32, #tpu.memory_space<vmem>>, vector<1x16xf32>,
      %get3A_585 = vector.shape_cast %get3A_584 : vector<1x16xf32> to vector<16xf32>
      %add3A_586 = arith.addf %get3A_581, %get3A_585 : vector<16xf32>
      %swap3A_587 = arith.index_cast %scan3A_32 : i32 to index
      %swap3A_588 = arith.constant 624 : index
      %swap3A_589 = tpu.vector_load %arg7[%swap3A_587, %swap3A_588] {strides = array<i32>} : memref<64x768xf32, #tpu.memory_space<vmem>>, vector<1x16xf32>,
      %swap3A_590 = vector.shape_cast %swap3A_589 : vector<1x16xf32> to vector<16xf32>
      %swap3A_591 = vector.shape_cast %add3A_586 : vector<16xf32> to vector<1x16xf32>
      tpu.vector_store %arg7[%swap3A_587, %swap3A_588], %swap3A_591 {strides = array<i32>} : memref<64x768xf32, #tpu.memory_space<vmem>>, vector<1x16xf32>,
      %get3A_592 = arith.index_cast %scan3A_32 : i32 to index
      %get3A_593 = arith.constant 640 : index
      %get3A_594 = tpu.vector_load %arg7[%get3A_592, %get3A_593] {strides = array<i32>} : memref<64x768xf32, #tpu.memory_space<vmem>>, vector<1x16xf32>,
      %get3A_595 = vector.shape_cast %get3A_594 : vector<1x16xf32> to vector<16xf32>
      %get3A_596 = arith.index_cast %scan3A_32 : i32 to index
      %get3A_597 = arith.constant 640 : index
      %get3A_598 = tpu.vector_load %arg8[%get3A_596, %get3A_597] {strides = array<i32>} : memref<64x768xf32, #tpu.memory_space<vmem>>, vector<1x16xf32>,
      %get3A_599 = vector.shape_cast %get3A_598 : vector<1x16xf32> to vector<16xf32>
      %add3A_600 = arith.addf %get3A_595, %get3A_599 : vector<16xf32>
      %swap3A_601 = arith.index_cast %scan3A_32 : i32 to index
      %swap3A_602 = arith.constant 640 : index
      %swap3A_603 = tpu.vector_load %arg7[%swap3A_601, %swap3A_602] {strides = array<i32>} : memref<64x768xf32, #tpu.memory_space<vmem>>, vector<1x16xf32>,
      %swap3A_604 = vector.shape_cast %swap3A_603 : vector<1x16xf32> to vector<16xf32>
      %swap3A_605 = vector.shape_cast %add3A_600 : vector<16xf32> to vector<1x16xf32>
      tpu.vector_store %arg7[%swap3A_601, %swap3A_602], %swap3A_605 {strides = array<i32>} : memref<64x768xf32, #tpu.memory_space<vmem>>, vector<1x16xf32>,
      %get3A_606 = arith.index_cast %scan3A_32 : i32 to index
      %get3A_607 = arith.constant 656 : index
      %get3A_608 = tpu.vector_load %arg7[%get3A_606, %get3A_607] {strides = array<i32>} : memref<64x768xf32, #tpu.memory_space<vmem>>, vector<1x16xf32>,
      %get3A_609 = vector.shape_cast %get3A_608 : vector<1x16xf32> to vector<16xf32>
      %get3A_610 = arith.index_cast %scan3A_32 : i32 to index
      %get3A_611 = arith.constant 656 : index
      %get3A_612 = tpu.vector_load %arg8[%get3A_610, %get3A_611] {strides = array<i32>} : memref<64x768xf32, #tpu.memory_space<vmem>>, vector<1x16xf32>,
      %get3A_613 = vector.shape_cast %get3A_612 : vector<1x16xf32> to vector<16xf32>
      %add3A_614 = arith.addf %get3A_609, %get3A_613 : vector<16xf32>
      %swap3A_615 = arith.index_cast %scan3A_32 : i32 to index
      %swap3A_616 = arith.constant 656 : index
      %swap3A_617 = tpu.vector_load %arg7[%swap3A_615, %swap3A_616] {strides = array<i32>} : memref<64x768xf32, #tpu.memory_space<vmem>>, vector<1x16xf32>,
      %swap3A_618 = vector.shape_cast %swap3A_617 : vector<1x16xf32> to vector<16xf32>
      %swap3A_619 = vector.shape_cast %add3A_614 : vector<16xf32> to vector<1x16xf32>
      tpu.vector_store %arg7[%swap3A_615, %swap3A_616], %swap3A_619 {strides = array<i32>} : memref<64x768xf32, #tpu.memory_space<vmem>>, vector<1x16xf32>,
      %get3A_620 = arith.index_cast %scan3A_32 : i32 to index
      %get3A_621 = arith.constant 672 : index
      %get3A_622 = tpu.vector_load %arg7[%get3A_620, %get3A_621] {strides = array<i32>} : memref<64x768xf32, #tpu.memory_space<vmem>>, vector<1x16xf32>,
      %get3A_623 = vector.shape_cast %get3A_622 : vector<1x16xf32> to vector<16xf32>
      %get3A_624 = arith.index_cast %scan3A_32 : i32 to index
      %get3A_625 = arith.constant 672 : index
      %get3A_626 = tpu.vector_load %arg8[%get3A_624, %get3A_625] {strides = array<i32>} : memref<64x768xf32, #tpu.memory_space<vmem>>, vector<1x16xf32>,
      %get3A_627 = vector.shape_cast %get3A_626 : vector<1x16xf32> to vector<16xf32>
      %add3A_628 = arith.addf %get3A_623, %get3A_627 : vector<16xf32>
      %swap3A_629 = arith.index_cast %scan3A_32 : i32 to index
      %swap3A_630 = arith.constant 672 : index
      %swap3A_631 = tpu.vector_load %arg7[%swap3A_629, %swap3A_630] {strides = array<i32>} : memref<64x768xf32, #tpu.memory_space<vmem>>, vector<1x16xf32>,
      %swap3A_632 = vector.shape_cast %swap3A_631 : vector<1x16xf32> to vector<16xf32>
      %swap3A_633 = vector.shape_cast %add3A_628 : vector<16xf32> to vector<1x16xf32>
      tpu.vector_store %arg7[%swap3A_629, %swap3A_630], %swap3A_633 {strides = array<i32>} : memref<64x768xf32, #tpu.memory_space<vmem>>, vector<1x16xf32>,
      %get3A_634 = arith.index_cast %scan3A_32 : i32 to index
      %get3A_635 = arith.constant 688 : index
      %get3A_636 = tpu.vector_load %arg7[%get3A_634, %get3A_635] {strides = array<i32>} : memref<64x768xf32, #tpu.memory_space<vmem>>, vector<1x16xf32>,
      %get3A_637 = vector.shape_cast %get3A_636 : vector<1x16xf32> to vector<16xf32>
      %get3A_638 = arith.index_cast %scan3A_32 : i32 to index
      %get3A_639 = arith.constant 688 : index
      %get3A_640 = tpu.vector_load %arg8[%get3A_638, %get3A_639] {strides = array<i32>} : memref<64x768xf32, #tpu.memory_space<vmem>>, vector<1x16xf32>,
      %get3A_641 = vector.shape_cast %get3A_640 : vector<1x16xf32> to vector<16xf32>
      %add3A_642 = arith.addf %get3A_637, %get3A_641 : vector<16xf32>
      %swap3A_643 = arith.index_cast %scan3A_32 : i32 to index
      %swap3A_644 = arith.constant 688 : index
      %swap3A_645 = tpu.vector_load %arg7[%swap3A_643, %swap3A_644] {strides = array<i32>} : memref<64x768xf32, #tpu.memory_space<vmem>>, vector<1x16xf32>,
      %swap3A_646 = vector.shape_cast %swap3A_645 : vector<1x16xf32> to vector<16xf32>
      %swap3A_647 = vector.shape_cast %add3A_642 : vector<16xf32> to vector<1x16xf32>
      tpu.vector_store %arg7[%swap3A_643, %swap3A_644], %swap3A_647 {strides = array<i32>} : memref<64x768xf32, #tpu.memory_space<vmem>>, vector<1x16xf32>,
      %get3A_648 = arith.index_cast %scan3A_32 : i32 to index
      %get3A_649 = arith.constant 704 : index
      %get3A_650 = tpu.vector_load %arg7[%get3A_648, %get3A_649] {strides = array<i32>} : memref<64x768xf32, #tpu.memory_space<vmem>>, vector<1x16xf32>,
      %get3A_651 = vector.shape_cast %get3A_650 : vector<1x16xf32> to vector<16xf32>
      %get3A_652 = arith.index_cast %scan3A_32 : i32 to index
      %get3A_653 = arith.constant 704 : index
      %get3A_654 = tpu.vector_load %arg8[%get3A_652, %get3A_653] {strides = array<i32>} : memref<64x768xf32, #tpu.memory_space<vmem>>, vector<1x16xf32>,
      %get3A_655 = vector.shape_cast %get3A_654 : vector<1x16xf32> to vector<16xf32>
      %add3A_656 = arith.addf %get3A_651, %get3A_655 : vector<16xf32>
      %swap3A_657 = arith.index_cast %scan3A_32 : i32 to index
      %swap3A_658 = arith.constant 704 : index
      %swap3A_659 = tpu.vector_load %arg7[%swap3A_657, %swap3A_658] {strides = array<i32>} : memref<64x768xf32, #tpu.memory_space<vmem>>, vector<1x16xf32>,
      %swap3A_660 = vector.shape_cast %swap3A_659 : vector<1x16xf32> to vector<16xf32>
      %swap3A_661 = vector.shape_cast %add3A_656 : vector<16xf32> to vector<1x16xf32>
      tpu.vector_store %arg7[%swap3A_657, %swap3A_658], %swap3A_661 {strides = array<i32>} : memref<64x768xf32, #tpu.memory_space<vmem>>, vector<1x16xf32>,
      %get3A_662 = arith.index_cast %scan3A_32 : i32 to index
      %get3A_663 = arith.constant 720 : index
      %get3A_664 = tpu.vector_load %arg7[%get3A_662, %get3A_663] {strides = array<i32>} : memref<64x768xf32, #tpu.memory_space<vmem>>, vector<1x16xf32>,
      %get3A_665 = vector.shape_cast %get3A_664 : vector<1x16xf32> to vector<16xf32>
      %get3A_666 = arith.index_cast %scan3A_32 : i32 to index
      %get3A_667 = arith.constant 720 : index
      %get3A_668 = tpu.vector_load %arg8[%get3A_666, %get3A_667] {strides = array<i32>} : memref<64x768xf32, #tpu.memory_space<vmem>>, vector<1x16xf32>,
      %get3A_669 = vector.shape_cast %get3A_668 : vector<1x16xf32> to vector<16xf32>
      %add3A_670 = arith.addf %get3A_665, %get3A_669 : vector<16xf32>
      %swap3A_671 = arith.index_cast %scan3A_32 : i32 to index
      %swap3A_672 = arith.constant 720 : index
      %swap3A_673 = tpu.vector_load %arg7[%swap3A_671, %swap3A_672] {strides = array<i32>} : memref<64x768xf32, #tpu.memory_space<vmem>>, vector<1x16xf32>,
      %swap3A_674 = vector.shape_cast %swap3A_673 : vector<1x16xf32> to vector<16xf32>
      %swap3A_675 = vector.shape_cast %add3A_670 : vector<16xf32> to vector<1x16xf32>
      tpu.vector_store %arg7[%swap3A_671, %swap3A_672], %swap3A_675 {strides = array<i32>} : memref<64x768xf32, #tpu.memory_space<vmem>>, vector<1x16xf32>,
      %get3A_676 = arith.index_cast %scan3A_32 : i32 to index
      %get3A_677 = arith.constant 736 : index
      %get3A_678 = tpu.vector_load %arg7[%get3A_676, %get3A_677] {strides = array<i32>} : memref<64x768xf32, #tpu.memory_space<vmem>>, vector<1x16xf32>,
      %get3A_679 = vector.shape_cast %get3A_678 : vector<1x16xf32> to vector<16xf32>
      %get3A_680 = arith.index_cast %scan3A_32 : i32 to index
      %get3A_681 = arith.constant 736 : index
      %get3A_682 = tpu.vector_load %arg8[%get3A_680, %get3A_681] {strides = array<i32>} : memref<64x768xf32, #tpu.memory_space<vmem>>, vector<1x16xf32>,
      %get3A_683 = vector.shape_cast %get3A_682 : vector<1x16xf32> to vector<16xf32>
      %add3A_684 = arith.addf %get3A_679, %get3A_683 : vector<16xf32>
      %swap3A_685 = arith.index_cast %scan3A_32 : i32 to index
      %swap3A_686 = arith.constant 736 : index
      %swap3A_687 = tpu.vector_load %arg7[%swap3A_685, %swap3A_686] {strides = array<i32>} : memref<64x768xf32, #tpu.memory_space<vmem>>, vector<1x16xf32>,
      %swap3A_688 = vector.shape_cast %swap3A_687 : vector<1x16xf32> to vector<16xf32>
      %swap3A_689 = vector.shape_cast %add3A_684 : vector<16xf32> to vector<1x16xf32>
      tpu.vector_store %arg7[%swap3A_685, %swap3A_686], %swap3A_689 {strides = array<i32>} : memref<64x768xf32, #tpu.memory_space<vmem>>, vector<1x16xf32>,
      %get3A_690 = arith.index_cast %scan3A_32 : i32 to index
      %get3A_691 = arith.constant 752 : index
      %get3A_692 = tpu.vector_load %arg7[%get3A_690, %get3A_691] {strides = array<i32>} : memref<64x768xf32, #tpu.memory_space<vmem>>, vector<1x16xf32>,
      %get3A_693 = vector.shape_cast %get3A_692 : vector<1x16xf32> to vector<16xf32>
      %get3A_694 = arith.index_cast %scan3A_32 : i32 to index
      %get3A_695 = arith.constant 752 : index
      %get3A_696 = tpu.vector_load %arg8[%get3A_694, %get3A_695] {strides = array<i32>} : memref<64x768xf32, #tpu.memory_space<vmem>>, vector<1x16xf32>,
      %get3A_697 = vector.shape_cast %get3A_696 : vector<1x16xf32> to vector<16xf32>
      %add3A_698 = arith.addf %get3A_693, %get3A_697 : vector<16xf32>
      %swap3A_699 = arith.index_cast %scan3A_32 : i32 to index
      %swap3A_700 = arith.constant 752 : index
      %swap3A_701 = tpu.vector_load %arg7[%swap3A_699, %swap3A_700] {strides = array<i32>} : memref<64x768xf32, #tpu.memory_space<vmem>>, vector<1x16xf32>,
      %swap3A_702 = vector.shape_cast %swap3A_701 : vector<1x16xf32> to vector<16xf32>
      %swap3A_703 = vector.shape_cast %add3A_698 : vector<16xf32> to vector<1x16xf32>
      tpu.vector_store %arg7[%swap3A_699, %swap3A_700], %swap3A_703 {strides = array<i32>} : memref<64x768xf32, #tpu.memory_space<vmem>>, vector<1x16xf32>,
      %scan3A_704 = arith.constant 0 : i32
      scf.yield %scan3A_704 : i32
    }
    %scan3A_14 = arith.constant 64 : i32
    "tpu.region"() ({
      %run_scoped3A = tpu.sem_alloc : memref<!tpu.dma_semaphore, #tpu.memory_space<semaphore_mem>>
      %dma_start3A_32 = arith.constant 0 : i32
      %dma_start3A_33 = tpu.memref_slice %arg5[%add3A_4, %dma_start3A_32] : memref<4096x768xf32, #tpu.memory_space<hbm>> -> memref<64x768xf32, #tpu.memory_space<hbm>>
      %dma_start3A_34 = arith.constant 0 : i32
      %dma_start3A_35 = tpu.memref_slice %arg5[%add3A_4, %dma_start3A_34] : memref<4096x768xf32, #tpu.memory_space<hbm>> -> memref<64x768xf32, #tpu.memory_space<hbm>>
      tpu.enqueue_dma source(%arg7 : memref<64x768xf32, #tpu.memory_space<vmem>>) target(%dma_start3A_35 : memref<64x768xf32, #tpu.memory_space<hbm>>) target_semaphore(%run_scoped3A : memref<!tpu.dma_semaphore, #tpu.memory_space<semaphore_mem>>)
      %dma_wait3A_36 = arith.constant 0 : i32
      %dma_wait3A_37 = tpu.memref_slice %arg5[%add3A_4, %dma_wait3A_36] : memref<4096x768xf32, #tpu.memory_space<hbm>> -> memref<64x768xf32, #tpu.memory_space<hbm>>
      %dma_wait3A_38 = arith.constant 0 : i32
      %dma_wait3A_39 = tpu.memref_slice %arg5[%add3A_4, %dma_wait3A_38] : memref<4096x768xf32, #tpu.memory_space<hbm>> -> memref<64x768xf32, #tpu.memory_space<hbm>>
      tpu.wait_dma2 semaphore(%run_scoped3A : memref<!tpu.dma_semaphore, #tpu.memory_space<semaphore_mem>>) src(%arg7 : memref<64x768xf32, #tpu.memory_space<vmem>>) dst(%dma_wait3A_39 : memref<64x768xf32, #tpu.memory_space<hbm>>)
      tpu.yield
    }) : () -> ()
    %mul3A_15 = arith.constant 128 : i32
    %mul3A_16 = arith.muli %add3A, %mul3A_15 : i32
    %add3A_17 = arith.constant 64 : i32
    %add3A_18 = arith.addi %mul3A_16, %add3A_17 : i32
    "tpu.region"() ({
      %run_scoped3A = tpu.sem_alloc : memref<!tpu.dma_semaphore, #tpu.memory_space<semaphore_mem>>
      %dma_start3A_32 = tpu.memref_slice %arg3[%add3A_18] : memref<4096xi32, #tpu.memory_space<hbm>> -> memref<64xi32, #tpu.memory_space<hbm>>
      %dma_start3A_33 = tpu.memref_slice %arg3[%add3A_18] : memref<4096xi32, #tpu.memory_space<hbm>> -> memref<64xi32, #tpu.memory_space<hbm>>
      tpu.enqueue_dma source(%dma_start3A_33 : memref<64xi32, #tpu.memory_space<hbm>>) target(%arg6 : memref<64xi32, #tpu.memory_space<vmem>>) target_semaphore(%run_scoped3A : memref<!tpu.dma_semaphore, #tpu.memory_space<semaphore_mem>>)
      %dma_wait3A_34 = tpu.memref_slice %arg3[%add3A_18] : memref<4096xi32, #tpu.memory_space<hbm>> -> memref<64xi32, #tpu.memory_space<hbm>>
      %dma_wait3A_35 = tpu.memref_slice %arg3[%add3A_18] : memref<4096xi32, #tpu.memory_space<hbm>> -> memref<64xi32, #tpu.memory_space<hbm>>
      tpu.wait_dma2 semaphore(%run_scoped3A : memref<!tpu.dma_semaphore, #tpu.memory_space<semaphore_mem>>) src(%dma_wait3A_35 : memref<64xi32, #tpu.memory_space<hbm>>) dst(%arg6 : memref<64xi32, #tpu.memory_space<vmem>>)
      tpu.yield
    }) : () -> ()
    %dma_start3A_19 = arith.constant 0 : i32
    %dma_start3A_20 = arith.constant 0 : i32
    %dma_start3A_21 = tpu.memref_slice %arg2[%dma_start3A_19, %dma_start3A_20] : memref<12288x768xf32, #tpu.memory_space<hbm>> -> memref<12288x768xf32, #tpu.memory_space<hbm>>
    tpu.enqueue_indirect_dma source(%dma_start3A_21 : memref<12288x768xf32, #tpu.memory_space<hbm>>) target(%arg7 : memref<64x768xf32, #tpu.memory_space<vmem>>) offsets(%arg6 : memref<64xi32, #tpu.memory_space<vmem>>) semaphore(%arg9 : memref<!tpu.dma_semaphore, #tpu.memory_space<semaphore_mem>>)
    %dma_wait3A_22 = arith.constant 0 : i32
    %dma_wait3A_23 = arith.constant 0 : i32
    %dma_wait3A_24 = tpu.memref_slice %arg2[%dma_wait3A_22, %dma_wait3A_23] : memref<12288x768xf32, #tpu.memory_space<hbm>> -> memref<12288x768xf32, #tpu.memory_space<hbm>>
    tpu.wait_indirect_dma semaphore(%arg9 : memref<!tpu.dma_semaphore, #tpu.memory_space<semaphore_mem>>) src(%dma_wait3A_24 : memref<12288x768xf32, #tpu.memory_space<hbm>>) dst(%arg7 : memref<64x768xf32, #tpu.memory_space<vmem>>)
    "tpu.region"() ({
      %run_scoped3A = tpu.sem_alloc : memref<!tpu.dma_semaphore, #tpu.memory_space<semaphore_mem>>
      %dma_start3A_32 = arith.constant 0 : i32
      %dma_start3A_33 = tpu.memref_slice %arg4[%add3A_18, %dma_start3A_32] : memref<4096x768xf32, #tpu.memory_space<hbm>> -> memref<64x768xf32, #tpu.memory_space<hbm>>
      %dma_start3A_34 = arith.constant 0 : i32
      %dma_start3A_35 = tpu.memref_slice %arg4[%add3A_18, %dma_start3A_34] : memref<4096x768xf32, #tpu.memory_space<hbm>> -> memref<64x768xf32, #tpu.memory_space<hbm>>
      tpu.enqueue_dma source(%dma_start3A_35 : memref<64x768xf32, #tpu.memory_space<hbm>>) target(%arg8 : memref<64x768xf32, #tpu.memory_space<vmem>>) target_semaphore(%run_scoped3A : memref<!tpu.dma_semaphore, #tpu.memory_space<semaphore_mem>>)
      %dma_wait3A_36 = arith.constant 0 : i32
      %dma_wait3A_37 = tpu.memref_slice %arg4[%add3A_18, %dma_wait3A_36] : memref<4096x768xf32, #tpu.memory_space<hbm>> -> memref<64x768xf32, #tpu.memory_space<hbm>>
      %dma_wait3A_38 = arith.constant 0 : i32
      %dma_wait3A_39 = tpu.memref_slice %arg4[%add3A_18, %dma_wait3A_38] : memref<4096x768xf32, #tpu.memory_space<hbm>> -> memref<64x768xf32, #tpu.memory_space<hbm>>
      tpu.wait_dma2 semaphore(%run_scoped3A : memref<!tpu.dma_semaphore, #tpu.memory_space<semaphore_mem>>) src(%dma_wait3A_39 : memref<64x768xf32, #tpu.memory_space<hbm>>) dst(%arg8 : memref<64x768xf32, #tpu.memory_space<vmem>>)
      tpu.yield
    }) : () -> ()
    %scan3A_25 = arith.constant 0 : i32
    %scan3A_26 = arith.constant 0 : i32
    %scan3A_27 = arith.constant 64 : i32
    %scan3A_28 = arith.addi %scan3A_26, %scan3A_27 : i32
    %scan3A_29 = arith.constant 1 : i32
    %scan3A_30 = scf.for %scan3A_32 = %scan3A_26 to %scan3A_28 step %scan3A_29 iter_args(%scan3A_33 = %scan3A_25) -> (i32)  : i32 {
      %get3A = arith.index_cast %scan3A_32 : i32 to index
      %get3A_34 = arith.constant 0 : index
      %get3A_35 = tpu.vector_load %arg7[%get3A, %get3A_34] {strides = array<i32>} : memref<64x768xf32, #tpu.memory_space<vmem>>, vector<1x16xf32>,
      %get3A_36 = vector.shape_cast %get3A_35 : vector<1x16xf32> to vector<16xf32>
      %get3A_37 = arith.index_cast %scan3A_32 : i32 to index
      %get3A_38 = arith.constant 0 : index
      %get3A_39 = tpu.vector_load %arg8[%get3A_37, %get3A_38] {strides = array<i32>} : memref<64x768xf32, #tpu.memory_space<vmem>>, vector<1x16xf32>,
      %get3A_40 = vector.shape_cast %get3A_39 : vector<1x16xf32> to vector<16xf32>
      %add3A_41 = arith.addf %get3A_36, %get3A_40 : vector<16xf32>
      %swap3A = arith.index_cast %scan3A_32 : i32 to index
      %swap3A_42 = arith.constant 0 : index
      %swap3A_43 = tpu.vector_load %arg7[%swap3A, %swap3A_42] {strides = array<i32>} : memref<64x768xf32, #tpu.memory_space<vmem>>, vector<1x16xf32>,
      %swap3A_44 = vector.shape_cast %swap3A_43 : vector<1x16xf32> to vector<16xf32>
      %swap3A_45 = vector.shape_cast %add3A_41 : vector<16xf32> to vector<1x16xf32>
      tpu.vector_store %arg7[%swap3A, %swap3A_42], %swap3A_45 {strides = array<i32>} : memref<64x768xf32, #tpu.memory_space<vmem>>, vector<1x16xf32>,
      %get3A_46 = arith.index_cast %scan3A_32 : i32 to index
      %get3A_47 = arith.constant 16 : index
      %get3A_48 = tpu.vector_load %arg7[%get3A_46, %get3A_47] {strides = array<i32>} : memref<64x768xf32, #tpu.memory_space<vmem>>, vector<1x16xf32>,
      %get3A_49 = vector.shape_cast %get3A_48 : vector<1x16xf32> to vector<16xf32>
      %get3A_50 = arith.index_cast %scan3A_32 : i32 to index
      %get3A_51 = arith.constant 16 : index
      %get3A_52 = tpu.vector_load %arg8[%get3A_50, %get3A_51] {strides = array<i32>} : memref<64x768xf32, #tpu.memory_space<vmem>>, vector<1x16xf32>,
      %get3A_53 = vector.shape_cast %get3A_52 : vector<1x16xf32> to vector<16xf32>
      %add3A_54 = arith.addf %get3A_49, %get3A_53 : vector<16xf32>
      %swap3A_55 = arith.index_cast %scan3A_32 : i32 to index
      %swap3A_56 = arith.constant 16 : index
      %swap3A_57 = tpu.vector_load %arg7[%swap3A_55, %swap3A_56] {strides = array<i32>} : memref<64x768xf32, #tpu.memory_space<vmem>>, vector<1x16xf32>,
      %swap3A_58 = vector.shape_cast %swap3A_57 : vector<1x16xf32> to vector<16xf32>
      %swap3A_59 = vector.shape_cast %add3A_54 : vector<16xf32> to vector<1x16xf32>
      tpu.vector_store %arg7[%swap3A_55, %swap3A_56], %swap3A_59 {strides = array<i32>} : memref<64x768xf32, #tpu.memory_space<vmem>>, vector<1x16xf32>,
      %get3A_60 = arith.index_cast %scan3A_32 : i32 to index
      %get3A_61 = arith.constant 32 : index
      %get3A_62 = tpu.vector_load %arg7[%get3A_60, %get3A_61] {strides = array<i32>} : memref<64x768xf32, #tpu.memory_space<vmem>>, vector<1x16xf32>,
      %get3A_63 = vector.shape_cast %get3A_62 : vector<1x16xf32> to vector<16xf32>
      %get3A_64 = arith.index_cast %scan3A_32 : i32 to index
      %get3A_65 = arith.constant 32 : index
      %get3A_66 = tpu.vector_load %arg8[%get3A_64, %get3A_65] {strides = array<i32>} : memref<64x768xf32, #tpu.memory_space<vmem>>, vector<1x16xf32>,
      %get3A_67 = vector.shape_cast %get3A_66 : vector<1x16xf32> to vector<16xf32>
      %add3A_68 = arith.addf %get3A_63, %get3A_67 : vector<16xf32>
      %swap3A_69 = arith.index_cast %scan3A_32 : i32 to index
      %swap3A_70 = arith.constant 32 : index
      %swap3A_71 = tpu.vector_load %arg7[%swap3A_69, %swap3A_70] {strides = array<i32>} : memref<64x768xf32, #tpu.memory_space<vmem>>, vector<1x16xf32>,
      %swap3A_72 = vector.shape_cast %swap3A_71 : vector<1x16xf32> to vector<16xf32>
      %swap3A_73 = vector.shape_cast %add3A_68 : vector<16xf32> to vector<1x16xf32>
      tpu.vector_store %arg7[%swap3A_69, %swap3A_70], %swap3A_73 {strides = array<i32>} : memref<64x768xf32, #tpu.memory_space<vmem>>, vector<1x16xf32>,
      %get3A_74 = arith.index_cast %scan3A_32 : i32 to index
      %get3A_75 = arith.constant 48 : index
      %get3A_76 = tpu.vector_load %arg7[%get3A_74, %get3A_75] {strides = array<i32>} : memref<64x768xf32, #tpu.memory_space<vmem>>, vector<1x16xf32>,
      %get3A_77 = vector.shape_cast %get3A_76 : vector<1x16xf32> to vector<16xf32>
      %get3A_78 = arith.index_cast %scan3A_32 : i32 to index
      %get3A_79 = arith.constant 48 : index
      %get3A_80 = tpu.vector_load %arg8[%get3A_78, %get3A_79] {strides = array<i32>} : memref<64x768xf32, #tpu.memory_space<vmem>>, vector<1x16xf32>,
      %get3A_81 = vector.shape_cast %get3A_80 : vector<1x16xf32> to vector<16xf32>
      %add3A_82 = arith.addf %get3A_77, %get3A_81 : vector<16xf32>
      %swap3A_83 = arith.index_cast %scan3A_32 : i32 to index
      %swap3A_84 = arith.constant 48 : index
      %swap3A_85 = tpu.vector_load %arg7[%swap3A_83, %swap3A_84] {strides = array<i32>} : memref<64x768xf32, #tpu.memory_space<vmem>>, vector<1x16xf32>,
      %swap3A_86 = vector.shape_cast %swap3A_85 : vector<1x16xf32> to vector<16xf32>
      %swap3A_87 = vector.shape_cast %add3A_82 : vector<16xf32> to vector<1x16xf32>
      tpu.vector_store %arg7[%swap3A_83, %swap3A_84], %swap3A_87 {strides = array<i32>} : memref<64x768xf32, #tpu.memory_space<vmem>>, vector<1x16xf32>,
      %get3A_88 = arith.index_cast %scan3A_32 : i32 to index
      %get3A_89 = arith.constant 64 : index
      %get3A_90 = tpu.vector_load %arg7[%get3A_88, %get3A_89] {strides = array<i32>} : memref<64x768xf32, #tpu.memory_space<vmem>>, vector<1x16xf32>,
      %get3A_91 = vector.shape_cast %get3A_90 : vector<1x16xf32> to vector<16xf32>
      %get3A_92 = arith.index_cast %scan3A_32 : i32 to index
      %get3A_93 = arith.constant 64 : index
      %get3A_94 = tpu.vector_load %arg8[%get3A_92, %get3A_93] {strides = array<i32>} : memref<64x768xf32, #tpu.memory_space<vmem>>, vector<1x16xf32>,
      %get3A_95 = vector.shape_cast %get3A_94 : vector<1x16xf32> to vector<16xf32>
      %add3A_96 = arith.addf %get3A_91, %get3A_95 : vector<16xf32>
      %swap3A_97 = arith.index_cast %scan3A_32 : i32 to index
      %swap3A_98 = arith.constant 64 : index
      %swap3A_99 = tpu.vector_load %arg7[%swap3A_97, %swap3A_98] {strides = array<i32>} : memref<64x768xf32, #tpu.memory_space<vmem>>, vector<1x16xf32>,
      %swap3A_100 = vector.shape_cast %swap3A_99 : vector<1x16xf32> to vector<16xf32>
      %swap3A_101 = vector.shape_cast %add3A_96 : vector<16xf32> to vector<1x16xf32>
      tpu.vector_store %arg7[%swap3A_97, %swap3A_98], %swap3A_101 {strides = array<i32>} : memref<64x768xf32, #tpu.memory_space<vmem>>, vector<1x16xf32>,
      %get3A_102 = arith.index_cast %scan3A_32 : i32 to index
      %get3A_103 = arith.constant 80 : index
      %get3A_104 = tpu.vector_load %arg7[%get3A_102, %get3A_103] {strides = array<i32>} : memref<64x768xf32, #tpu.memory_space<vmem>>, vector<1x16xf32>,
      %get3A_105 = vector.shape_cast %get3A_104 : vector<1x16xf32> to vector<16xf32>
      %get3A_106 = arith.index_cast %scan3A_32 : i32 to index
      %get3A_107 = arith.constant 80 : index
      %get3A_108 = tpu.vector_load %arg8[%get3A_106, %get3A_107] {strides = array<i32>} : memref<64x768xf32, #tpu.memory_space<vmem>>, vector<1x16xf32>,
      %get3A_109 = vector.shape_cast %get3A_108 : vector<1x16xf32> to vector<16xf32>
      %add3A_110 = arith.addf %get3A_105, %get3A_109 : vector<16xf32>
      %swap3A_111 = arith.index_cast %scan3A_32 : i32 to index
      %swap3A_112 = arith.constant 80 : index
      %swap3A_113 = tpu.vector_load %arg7[%swap3A_111, %swap3A_112] {strides = array<i32>} : memref<64x768xf32, #tpu.memory_space<vmem>>, vector<1x16xf32>,
      %swap3A_114 = vector.shape_cast %swap3A_113 : vector<1x16xf32> to vector<16xf32>
      %swap3A_115 = vector.shape_cast %add3A_110 : vector<16xf32> to vector<1x16xf32>
      tpu.vector_store %arg7[%swap3A_111, %swap3A_112], %swap3A_115 {strides = array<i32>} : memref<64x768xf32, #tpu.memory_space<vmem>>, vector<1x16xf32>,
      %get3A_116 = arith.index_cast %scan3A_32 : i32 to index
      %get3A_117 = arith.constant 96 : index
      %get3A_118 = tpu.vector_load %arg7[%get3A_116, %get3A_117] {strides = array<i32>} : memref<64x768xf32, #tpu.memory_space<vmem>>, vector<1x16xf32>,
      %get3A_119 = vector.shape_cast %get3A_118 : vector<1x16xf32> to vector<16xf32>
      %get3A_120 = arith.index_cast %scan3A_32 : i32 to index
      %get3A_121 = arith.constant 96 : index
      %get3A_122 = tpu.vector_load %arg8[%get3A_120, %get3A_121] {strides = array<i32>} : memref<64x768xf32, #tpu.memory_space<vmem>>, vector<1x16xf32>,
      %get3A_123 = vector.shape_cast %get3A_122 : vector<1x16xf32> to vector<16xf32>
      %add3A_124 = arith.addf %get3A_119, %get3A_123 : vector<16xf32>
      %swap3A_125 = arith.index_cast %scan3A_32 : i32 to index
      %swap3A_126 = arith.constant 96 : index
      %swap3A_127 = tpu.vector_load %arg7[%swap3A_125, %swap3A_126] {strides = array<i32>} : memref<64x768xf32, #tpu.memory_space<vmem>>, vector<1x16xf32>,
      %swap3A_128 = vector.shape_cast %swap3A_127 : vector<1x16xf32> to vector<16xf32>
      %swap3A_129 = vector.shape_cast %add3A_124 : vector<16xf32> to vector<1x16xf32>
      tpu.vector_store %arg7[%swap3A_125, %swap3A_126], %swap3A_129 {strides = array<i32>} : memref<64x768xf32, #tpu.memory_space<vmem>>, vector<1x16xf32>,
      %get3A_130 = arith.index_cast %scan3A_32 : i32 to index
      %get3A_131 = arith.constant 112 : index
      %get3A_132 = tpu.vector_load %arg7[%get3A_130, %get3A_131] {strides = array<i32>} : memref<64x768xf32, #tpu.memory_space<vmem>>, vector<1x16xf32>,
      %get3A_133 = vector.shape_cast %get3A_132 : vector<1x16xf32> to vector<16xf32>
      %get3A_134 = arith.index_cast %scan3A_32 : i32 to index
      %get3A_135 = arith.constant 112 : index
      %get3A_136 = tpu.vector_load %arg8[%get3A_134, %get3A_135] {strides = array<i32>} : memref<64x768xf32, #tpu.memory_space<vmem>>, vector<1x16xf32>,
      %get3A_137 = vector.shape_cast %get3A_136 : vector<1x16xf32> to vector<16xf32>
      %add3A_138 = arith.addf %get3A_133, %get3A_137 : vector<16xf32>
      %swap3A_139 = arith.index_cast %scan3A_32 : i32 to index
      %swap3A_140 = arith.constant 112 : index
      %swap3A_141 = tpu.vector_load %arg7[%swap3A_139, %swap3A_140] {strides = array<i32>} : memref<64x768xf32, #tpu.memory_space<vmem>>, vector<1x16xf32>,
      %swap3A_142 = vector.shape_cast %swap3A_141 : vector<1x16xf32> to vector<16xf32>
      %swap3A_143 = vector.shape_cast %add3A_138 : vector<16xf32> to vector<1x16xf32>
      tpu.vector_store %arg7[%swap3A_139, %swap3A_140], %swap3A_143 {strides = array<i32>} : memref<64x768xf32, #tpu.memory_space<vmem>>, vector<1x16xf32>,
      %get3A_144 = arith.index_cast %scan3A_32 : i32 to index
      %get3A_145 = arith.constant 128 : index
      %get3A_146 = tpu.vector_load %arg7[%get3A_144, %get3A_145] {strides = array<i32>} : memref<64x768xf32, #tpu.memory_space<vmem>>, vector<1x16xf32>,
      %get3A_147 = vector.shape_cast %get3A_146 : vector<1x16xf32> to vector<16xf32>
      %get3A_148 = arith.index_cast %scan3A_32 : i32 to index
      %get3A_149 = arith.constant 128 : index
      %get3A_150 = tpu.vector_load %arg8[%get3A_148, %get3A_149] {strides = array<i32>} : memref<64x768xf32, #tpu.memory_space<vmem>>, vector<1x16xf32>,
      %get3A_151 = vector.shape_cast %get3A_150 : vector<1x16xf32> to vector<16xf32>
      %add3A_152 = arith.addf %get3A_147, %get3A_151 : vector<16xf32>
      %swap3A_153 = arith.index_cast %scan3A_32 : i32 to index
      %swap3A_154 = arith.constant 128 : index
      %swap3A_155 = tpu.vector_load %arg7[%swap3A_153, %swap3A_154] {strides = array<i32>} : memref<64x768xf32, #tpu.memory_space<vmem>>, vector<1x16xf32>,
      %swap3A_156 = vector.shape_cast %swap3A_155 : vector<1x16xf32> to vector<16xf32>
      %swap3A_157 = vector.shape_cast %add3A_152 : vector<16xf32> to vector<1x16xf32>
      tpu.vector_store %arg7[%swap3A_153, %swap3A_154], %swap3A_157 {strides = array<i32>} : memref<64x768xf32, #tpu.memory_space<vmem>>, vector<1x16xf32>,
      %get3A_158 = arith.index_cast %scan3A_32 : i32 to index
      %get3A_159 = arith.constant 144 : index
      %get3A_160 = tpu.vector_load %arg7[%get3A_158, %get3A_159] {strides = array<i32>} : memref<64x768xf32, #tpu.memory_space<vmem>>, vector<1x16xf32>,
      %get3A_161 = vector.shape_cast %get3A_160 : vector<1x16xf32> to vector<16xf32>
      %get3A_162 = arith.index_cast %scan3A_32 : i32 to index
      %get3A_163 = arith.constant 144 : index
      %get3A_164 = tpu.vector_load %arg8[%get3A_162, %get3A_163] {strides = array<i32>} : memref<64x768xf32, #tpu.memory_space<vmem>>, vector<1x16xf32>,
      %get3A_165 = vector.shape_cast %get3A_164 : vector<1x16xf32> to vector<16xf32>
      %add3A_166 = arith.addf %get3A_161, %get3A_165 : vector<16xf32>
      %swap3A_167 = arith.index_cast %scan3A_32 : i32 to index
      %swap3A_168 = arith.constant 144 : index
      %swap3A_169 = tpu.vector_load %arg7[%swap3A_167, %swap3A_168] {strides = array<i32>} : memref<64x768xf32, #tpu.memory_space<vmem>>, vector<1x16xf32>,
      %swap3A_170 = vector.shape_cast %swap3A_169 : vector<1x16xf32> to vector<16xf32>
      %swap3A_171 = vector.shape_cast %add3A_166 : vector<16xf32> to vector<1x16xf32>
      tpu.vector_store %arg7[%swap3A_167, %swap3A_168], %swap3A_171 {strides = array<i32>} : memref<64x768xf32, #tpu.memory_space<vmem>>, vector<1x16xf32>,
      %get3A_172 = arith.index_cast %scan3A_32 : i32 to index
      %get3A_173 = arith.constant 160 : index
      %get3A_174 = tpu.vector_load %arg7[%get3A_172, %get3A_173] {strides = array<i32>} : memref<64x768xf32, #tpu.memory_space<vmem>>, vector<1x16xf32>,
      %get3A_175 = vector.shape_cast %get3A_174 : vector<1x16xf32> to vector<16xf32>
      %get3A_176 = arith.index_cast %scan3A_32 : i32 to index
      %get3A_177 = arith.constant 160 : index
      %get3A_178 = tpu.vector_load %arg8[%get3A_176, %get3A_177] {strides = array<i32>} : memref<64x768xf32, #tpu.memory_space<vmem>>, vector<1x16xf32>,
      %get3A_179 = vector.shape_cast %get3A_178 : vector<1x16xf32> to vector<16xf32>
      %add3A_180 = arith.addf %get3A_175, %get3A_179 : vector<16xf32>
      %swap3A_181 = arith.index_cast %scan3A_32 : i32 to index
      %swap3A_182 = arith.constant 160 : index
      %swap3A_183 = tpu.vector_load %arg7[%swap3A_181, %swap3A_182] {strides = array<i32>} : memref<64x768xf32, #tpu.memory_space<vmem>>, vector<1x16xf32>,
      %swap3A_184 = vector.shape_cast %swap3A_183 : vector<1x16xf32> to vector<16xf32>
      %swap3A_185 = vector.shape_cast %add3A_180 : vector<16xf32> to vector<1x16xf32>
      tpu.vector_store %arg7[%swap3A_181, %swap3A_182], %swap3A_185 {strides = array<i32>} : memref<64x768xf32, #tpu.memory_space<vmem>>, vector<1x16xf32>,
      %get3A_186 = arith.index_cast %scan3A_32 : i32 to index
      %get3A_187 = arith.constant 176 : index
      %get3A_188 = tpu.vector_load %arg7[%get3A_186, %get3A_187] {strides = array<i32>} : memref<64x768xf32, #tpu.memory_space<vmem>>, vector<1x16xf32>,
      %get3A_189 = vector.shape_cast %get3A_188 : vector<1x16xf32> to vector<16xf32>
      %get3A_190 = arith.index_cast %scan3A_32 : i32 to index
      %get3A_191 = arith.constant 176 : index
      %get3A_192 = tpu.vector_load %arg8[%get3A_190, %get3A_191] {strides = array<i32>} : memref<64x768xf32, #tpu.memory_space<vmem>>, vector<1x16xf32>,
      %get3A_193 = vector.shape_cast %get3A_192 : vector<1x16xf32> to vector<16xf32>
      %add3A_194 = arith.addf %get3A_189, %get3A_193 : vector<16xf32>
      %swap3A_195 = arith.index_cast %scan3A_32 : i32 to index
      %swap3A_196 = arith.constant 176 : index
      %swap3A_197 = tpu.vector_load %arg7[%swap3A_195, %swap3A_196] {strides = array<i32>} : memref<64x768xf32, #tpu.memory_space<vmem>>, vector<1x16xf32>,
      %swap3A_198 = vector.shape_cast %swap3A_197 : vector<1x16xf32> to vector<16xf32>
      %swap3A_199 = vector.shape_cast %add3A_194 : vector<16xf32> to vector<1x16xf32>
      tpu.vector_store %arg7[%swap3A_195, %swap3A_196], %swap3A_199 {strides = array<i32>} : memref<64x768xf32, #tpu.memory_space<vmem>>, vector<1x16xf32>,
      %get3A_200 = arith.index_cast %scan3A_32 : i32 to index
      %get3A_201 = arith.constant 192 : index
      %get3A_202 = tpu.vector_load %arg7[%get3A_200, %get3A_201] {strides = array<i32>} : memref<64x768xf32, #tpu.memory_space<vmem>>, vector<1x16xf32>,
      %get3A_203 = vector.shape_cast %get3A_202 : vector<1x16xf32> to vector<16xf32>
      %get3A_204 = arith.index_cast %scan3A_32 : i32 to index
      %get3A_205 = arith.constant 192 : index
      %get3A_206 = tpu.vector_load %arg8[%get3A_204, %get3A_205] {strides = array<i32>} : memref<64x768xf32, #tpu.memory_space<vmem>>, vector<1x16xf32>,
      %get3A_207 = vector.shape_cast %get3A_206 : vector<1x16xf32> to vector<16xf32>
      %add3A_208 = arith.addf %get3A_203, %get3A_207 : vector<16xf32>
      %swap3A_209 = arith.index_cast %scan3A_32 : i32 to index
      %swap3A_210 = arith.constant 192 : index
      %swap3A_211 = tpu.vector_load %arg7[%swap3A_209, %swap3A_210] {strides = array<i32>} : memref<64x768xf32, #tpu.memory_space<vmem>>, vector<1x16xf32>,
      %swap3A_212 = vector.shape_cast %swap3A_211 : vector<1x16xf32> to vector<16xf32>
      %swap3A_213 = vector.shape_cast %add3A_208 : vector<16xf32> to vector<1x16xf32>
      tpu.vector_store %arg7[%swap3A_209, %swap3A_210], %swap3A_213 {strides = array<i32>} : memref<64x768xf32, #tpu.memory_space<vmem>>, vector<1x16xf32>,
      %get3A_214 = arith.index_cast %scan3A_32 : i32 to index
      %get3A_215 = arith.constant 208 : index
      %get3A_216 = tpu.vector_load %arg7[%get3A_214, %get3A_215] {strides = array<i32>} : memref<64x768xf32, #tpu.memory_space<vmem>>, vector<1x16xf32>,
      %get3A_217 = vector.shape_cast %get3A_216 : vector<1x16xf32> to vector<16xf32>
      %get3A_218 = arith.index_cast %scan3A_32 : i32 to index
      %get3A_219 = arith.constant 208 : index
      %get3A_220 = tpu.vector_load %arg8[%get3A_218, %get3A_219] {strides = array<i32>} : memref<64x768xf32, #tpu.memory_space<vmem>>, vector<1x16xf32>,
      %get3A_221 = vector.shape_cast %get3A_220 : vector<1x16xf32> to vector<16xf32>
      %add3A_222 = arith.addf %get3A_217, %get3A_221 : vector<16xf32>
      %swap3A_223 = arith.index_cast %scan3A_32 : i32 to index
      %swap3A_224 = arith.constant 208 : index
      %swap3A_225 = tpu.vector_load %arg7[%swap3A_223, %swap3A_224] {strides = array<i32>} : memref<64x768xf32, #tpu.memory_space<vmem>>, vector<1x16xf32>,
      %swap3A_226 = vector.shape_cast %swap3A_225 : vector<1x16xf32> to vector<16xf32>
      %swap3A_227 = vector.shape_cast %add3A_222 : vector<16xf32> to vector<1x16xf32>
      tpu.vector_store %arg7[%swap3A_223, %swap3A_224], %swap3A_227 {strides = array<i32>} : memref<64x768xf32, #tpu.memory_space<vmem>>, vector<1x16xf32>,
      %get3A_228 = arith.index_cast %scan3A_32 : i32 to index
      %get3A_229 = arith.constant 224 : index
      %get3A_230 = tpu.vector_load %arg7[%get3A_228, %get3A_229] {strides = array<i32>} : memref<64x768xf32, #tpu.memory_space<vmem>>, vector<1x16xf32>,
      %get3A_231 = vector.shape_cast %get3A_230 : vector<1x16xf32> to vector<16xf32>
      %get3A_232 = arith.index_cast %scan3A_32 : i32 to index
      %get3A_233 = arith.constant 224 : index
      %get3A_234 = tpu.vector_load %arg8[%get3A_232, %get3A_233] {strides = array<i32>} : memref<64x768xf32, #tpu.memory_space<vmem>>, vector<1x16xf32>,
      %get3A_235 = vector.shape_cast %get3A_234 : vector<1x16xf32> to vector<16xf32>
      %add3A_236 = arith.addf %get3A_231, %get3A_235 : vector<16xf32>
      %swap3A_237 = arith.index_cast %scan3A_32 : i32 to index
      %swap3A_238 = arith.constant 224 : index
      %swap3A_239 = tpu.vector_load %arg7[%swap3A_237, %swap3A_238] {strides = array<i32>} : memref<64x768xf32, #tpu.memory_space<vmem>>, vector<1x16xf32>,
      %swap3A_240 = vector.shape_cast %swap3A_239 : vector<1x16xf32> to vector<16xf32>
      %swap3A_241 = vector.shape_cast %add3A_236 : vector<16xf32> to vector<1x16xf32>
      tpu.vector_store %arg7[%swap3A_237, %swap3A_238], %swap3A_241 {strides = array<i32>} : memref<64x768xf32, #tpu.memory_space<vmem>>, vector<1x16xf32>,
      %get3A_242 = arith.index_cast %scan3A_32 : i32 to index
      %get3A_243 = arith.constant 240 : index
      %get3A_244 = tpu.vector_load %arg7[%get3A_242, %get3A_243] {strides = array<i32>} : memref<64x768xf32, #tpu.memory_space<vmem>>, vector<1x16xf32>,
      %get3A_245 = vector.shape_cast %get3A_244 : vector<1x16xf32> to vector<16xf32>
      %get3A_246 = arith.index_cast %scan3A_32 : i32 to index
      %get3A_247 = arith.constant 240 : index
      %get3A_248 = tpu.vector_load %arg8[%get3A_246, %get3A_247] {strides = array<i32>} : memref<64x768xf32, #tpu.memory_space<vmem>>, vector<1x16xf32>,
      %get3A_249 = vector.shape_cast %get3A_248 : vector<1x16xf32> to vector<16xf32>
      %add3A_250 = arith.addf %get3A_245, %get3A_249 : vector<16xf32>
      %swap3A_251 = arith.index_cast %scan3A_32 : i32 to index
      %swap3A_252 = arith.constant 240 : index
      %swap3A_253 = tpu.vector_load %arg7[%swap3A_251, %swap3A_252] {strides = array<i32>} : memref<64x768xf32, #tpu.memory_space<vmem>>, vector<1x16xf32>,
      %swap3A_254 = vector.shape_cast %swap3A_253 : vector<1x16xf32> to vector<16xf32>
      %swap3A_255 = vector.shape_cast %add3A_250 : vector<16xf32> to vector<1x16xf32>
      tpu.vector_store %arg7[%swap3A_251, %swap3A_252], %swap3A_255 {strides = array<i32>} : memref<64x768xf32, #tpu.memory_space<vmem>>, vector<1x16xf32>,
      %get3A_256 = arith.index_cast %scan3A_32 : i32 to index
      %get3A_257 = arith.constant 256 : index
      %get3A_258 = tpu.vector_load %arg7[%get3A_256, %get3A_257] {strides = array<i32>} : memref<64x768xf32, #tpu.memory_space<vmem>>, vector<1x16xf32>,
      %get3A_259 = vector.shape_cast %get3A_258 : vector<1x16xf32> to vector<16xf32>
      %get3A_260 = arith.index_cast %scan3A_32 : i32 to index
      %get3A_261 = arith.constant 256 : index
      %get3A_262 = tpu.vector_load %arg8[%get3A_260, %get3A_261] {strides = array<i32>} : memref<64x768xf32, #tpu.memory_space<vmem>>, vector<1x16xf32>,
      %get3A_263 = vector.shape_cast %get3A_262 : vector<1x16xf32> to vector<16xf32>
      %add3A_264 = arith.addf %get3A_259, %get3A_263 : vector<16xf32>
      %swap3A_265 = arith.index_cast %scan3A_32 : i32 to index
      %swap3A_266 = arith.constant 256 : index
      %swap3A_267 = tpu.vector_load %arg7[%swap3A_265, %swap3A_266] {strides = array<i32>} : memref<64x768xf32, #tpu.memory_space<vmem>>, vector<1x16xf32>,
      %swap3A_268 = vector.shape_cast %swap3A_267 : vector<1x16xf32> to vector<16xf32>
      %swap3A_269 = vector.shape_cast %add3A_264 : vector<16xf32> to vector<1x16xf32>
      tpu.vector_store %arg7[%swap3A_265, %swap3A_266], %swap3A_269 {strides = array<i32>} : memref<64x768xf32, #tpu.memory_space<vmem>>, vector<1x16xf32>,
      %get3A_270 = arith.index_cast %scan3A_32 : i32 to index
      %get3A_271 = arith.constant 272 : index
      %get3A_272 = tpu.vector_load %arg7[%get3A_270, %get3A_271] {strides = array<i32>} : memref<64x768xf32, #tpu.memory_space<vmem>>, vector<1x16xf32>,
      %get3A_273 = vector.shape_cast %get3A_272 : vector<1x16xf32> to vector<16xf32>
      %get3A_274 = arith.index_cast %scan3A_32 : i32 to index
      %get3A_275 = arith.constant 272 : index
      %get3A_276 = tpu.vector_load %arg8[%get3A_274, %get3A_275] {strides = array<i32>} : memref<64x768xf32, #tpu.memory_space<vmem>>, vector<1x16xf32>,
      %get3A_277 = vector.shape_cast %get3A_276 : vector<1x16xf32> to vector<16xf32>
      %add3A_278 = arith.addf %get3A_273, %get3A_277 : vector<16xf32>
      %swap3A_279 = arith.index_cast %scan3A_32 : i32 to index
      %swap3A_280 = arith.constant 272 : index
      %swap3A_281 = tpu.vector_load %arg7[%swap3A_279, %swap3A_280] {strides = array<i32>} : memref<64x768xf32, #tpu.memory_space<vmem>>, vector<1x16xf32>,
      %swap3A_282 = vector.shape_cast %swap3A_281 : vector<1x16xf32> to vector<16xf32>
      %swap3A_283 = vector.shape_cast %add3A_278 : vector<16xf32> to vector<1x16xf32>
      tpu.vector_store %arg7[%swap3A_279, %swap3A_280], %swap3A_283 {strides = array<i32>} : memref<64x768xf32, #tpu.memory_space<vmem>>, vector<1x16xf32>,
      %get3A_284 = arith.index_cast %scan3A_32 : i32 to index
      %get3A_285 = arith.constant 288 : index
      %get3A_286 = tpu.vector_load %arg7[%get3A_284, %get3A_285] {strides = array<i32>} : memref<64x768xf32, #tpu.memory_space<vmem>>, vector<1x16xf32>,
      %get3A_287 = vector.shape_cast %get3A_286 : vector<1x16xf32> to vector<16xf32>
      %get3A_288 = arith.index_cast %scan3A_32 : i32 to index
      %get3A_289 = arith.constant 288 : index
      %get3A_290 = tpu.vector_load %arg8[%get3A_288, %get3A_289] {strides = array<i32>} : memref<64x768xf32, #tpu.memory_space<vmem>>, vector<1x16xf32>,
      %get3A_291 = vector.shape_cast %get3A_290 : vector<1x16xf32> to vector<16xf32>
      %add3A_292 = arith.addf %get3A_287, %get3A_291 : vector<16xf32>
      %swap3A_293 = arith.index_cast %scan3A_32 : i32 to index
      %swap3A_294 = arith.constant 288 : index
      %swap3A_295 = tpu.vector_load %arg7[%swap3A_293, %swap3A_294] {strides = array<i32>} : memref<64x768xf32, #tpu.memory_space<vmem>>, vector<1x16xf32>,
      %swap3A_296 = vector.shape_cast %swap3A_295 : vector<1x16xf32> to vector<16xf32>
      %swap3A_297 = vector.shape_cast %add3A_292 : vector<16xf32> to vector<1x16xf32>
      tpu.vector_store %arg7[%swap3A_293, %swap3A_294], %swap3A_297 {strides = array<i32>} : memref<64x768xf32, #tpu.memory_space<vmem>>, vector<1x16xf32>,
      %get3A_298 = arith.index_cast %scan3A_32 : i32 to index
      %get3A_299 = arith.constant 304 : index
      %get3A_300 = tpu.vector_load %arg7[%get3A_298, %get3A_299] {strides = array<i32>} : memref<64x768xf32, #tpu.memory_space<vmem>>, vector<1x16xf32>,
      %get3A_301 = vector.shape_cast %get3A_300 : vector<1x16xf32> to vector<16xf32>
      %get3A_302 = arith.index_cast %scan3A_32 : i32 to index
      %get3A_303 = arith.constant 304 : index
      %get3A_304 = tpu.vector_load %arg8[%get3A_302, %get3A_303] {strides = array<i32>} : memref<64x768xf32, #tpu.memory_space<vmem>>, vector<1x16xf32>,
      %get3A_305 = vector.shape_cast %get3A_304 : vector<1x16xf32> to vector<16xf32>
      %add3A_306 = arith.addf %get3A_301, %get3A_305 : vector<16xf32>
      %swap3A_307 = arith.index_cast %scan3A_32 : i32 to index
      %swap3A_308 = arith.constant 304 : index
      %swap3A_309 = tpu.vector_load %arg7[%swap3A_307, %swap3A_308] {strides = array<i32>} : memref<64x768xf32, #tpu.memory_space<vmem>>, vector<1x16xf32>,
      %swap3A_310 = vector.shape_cast %swap3A_309 : vector<1x16xf32> to vector<16xf32>
      %swap3A_311 = vector.shape_cast %add3A_306 : vector<16xf32> to vector<1x16xf32>
      tpu.vector_store %arg7[%swap3A_307, %swap3A_308], %swap3A_311 {strides = array<i32>} : memref<64x768xf32, #tpu.memory_space<vmem>>, vector<1x16xf32>,
      %get3A_312 = arith.index_cast %scan3A_32 : i32 to index
      %get3A_313 = arith.constant 320 : index
      %get3A_314 = tpu.vector_load %arg7[%get3A_312, %get3A_313] {strides = array<i32>} : memref<64x768xf32, #tpu.memory_space<vmem>>, vector<1x16xf32>,
      %get3A_315 = vector.shape_cast %get3A_314 : vector<1x16xf32> to vector<16xf32>
      %get3A_316 = arith.index_cast %scan3A_32 : i32 to index
      %get3A_317 = arith.constant 320 : index
      %get3A_318 = tpu.vector_load %arg8[%get3A_316, %get3A_317] {strides = array<i32>} : memref<64x768xf32, #tpu.memory_space<vmem>>, vector<1x16xf32>,
      %get3A_319 = vector.shape_cast %get3A_318 : vector<1x16xf32> to vector<16xf32>
      %add3A_320 = arith.addf %get3A_315, %get3A_319 : vector<16xf32>
      %swap3A_321 = arith.index_cast %scan3A_32 : i32 to index
      %swap3A_322 = arith.constant 320 : index
      %swap3A_323 = tpu.vector_load %arg7[%swap3A_321, %swap3A_322] {strides = array<i32>} : memref<64x768xf32, #tpu.memory_space<vmem>>, vector<1x16xf32>,
      %swap3A_324 = vector.shape_cast %swap3A_323 : vector<1x16xf32> to vector<16xf32>
      %swap3A_325 = vector.shape_cast %add3A_320 : vector<16xf32> to vector<1x16xf32>
      tpu.vector_store %arg7[%swap3A_321, %swap3A_322], %swap3A_325 {strides = array<i32>} : memref<64x768xf32, #tpu.memory_space<vmem>>, vector<1x16xf32>,
      %get3A_326 = arith.index_cast %scan3A_32 : i32 to index
      %get3A_327 = arith.constant 336 : index
      %get3A_328 = tpu.vector_load %arg7[%get3A_326, %get3A_327] {strides = array<i32>} : memref<64x768xf32, #tpu.memory_space<vmem>>, vector<1x16xf32>,
      %get3A_329 = vector.shape_cast %get3A_328 : vector<1x16xf32> to vector<16xf32>
      %get3A_330 = arith.index_cast %scan3A_32 : i32 to index
      %get3A_331 = arith.constant 336 : index
      %get3A_332 = tpu.vector_load %arg8[%get3A_330, %get3A_331] {strides = array<i32>} : memref<64x768xf32, #tpu.memory_space<vmem>>, vector<1x16xf32>,
      %get3A_333 = vector.shape_cast %get3A_332 : vector<1x16xf32> to vector<16xf32>
      %add3A_334 = arith.addf %get3A_329, %get3A_333 : vector<16xf32>
      %swap3A_335 = arith.index_cast %scan3A_32 : i32 to index
      %swap3A_336 = arith.constant 336 : index
      %swap3A_337 = tpu.vector_load %arg7[%swap3A_335, %swap3A_336] {strides = array<i32>} : memref<64x768xf32, #tpu.memory_space<vmem>>, vector<1x16xf32>,
      %swap3A_338 = vector.shape_cast %swap3A_337 : vector<1x16xf32> to vector<16xf32>
      %swap3A_339 = vector.shape_cast %add3A_334 : vector<16xf32> to vector<1x16xf32>
      tpu.vector_store %arg7[%swap3A_335, %swap3A_336], %swap3A_339 {strides = array<i32>} : memref<64x768xf32, #tpu.memory_space<vmem>>, vector<1x16xf32>,
      %get3A_340 = arith.index_cast %scan3A_32 : i32 to index
      %get3A_341 = arith.constant 352 : index
      %get3A_342 = tpu.vector_load %arg7[%get3A_340, %get3A_341] {strides = array<i32>} : memref<64x768xf32, #tpu.memory_space<vmem>>, vector<1x16xf32>,
      %get3A_343 = vector.shape_cast %get3A_342 : vector<1x16xf32> to vector<16xf32>
      %get3A_344 = arith.index_cast %scan3A_32 : i32 to index
      %get3A_345 = arith.constant 352 : index
      %get3A_346 = tpu.vector_load %arg8[%get3A_344, %get3A_345] {strides = array<i32>} : memref<64x768xf32, #tpu.memory_space<vmem>>, vector<1x16xf32>,
      %get3A_347 = vector.shape_cast %get3A_346 : vector<1x16xf32> to vector<16xf32>
      %add3A_348 = arith.addf %get3A_343, %get3A_347 : vector<16xf32>
      %swap3A_349 = arith.index_cast %scan3A_32 : i32 to index
      %swap3A_350 = arith.constant 352 : index
      %swap3A_351 = tpu.vector_load %arg7[%swap3A_349, %swap3A_350] {strides = array<i32>} : memref<64x768xf32, #tpu.memory_space<vmem>>, vector<1x16xf32>,
      %swap3A_352 = vector.shape_cast %swap3A_351 : vector<1x16xf32> to vector<16xf32>
      %swap3A_353 = vector.shape_cast %add3A_348 : vector<16xf32> to vector<1x16xf32>
      tpu.vector_store %arg7[%swap3A_349, %swap3A_350], %swap3A_353 {strides = array<i32>} : memref<64x768xf32, #tpu.memory_space<vmem>>, vector<1x16xf32>,
      %get3A_354 = arith.index_cast %scan3A_32 : i32 to index
      %get3A_355 = arith.constant 368 : index
      %get3A_356 = tpu.vector_load %arg7[%get3A_354, %get3A_355] {strides = array<i32>} : memref<64x768xf32, #tpu.memory_space<vmem>>, vector<1x16xf32>,
      %get3A_357 = vector.shape_cast %get3A_356 : vector<1x16xf32> to vector<16xf32>
      %get3A_358 = arith.index_cast %scan3A_32 : i32 to index
      %get3A_359 = arith.constant 368 : index
      %get3A_360 = tpu.vector_load %arg8[%get3A_358, %get3A_359] {strides = array<i32>} : memref<64x768xf32, #tpu.memory_space<vmem>>, vector<1x16xf32>,
      %get3A_361 = vector.shape_cast %get3A_360 : vector<1x16xf32> to vector<16xf32>
      %add3A_362 = arith.addf %get3A_357, %get3A_361 : vector<16xf32>
      %swap3A_363 = arith.index_cast %scan3A_32 : i32 to index
      %swap3A_364 = arith.constant 368 : index
      %swap3A_365 = tpu.vector_load %arg7[%swap3A_363, %swap3A_364] {strides = array<i32>} : memref<64x768xf32, #tpu.memory_space<vmem>>, vector<1x16xf32>,
      %swap3A_366 = vector.shape_cast %swap3A_365 : vector<1x16xf32> to vector<16xf32>
      %swap3A_367 = vector.shape_cast %add3A_362 : vector<16xf32> to vector<1x16xf32>
      tpu.vector_store %arg7[%swap3A_363, %swap3A_364], %swap3A_367 {strides = array<i32>} : memref<64x768xf32, #tpu.memory_space<vmem>>, vector<1x16xf32>,
      %get3A_368 = arith.index_cast %scan3A_32 : i32 to index
      %get3A_369 = arith.constant 384 : index
      %get3A_370 = tpu.vector_load %arg7[%get3A_368, %get3A_369] {strides = array<i32>} : memref<64x768xf32, #tpu.memory_space<vmem>>, vector<1x16xf32>,
      %get3A_371 = vector.shape_cast %get3A_370 : vector<1x16xf32> to vector<16xf32>
      %get3A_372 = arith.index_cast %scan3A_32 : i32 to index
      %get3A_373 = arith.constant 384 : index
      %get3A_374 = tpu.vector_load %arg8[%get3A_372, %get3A_373] {strides = array<i32>} : memref<64x768xf32, #tpu.memory_space<vmem>>, vector<1x16xf32>,
      %get3A_375 = vector.shape_cast %get3A_374 : vector<1x16xf32> to vector<16xf32>
      %add3A_376 = arith.addf %get3A_371, %get3A_375 : vector<16xf32>
      %swap3A_377 = arith.index_cast %scan3A_32 : i32 to index
      %swap3A_378 = arith.constant 384 : index
      %swap3A_379 = tpu.vector_load %arg7[%swap3A_377, %swap3A_378] {strides = array<i32>} : memref<64x768xf32, #tpu.memory_space<vmem>>, vector<1x16xf32>,
      %swap3A_380 = vector.shape_cast %swap3A_379 : vector<1x16xf32> to vector<16xf32>
      %swap3A_381 = vector.shape_cast %add3A_376 : vector<16xf32> to vector<1x16xf32>
      tpu.vector_store %arg7[%swap3A_377, %swap3A_378], %swap3A_381 {strides = array<i32>} : memref<64x768xf32, #tpu.memory_space<vmem>>, vector<1x16xf32>,
      %get3A_382 = arith.index_cast %scan3A_32 : i32 to index
      %get3A_383 = arith.constant 400 : index
      %get3A_384 = tpu.vector_load %arg7[%get3A_382, %get3A_383] {strides = array<i32>} : memref<64x768xf32, #tpu.memory_space<vmem>>, vector<1x16xf32>,
      %get3A_385 = vector.shape_cast %get3A_384 : vector<1x16xf32> to vector<16xf32>
      %get3A_386 = arith.index_cast %scan3A_32 : i32 to index
      %get3A_387 = arith.constant 400 : index
      %get3A_388 = tpu.vector_load %arg8[%get3A_386, %get3A_387] {strides = array<i32>} : memref<64x768xf32, #tpu.memory_space<vmem>>, vector<1x16xf32>,
      %get3A_389 = vector.shape_cast %get3A_388 : vector<1x16xf32> to vector<16xf32>
      %add3A_390 = arith.addf %get3A_385, %get3A_389 : vector<16xf32>
      %swap3A_391 = arith.index_cast %scan3A_32 : i32 to index
      %swap3A_392 = arith.constant 400 : index
      %swap3A_393 = tpu.vector_load %arg7[%swap3A_391, %swap3A_392] {strides = array<i32>} : memref<64x768xf32, #tpu.memory_space<vmem>>, vector<1x16xf32>,
      %swap3A_394 = vector.shape_cast %swap3A_393 : vector<1x16xf32> to vector<16xf32>
      %swap3A_395 = vector.shape_cast %add3A_390 : vector<16xf32> to vector<1x16xf32>
      tpu.vector_store %arg7[%swap3A_391, %swap3A_392], %swap3A_395 {strides = array<i32>} : memref<64x768xf32, #tpu.memory_space<vmem>>, vector<1x16xf32>,
      %get3A_396 = arith.index_cast %scan3A_32 : i32 to index
      %get3A_397 = arith.constant 416 : index
      %get3A_398 = tpu.vector_load %arg7[%get3A_396, %get3A_397] {strides = array<i32>} : memref<64x768xf32, #tpu.memory_space<vmem>>, vector<1x16xf32>,
      %get3A_399 = vector.shape_cast %get3A_398 : vector<1x16xf32> to vector<16xf32>
      %get3A_400 = arith.index_cast %scan3A_32 : i32 to index
      %get3A_401 = arith.constant 416 : index
      %get3A_402 = tpu.vector_load %arg8[%get3A_400, %get3A_401] {strides = array<i32>} : memref<64x768xf32, #tpu.memory_space<vmem>>, vector<1x16xf32>,
      %get3A_403 = vector.shape_cast %get3A_402 : vector<1x16xf32> to vector<16xf32>
      %add3A_404 = arith.addf %get3A_399, %get3A_403 : vector<16xf32>
      %swap3A_405 = arith.index_cast %scan3A_32 : i32 to index
      %swap3A_406 = arith.constant 416 : index
      %swap3A_407 = tpu.vector_load %arg7[%swap3A_405, %swap3A_406] {strides = array<i32>} : memref<64x768xf32, #tpu.memory_space<vmem>>, vector<1x16xf32>,
      %swap3A_408 = vector.shape_cast %swap3A_407 : vector<1x16xf32> to vector<16xf32>
      %swap3A_409 = vector.shape_cast %add3A_404 : vector<16xf32> to vector<1x16xf32>
      tpu.vector_store %arg7[%swap3A_405, %swap3A_406], %swap3A_409 {strides = array<i32>} : memref<64x768xf32, #tpu.memory_space<vmem>>, vector<1x16xf32>,
      %get3A_410 = arith.index_cast %scan3A_32 : i32 to index
      %get3A_411 = arith.constant 432 : index
      %get3A_412 = tpu.vector_load %arg7[%get3A_410, %get3A_411] {strides = array<i32>} : memref<64x768xf32, #tpu.memory_space<vmem>>, vector<1x16xf32>,
      %get3A_413 = vector.shape_cast %get3A_412 : vector<1x16xf32> to vector<16xf32>
      %get3A_414 = arith.index_cast %scan3A_32 : i32 to index
      %get3A_415 = arith.constant 432 : index
      %get3A_416 = tpu.vector_load %arg8[%get3A_414, %get3A_415] {strides = array<i32>} : memref<64x768xf32, #tpu.memory_space<vmem>>, vector<1x16xf32>,
      %get3A_417 = vector.shape_cast %get3A_416 : vector<1x16xf32> to vector<16xf32>
      %add3A_418 = arith.addf %get3A_413, %get3A_417 : vector<16xf32>
      %swap3A_419 = arith.index_cast %scan3A_32 : i32 to index
      %swap3A_420 = arith.constant 432 : index
      %swap3A_421 = tpu.vector_load %arg7[%swap3A_419, %swap3A_420] {strides = array<i32>} : memref<64x768xf32, #tpu.memory_space<vmem>>, vector<1x16xf32>,
      %swap3A_422 = vector.shape_cast %swap3A_421 : vector<1x16xf32> to vector<16xf32>
      %swap3A_423 = vector.shape_cast %add3A_418 : vector<16xf32> to vector<1x16xf32>
      tpu.vector_store %arg7[%swap3A_419, %swap3A_420], %swap3A_423 {strides = array<i32>} : memref<64x768xf32, #tpu.memory_space<vmem>>, vector<1x16xf32>,
      %get3A_424 = arith.index_cast %scan3A_32 : i32 to index
      %get3A_425 = arith.constant 448 : index
      %get3A_426 = tpu.vector_load %arg7[%get3A_424, %get3A_425] {strides = array<i32>} : memref<64x768xf32, #tpu.memory_space<vmem>>, vector<1x16xf32>,
      %get3A_427 = vector.shape_cast %get3A_426 : vector<1x16xf32> to vector<16xf32>
      %get3A_428 = arith.index_cast %scan3A_32 : i32 to index
      %get3A_429 = arith.constant 448 : index
      %get3A_430 = tpu.vector_load %arg8[%get3A_428, %get3A_429] {strides = array<i32>} : memref<64x768xf32, #tpu.memory_space<vmem>>, vector<1x16xf32>,
      %get3A_431 = vector.shape_cast %get3A_430 : vector<1x16xf32> to vector<16xf32>
      %add3A_432 = arith.addf %get3A_427, %get3A_431 : vector<16xf32>
      %swap3A_433 = arith.index_cast %scan3A_32 : i32 to index
      %swap3A_434 = arith.constant 448 : index
      %swap3A_435 = tpu.vector_load %arg7[%swap3A_433, %swap3A_434] {strides = array<i32>} : memref<64x768xf32, #tpu.memory_space<vmem>>, vector<1x16xf32>,
      %swap3A_436 = vector.shape_cast %swap3A_435 : vector<1x16xf32> to vector<16xf32>
      %swap3A_437 = vector.shape_cast %add3A_432 : vector<16xf32> to vector<1x16xf32>
      tpu.vector_store %arg7[%swap3A_433, %swap3A_434], %swap3A_437 {strides = array<i32>} : memref<64x768xf32, #tpu.memory_space<vmem>>, vector<1x16xf32>,
      %get3A_438 = arith.index_cast %scan3A_32 : i32 to index
      %get3A_439 = arith.constant 464 : index
      %get3A_440 = tpu.vector_load %arg7[%get3A_438, %get3A_439] {strides = array<i32>} : memref<64x768xf32, #tpu.memory_space<vmem>>, vector<1x16xf32>,
      %get3A_441 = vector.shape_cast %get3A_440 : vector<1x16xf32> to vector<16xf32>
      %get3A_442 = arith.index_cast %scan3A_32 : i32 to index
      %get3A_443 = arith.constant 464 : index
      %get3A_444 = tpu.vector_load %arg8[%get3A_442, %get3A_443] {strides = array<i32>} : memref<64x768xf32, #tpu.memory_space<vmem>>, vector<1x16xf32>,
      %get3A_445 = vector.shape_cast %get3A_444 : vector<1x16xf32> to vector<16xf32>
      %add3A_446 = arith.addf %get3A_441, %get3A_445 : vector<16xf32>
      %swap3A_447 = arith.index_cast %scan3A_32 : i32 to index
      %swap3A_448 = arith.constant 464 : index
      %swap3A_449 = tpu.vector_load %arg7[%swap3A_447, %swap3A_448] {strides = array<i32>} : memref<64x768xf32, #tpu.memory_space<vmem>>, vector<1x16xf32>,
      %swap3A_450 = vector.shape_cast %swap3A_449 : vector<1x16xf32> to vector<16xf32>
      %swap3A_451 = vector.shape_cast %add3A_446 : vector<16xf32> to vector<1x16xf32>
      tpu.vector_store %arg7[%swap3A_447, %swap3A_448], %swap3A_451 {strides = array<i32>} : memref<64x768xf32, #tpu.memory_space<vmem>>, vector<1x16xf32>,
      %get3A_452 = arith.index_cast %scan3A_32 : i32 to index
      %get3A_453 = arith.constant 480 : index
      %get3A_454 = tpu.vector_load %arg7[%get3A_452, %get3A_453] {strides = array<i32>} : memref<64x768xf32, #tpu.memory_space<vmem>>, vector<1x16xf32>,
      %get3A_455 = vector.shape_cast %get3A_454 : vector<1x16xf32> to vector<16xf32>
      %get3A_456 = arith.index_cast %scan3A_32 : i32 to index
      %get3A_457 = arith.constant 480 : index
      %get3A_458 = tpu.vector_load %arg8[%get3A_456, %get3A_457] {strides = array<i32>} : memref<64x768xf32, #tpu.memory_space<vmem>>, vector<1x16xf32>,
      %get3A_459 = vector.shape_cast %get3A_458 : vector<1x16xf32> to vector<16xf32>
      %add3A_460 = arith.addf %get3A_455, %get3A_459 : vector<16xf32>
      %swap3A_461 = arith.index_cast %scan3A_32 : i32 to index
      %swap3A_462 = arith.constant 480 : index
      %swap3A_463 = tpu.vector_load %arg7[%swap3A_461, %swap3A_462] {strides = array<i32>} : memref<64x768xf32, #tpu.memory_space<vmem>>, vector<1x16xf32>,
      %swap3A_464 = vector.shape_cast %swap3A_463 : vector<1x16xf32> to vector<16xf32>
      %swap3A_465 = vector.shape_cast %add3A_460 : vector<16xf32> to vector<1x16xf32>
      tpu.vector_store %arg7[%swap3A_461, %swap3A_462], %swap3A_465 {strides = array<i32>} : memref<64x768xf32, #tpu.memory_space<vmem>>, vector<1x16xf32>,
      %get3A_466 = arith.index_cast %scan3A_32 : i32 to index
      %get3A_467 = arith.constant 496 : index
      %get3A_468 = tpu.vector_load %arg7[%get3A_466, %get3A_467] {strides = array<i32>} : memref<64x768xf32, #tpu.memory_space<vmem>>, vector<1x16xf32>,
      %get3A_469 = vector.shape_cast %get3A_468 : vector<1x16xf32> to vector<16xf32>
      %get3A_470 = arith.index_cast %scan3A_32 : i32 to index
      %get3A_471 = arith.constant 496 : index
      %get3A_472 = tpu.vector_load %arg8[%get3A_470, %get3A_471] {strides = array<i32>} : memref<64x768xf32, #tpu.memory_space<vmem>>, vector<1x16xf32>,
      %get3A_473 = vector.shape_cast %get3A_472 : vector<1x16xf32> to vector<16xf32>
      %add3A_474 = arith.addf %get3A_469, %get3A_473 : vector<16xf32>
      %swap3A_475 = arith.index_cast %scan3A_32 : i32 to index
      %swap3A_476 = arith.constant 496 : index
      %swap3A_477 = tpu.vector_load %arg7[%swap3A_475, %swap3A_476] {strides = array<i32>} : memref<64x768xf32, #tpu.memory_space<vmem>>, vector<1x16xf32>,
      %swap3A_478 = vector.shape_cast %swap3A_477 : vector<1x16xf32> to vector<16xf32>
      %swap3A_479 = vector.shape_cast %add3A_474 : vector<16xf32> to vector<1x16xf32>
      tpu.vector_store %arg7[%swap3A_475, %swap3A_476], %swap3A_479 {strides = array<i32>} : memref<64x768xf32, #tpu.memory_space<vmem>>, vector<1x16xf32>,
      %get3A_480 = arith.index_cast %scan3A_32 : i32 to index
      %get3A_481 = arith.constant 512 : index
      %get3A_482 = tpu.vector_load %arg7[%get3A_480, %get3A_481] {strides = array<i32>} : memref<64x768xf32, #tpu.memory_space<vmem>>, vector<1x16xf32>,
      %get3A_483 = vector.shape_cast %get3A_482 : vector<1x16xf32> to vector<16xf32>
      %get3A_484 = arith.index_cast %scan3A_32 : i32 to index
      %get3A_485 = arith.constant 512 : index
      %get3A_486 = tpu.vector_load %arg8[%get3A_484, %get3A_485] {strides = array<i32>} : memref<64x768xf32, #tpu.memory_space<vmem>>, vector<1x16xf32>,
      %get3A_487 = vector.shape_cast %get3A_486 : vector<1x16xf32> to vector<16xf32>
      %add3A_488 = arith.addf %get3A_483, %get3A_487 : vector<16xf32>
      %swap3A_489 = arith.index_cast %scan3A_32 : i32 to index
      %swap3A_490 = arith.constant 512 : index
      %swap3A_491 = tpu.vector_load %arg7[%swap3A_489, %swap3A_490] {strides = array<i32>} : memref<64x768xf32, #tpu.memory_space<vmem>>, vector<1x16xf32>,
      %swap3A_492 = vector.shape_cast %swap3A_491 : vector<1x16xf32> to vector<16xf32>
      %swap3A_493 = vector.shape_cast %add3A_488 : vector<16xf32> to vector<1x16xf32>
      tpu.vector_store %arg7[%swap3A_489, %swap3A_490], %swap3A_493 {strides = array<i32>} : memref<64x768xf32, #tpu.memory_space<vmem>>, vector<1x16xf32>,
      %get3A_494 = arith.index_cast %scan3A_32 : i32 to index
      %get3A_495 = arith.constant 528 : index
      %get3A_496 = tpu.vector_load %arg7[%get3A_494, %get3A_495] {strides = array<i32>} : memref<64x768xf32, #tpu.memory_space<vmem>>, vector<1x16xf32>,
      %get3A_497 = vector.shape_cast %get3A_496 : vector<1x16xf32> to vector<16xf32>
      %get3A_498 = arith.index_cast %scan3A_32 : i32 to index
      %get3A_499 = arith.constant 528 : index
      %get3A_500 = tpu.vector_load %arg8[%get3A_498, %get3A_499] {strides = array<i32>} : memref<64x768xf32, #tpu.memory_space<vmem>>, vector<1x16xf32>,
      %get3A_501 = vector.shape_cast %get3A_500 : vector<1x16xf32> to vector<16xf32>
      %add3A_502 = arith.addf %get3A_497, %get3A_501 : vector<16xf32>
      %swap3A_503 = arith.index_cast %scan3A_32 : i32 to index
      %swap3A_504 = arith.constant 528 : index
      %swap3A_505 = tpu.vector_load %arg7[%swap3A_503, %swap3A_504] {strides = array<i32>} : memref<64x768xf32, #tpu.memory_space<vmem>>, vector<1x16xf32>,
      %swap3A_506 = vector.shape_cast %swap3A_505 : vector<1x16xf32> to vector<16xf32>
      %swap3A_507 = vector.shape_cast %add3A_502 : vector<16xf32> to vector<1x16xf32>
      tpu.vector_store %arg7[%swap3A_503, %swap3A_504], %swap3A_507 {strides = array<i32>} : memref<64x768xf32, #tpu.memory_space<vmem>>, vector<1x16xf32>,
      %get3A_508 = arith.index_cast %scan3A_32 : i32 to index
      %get3A_509 = arith.constant 544 : index
      %get3A_510 = tpu.vector_load %arg7[%get3A_508, %get3A_509] {strides = array<i32>} : memref<64x768xf32, #tpu.memory_space<vmem>>, vector<1x16xf32>,
      %get3A_511 = vector.shape_cast %get3A_510 : vector<1x16xf32> to vector<16xf32>
      %get3A_512 = arith.index_cast %scan3A_32 : i32 to index
      %get3A_513 = arith.constant 544 : index
      %get3A_514 = tpu.vector_load %arg8[%get3A_512, %get3A_513] {strides = array<i32>} : memref<64x768xf32, #tpu.memory_space<vmem>>, vector<1x16xf32>,
      %get3A_515 = vector.shape_cast %get3A_514 : vector<1x16xf32> to vector<16xf32>
      %add3A_516 = arith.addf %get3A_511, %get3A_515 : vector<16xf32>
      %swap3A_517 = arith.index_cast %scan3A_32 : i32 to index
      %swap3A_518 = arith.constant 544 : index
      %swap3A_519 = tpu.vector_load %arg7[%swap3A_517, %swap3A_518] {strides = array<i32>} : memref<64x768xf32, #tpu.memory_space<vmem>>, vector<1x16xf32>,
      %swap3A_520 = vector.shape_cast %swap3A_519 : vector<1x16xf32> to vector<16xf32>
      %swap3A_521 = vector.shape_cast %add3A_516 : vector<16xf32> to vector<1x16xf32>
      tpu.vector_store %arg7[%swap3A_517, %swap3A_518], %swap3A_521 {strides = array<i32>} : memref<64x768xf32, #tpu.memory_space<vmem>>, vector<1x16xf32>,
      %get3A_522 = arith.index_cast %scan3A_32 : i32 to index
      %get3A_523 = arith.constant 560 : index
      %get3A_524 = tpu.vector_load %arg7[%get3A_522, %get3A_523] {strides = array<i32>} : memref<64x768xf32, #tpu.memory_space<vmem>>, vector<1x16xf32>,
      %get3A_525 = vector.shape_cast %get3A_524 : vector<1x16xf32> to vector<16xf32>
      %get3A_526 = arith.index_cast %scan3A_32 : i32 to index
      %get3A_527 = arith.constant 560 : index
      %get3A_528 = tpu.vector_load %arg8[%get3A_526, %get3A_527] {strides = array<i32>} : memref<64x768xf32, #tpu.memory_space<vmem>>, vector<1x16xf32>,
      %get3A_529 = vector.shape_cast %get3A_528 : vector<1x16xf32> to vector<16xf32>
      %add3A_530 = arith.addf %get3A_525, %get3A_529 : vector<16xf32>
      %swap3A_531 = arith.index_cast %scan3A_32 : i32 to index
      %swap3A_532 = arith.constant 560 : index
      %swap3A_533 = tpu.vector_load %arg7[%swap3A_531, %swap3A_532] {strides = array<i32>} : memref<64x768xf32, #tpu.memory_space<vmem>>, vector<1x16xf32>,
      %swap3A_534 = vector.shape_cast %swap3A_533 : vector<1x16xf32> to vector<16xf32>
      %swap3A_535 = vector.shape_cast %add3A_530 : vector<16xf32> to vector<1x16xf32>
      tpu.vector_store %arg7[%swap3A_531, %swap3A_532], %swap3A_535 {strides = array<i32>} : memref<64x768xf32, #tpu.memory_space<vmem>>, vector<1x16xf32>,
      %get3A_536 = arith.index_cast %scan3A_32 : i32 to index
      %get3A_537 = arith.constant 576 : index
      %get3A_538 = tpu.vector_load %arg7[%get3A_536, %get3A_537] {strides = array<i32>} : memref<64x768xf32, #tpu.memory_space<vmem>>, vector<1x16xf32>,
      %get3A_539 = vector.shape_cast %get3A_538 : vector<1x16xf32> to vector<16xf32>
      %get3A_540 = arith.index_cast %scan3A_32 : i32 to index
      %get3A_541 = arith.constant 576 : index
      %get3A_542 = tpu.vector_load %arg8[%get3A_540, %get3A_541] {strides = array<i32>} : memref<64x768xf32, #tpu.memory_space<vmem>>, vector<1x16xf32>,
      %get3A_543 = vector.shape_cast %get3A_542 : vector<1x16xf32> to vector<16xf32>
      %add3A_544 = arith.addf %get3A_539, %get3A_543 : vector<16xf32>
      %swap3A_545 = arith.index_cast %scan3A_32 : i32 to index
      %swap3A_546 = arith.constant 576 : index
      %swap3A_547 = tpu.vector_load %arg7[%swap3A_545, %swap3A_546] {strides = array<i32>} : memref<64x768xf32, #tpu.memory_space<vmem>>, vector<1x16xf32>,
      %swap3A_548 = vector.shape_cast %swap3A_547 : vector<1x16xf32> to vector<16xf32>
      %swap3A_549 = vector.shape_cast %add3A_544 : vector<16xf32> to vector<1x16xf32>
      tpu.vector_store %arg7[%swap3A_545, %swap3A_546], %swap3A_549 {strides = array<i32>} : memref<64x768xf32, #tpu.memory_space<vmem>>, vector<1x16xf32>,
      %get3A_550 = arith.index_cast %scan3A_32 : i32 to index
      %get3A_551 = arith.constant 592 : index
      %get3A_552 = tpu.vector_load %arg7[%get3A_550, %get3A_551] {strides = array<i32>} : memref<64x768xf32, #tpu.memory_space<vmem>>, vector<1x16xf32>,
      %get3A_553 = vector.shape_cast %get3A_552 : vector<1x16xf32> to vector<16xf32>
      %get3A_554 = arith.index_cast %scan3A_32 : i32 to index
      %get3A_555 = arith.constant 592 : index
      %get3A_556 = tpu.vector_load %arg8[%get3A_554, %get3A_555] {strides = array<i32>} : memref<64x768xf32, #tpu.memory_space<vmem>>, vector<1x16xf32>,
      %get3A_557 = vector.shape_cast %get3A_556 : vector<1x16xf32> to vector<16xf32>
      %add3A_558 = arith.addf %get3A_553, %get3A_557 : vector<16xf32>
      %swap3A_559 = arith.index_cast %scan3A_32 : i32 to index
      %swap3A_560 = arith.constant 592 : index
      %swap3A_561 = tpu.vector_load %arg7[%swap3A_559, %swap3A_560] {strides = array<i32>} : memref<64x768xf32, #tpu.memory_space<vmem>>, vector<1x16xf32>,
      %swap3A_562 = vector.shape_cast %swap3A_561 : vector<1x16xf32> to vector<16xf32>
      %swap3A_563 = vector.shape_cast %add3A_558 : vector<16xf32> to vector<1x16xf32>
      tpu.vector_store %arg7[%swap3A_559, %swap3A_560], %swap3A_563 {strides = array<i32>} : memref<64x768xf32, #tpu.memory_space<vmem>>, vector<1x16xf32>,
      %get3A_564 = arith.index_cast %scan3A_32 : i32 to index
      %get3A_565 = arith.constant 608 : index
      %get3A_566 = tpu.vector_load %arg7[%get3A_564, %get3A_565] {strides = array<i32>} : memref<64x768xf32, #tpu.memory_space<vmem>>, vector<1x16xf32>,
      %get3A_567 = vector.shape_cast %get3A_566 : vector<1x16xf32> to vector<16xf32>
      %get3A_568 = arith.index_cast %scan3A_32 : i32 to index
      %get3A_569 = arith.constant 608 : index
      %get3A_570 = tpu.vector_load %arg8[%get3A_568, %get3A_569] {strides = array<i32>} : memref<64x768xf32, #tpu.memory_space<vmem>>, vector<1x16xf32>,
      %get3A_571 = vector.shape_cast %get3A_570 : vector<1x16xf32> to vector<16xf32>
      %add3A_572 = arith.addf %get3A_567, %get3A_571 : vector<16xf32>
      %swap3A_573 = arith.index_cast %scan3A_32 : i32 to index
      %swap3A_574 = arith.constant 608 : index
      %swap3A_575 = tpu.vector_load %arg7[%swap3A_573, %swap3A_574] {strides = array<i32>} : memref<64x768xf32, #tpu.memory_space<vmem>>, vector<1x16xf32>,
      %swap3A_576 = vector.shape_cast %swap3A_575 : vector<1x16xf32> to vector<16xf32>
      %swap3A_577 = vector.shape_cast %add3A_572 : vector<16xf32> to vector<1x16xf32>
      tpu.vector_store %arg7[%swap3A_573, %swap3A_574], %swap3A_577 {strides = array<i32>} : memref<64x768xf32, #tpu.memory_space<vmem>>, vector<1x16xf32>,
      %get3A_578 = arith.index_cast %scan3A_32 : i32 to index
      %get3A_579 = arith.constant 624 : index
      %get3A_580 = tpu.vector_load %arg7[%get3A_578, %get3A_579] {strides = array<i32>} : memref<64x768xf32, #tpu.memory_space<vmem>>, vector<1x16xf32>,
      %get3A_581 = vector.shape_cast %get3A_580 : vector<1x16xf32> to vector<16xf32>
      %get3A_582 = arith.index_cast %scan3A_32 : i32 to index
      %get3A_583 = arith.constant 624 : index
      %get3A_584 = tpu.vector_load %arg8[%get3A_582, %get3A_583] {strides = array<i32>} : memref<64x768xf32, #tpu.memory_space<vmem>>, vector<1x16xf32>,
      %get3A_585 = vector.shape_cast %get3A_584 : vector<1x16xf32> to vector<16xf32>
      %add3A_586 = arith.addf %get3A_581, %get3A_585 : vector<16xf32>
      %swap3A_587 = arith.index_cast %scan3A_32 : i32 to index
      %swap3A_588 = arith.constant 624 : index
      %swap3A_589 = tpu.vector_load %arg7[%swap3A_587, %swap3A_588] {strides = array<i32>} : memref<64x768xf32, #tpu.memory_space<vmem>>, vector<1x16xf32>,
      %swap3A_590 = vector.shape_cast %swap3A_589 : vector<1x16xf32> to vector<16xf32>
      %swap3A_591 = vector.shape_cast %add3A_586 : vector<16xf32> to vector<1x16xf32>
      tpu.vector_store %arg7[%swap3A_587, %swap3A_588], %swap3A_591 {strides = array<i32>} : memref<64x768xf32, #tpu.memory_space<vmem>>, vector<1x16xf32>,
      %get3A_592 = arith.index_cast %scan3A_32 : i32 to index
      %get3A_593 = arith.constant 640 : index
      %get3A_594 = tpu.vector_load %arg7[%get3A_592, %get3A_593] {strides = array<i32>} : memref<64x768xf32, #tpu.memory_space<vmem>>, vector<1x16xf32>,
      %get3A_595 = vector.shape_cast %get3A_594 : vector<1x16xf32> to vector<16xf32>
      %get3A_596 = arith.index_cast %scan3A_32 : i32 to index
      %get3A_597 = arith.constant 640 : index
      %get3A_598 = tpu.vector_load %arg8[%get3A_596, %get3A_597] {strides = array<i32>} : memref<64x768xf32, #tpu.memory_space<vmem>>, vector<1x16xf32>,
      %get3A_599 = vector.shape_cast %get3A_598 : vector<1x16xf32> to vector<16xf32>
      %add3A_600 = arith.addf %get3A_595, %get3A_599 : vector<16xf32>
      %swap3A_601 = arith.index_cast %scan3A_32 : i32 to index
      %swap3A_602 = arith.constant 640 : index
      %swap3A_603 = tpu.vector_load %arg7[%swap3A_601, %swap3A_602] {strides = array<i32>} : memref<64x768xf32, #tpu.memory_space<vmem>>, vector<1x16xf32>,
      %swap3A_604 = vector.shape_cast %swap3A_603 : vector<1x16xf32> to vector<16xf32>
      %swap3A_605 = vector.shape_cast %add3A_600 : vector<16xf32> to vector<1x16xf32>
      tpu.vector_store %arg7[%swap3A_601, %swap3A_602], %swap3A_605 {strides = array<i32>} : memref<64x768xf32, #tpu.memory_space<vmem>>, vector<1x16xf32>,
      %get3A_606 = arith.index_cast %scan3A_32 : i32 to index
      %get3A_607 = arith.constant 656 : index
      %get3A_608 = tpu.vector_load %arg7[%get3A_606, %get3A_607] {strides = array<i32>} : memref<64x768xf32, #tpu.memory_space<vmem>>, vector<1x16xf32>,
      %get3A_609 = vector.shape_cast %get3A_608 : vector<1x16xf32> to vector<16xf32>
      %get3A_610 = arith.index_cast %scan3A_32 : i32 to index
      %get3A_611 = arith.constant 656 : index
      %get3A_612 = tpu.vector_load %arg8[%get3A_610, %get3A_611] {strides = array<i32>} : memref<64x768xf32, #tpu.memory_space<vmem>>, vector<1x16xf32>,
      %get3A_613 = vector.shape_cast %get3A_612 : vector<1x16xf32> to vector<16xf32>
      %add3A_614 = arith.addf %get3A_609, %get3A_613 : vector<16xf32>
      %swap3A_615 = arith.index_cast %scan3A_32 : i32 to index
      %swap3A_616 = arith.constant 656 : index
      %swap3A_617 = tpu.vector_load %arg7[%swap3A_615, %swap3A_616] {strides = array<i32>} : memref<64x768xf32, #tpu.memory_space<vmem>>, vector<1x16xf32>,
      %swap3A_618 = vector.shape_cast %swap3A_617 : vector<1x16xf32> to vector<16xf32>
      %swap3A_619 = vector.shape_cast %add3A_614 : vector<16xf32> to vector<1x16xf32>
      tpu.vector_store %arg7[%swap3A_615, %swap3A_616], %swap3A_619 {strides = array<i32>} : memref<64x768xf32, #tpu.memory_space<vmem>>, vector<1x16xf32>,
      %get3A_620 = arith.index_cast %scan3A_32 : i32 to index
      %get3A_621 = arith.constant 672 : index
      %get3A_622 = tpu.vector_load %arg7[%get3A_620, %get3A_621] {strides = array<i32>} : memref<64x768xf32, #tpu.memory_space<vmem>>, vector<1x16xf32>,
      %get3A_623 = vector.shape_cast %get3A_622 : vector<1x16xf32> to vector<16xf32>
      %get3A_624 = arith.index_cast %scan3A_32 : i32 to index
      %get3A_625 = arith.constant 672 : index
      %get3A_626 = tpu.vector_load %arg8[%get3A_624, %get3A_625] {strides = array<i32>} : memref<64x768xf32, #tpu.memory_space<vmem>>, vector<1x16xf32>,
      %get3A_627 = vector.shape_cast %get3A_626 : vector<1x16xf32> to vector<16xf32>
      %add3A_628 = arith.addf %get3A_623, %get3A_627 : vector<16xf32>
      %swap3A_629 = arith.index_cast %scan3A_32 : i32 to index
      %swap3A_630 = arith.constant 672 : index
      %swap3A_631 = tpu.vector_load %arg7[%swap3A_629, %swap3A_630] {strides = array<i32>} : memref<64x768xf32, #tpu.memory_space<vmem>>, vector<1x16xf32>,
      %swap3A_632 = vector.shape_cast %swap3A_631 : vector<1x16xf32> to vector<16xf32>
      %swap3A_633 = vector.shape_cast %add3A_628 : vector<16xf32> to vector<1x16xf32>
      tpu.vector_store %arg7[%swap3A_629, %swap3A_630], %swap3A_633 {strides = array<i32>} : memref<64x768xf32, #tpu.memory_space<vmem>>, vector<1x16xf32>,
      %get3A_634 = arith.index_cast %scan3A_32 : i32 to index
      %get3A_635 = arith.constant 688 : index
      %get3A_636 = tpu.vector_load %arg7[%get3A_634, %get3A_635] {strides = array<i32>} : memref<64x768xf32, #tpu.memory_space<vmem>>, vector<1x16xf32>,
      %get3A_637 = vector.shape_cast %get3A_636 : vector<1x16xf32> to vector<16xf32>
      %get3A_638 = arith.index_cast %scan3A_32 : i32 to index
      %get3A_639 = arith.constant 688 : index
      %get3A_640 = tpu.vector_load %arg8[%get3A_638, %get3A_639] {strides = array<i32>} : memref<64x768xf32, #tpu.memory_space<vmem>>, vector<1x16xf32>,
      %get3A_641 = vector.shape_cast %get3A_640 : vector<1x16xf32> to vector<16xf32>
      %add3A_642 = arith.addf %get3A_637, %get3A_641 : vector<16xf32>
      %swap3A_643 = arith.index_cast %scan3A_32 : i32 to index
      %swap3A_644 = arith.constant 688 : index
      %swap3A_645 = tpu.vector_load %arg7[%swap3A_643, %swap3A_644] {strides = array<i32>} : memref<64x768xf32, #tpu.memory_space<vmem>>, vector<1x16xf32>,
      %swap3A_646 = vector.shape_cast %swap3A_645 : vector<1x16xf32> to vector<16xf32>
      %swap3A_647 = vector.shape_cast %add3A_642 : vector<16xf32> to vector<1x16xf32>
      tpu.vector_store %arg7[%swap3A_643, %swap3A_644], %swap3A_647 {strides = array<i32>} : memref<64x768xf32, #tpu.memory_space<vmem>>, vector<1x16xf32>,
      %get3A_648 = arith.index_cast %scan3A_32 : i32 to index
      %get3A_649 = arith.constant 704 : index
      %get3A_650 = tpu.vector_load %arg7[%get3A_648, %get3A_649] {strides = array<i32>} : memref<64x768xf32, #tpu.memory_space<vmem>>, vector<1x16xf32>,
      %get3A_651 = vector.shape_cast %get3A_650 : vector<1x16xf32> to vector<16xf32>
      %get3A_652 = arith.index_cast %scan3A_32 : i32 to index
      %get3A_653 = arith.constant 704 : index
      %get3A_654 = tpu.vector_load %arg8[%get3A_652, %get3A_653] {strides = array<i32>} : memref<64x768xf32, #tpu.memory_space<vmem>>, vector<1x16xf32>,
      %get3A_655 = vector.shape_cast %get3A_654 : vector<1x16xf32> to vector<16xf32>
      %add3A_656 = arith.addf %get3A_651, %get3A_655 : vector<16xf32>
      %swap3A_657 = arith.index_cast %scan3A_32 : i32 to index
      %swap3A_658 = arith.constant 704 : index
      %swap3A_659 = tpu.vector_load %arg7[%swap3A_657, %swap3A_658] {strides = array<i32>} : memref<64x768xf32, #tpu.memory_space<vmem>>, vector<1x16xf32>,
      %swap3A_660 = vector.shape_cast %swap3A_659 : vector<1x16xf32> to vector<16xf32>
      %swap3A_661 = vector.shape_cast %add3A_656 : vector<16xf32> to vector<1x16xf32>
      tpu.vector_store %arg7[%swap3A_657, %swap3A_658], %swap3A_661 {strides = array<i32>} : memref<64x768xf32, #tpu.memory_space<vmem>>, vector<1x16xf32>,
      %get3A_662 = arith.index_cast %scan3A_32 : i32 to index
      %get3A_663 = arith.constant 720 : index
      %get3A_664 = tpu.vector_load %arg7[%get3A_662, %get3A_663] {strides = array<i32>} : memref<64x768xf32, #tpu.memory_space<vmem>>, vector<1x16xf32>,
      %get3A_665 = vector.shape_cast %get3A_664 : vector<1x16xf32> to vector<16xf32>
      %get3A_666 = arith.index_cast %scan3A_32 : i32 to index
      %get3A_667 = arith.constant 720 : index
      %get3A_668 = tpu.vector_load %arg8[%get3A_666, %get3A_667] {strides = array<i32>} : memref<64x768xf32, #tpu.memory_space<vmem>>, vector<1x16xf32>,
      %get3A_669 = vector.shape_cast %get3A_668 : vector<1x16xf32> to vector<16xf32>
      %add3A_670 = arith.addf %get3A_665, %get3A_669 : vector<16xf32>
      %swap3A_671 = arith.index_cast %scan3A_32 : i32 to index
      %swap3A_672 = arith.constant 720 : index
      %swap3A_673 = tpu.vector_load %arg7[%swap3A_671, %swap3A_672] {strides = array<i32>} : memref<64x768xf32, #tpu.memory_space<vmem>>, vector<1x16xf32>,
      %swap3A_674 = vector.shape_cast %swap3A_673 : vector<1x16xf32> to vector<16xf32>
      %swap3A_675 = vector.shape_cast %add3A_670 : vector<16xf32> to vector<1x16xf32>
      tpu.vector_store %arg7[%swap3A_671, %swap3A_672], %swap3A_675 {strides = array<i32>} : memref<64x768xf32, #tpu.memory_space<vmem>>, vector<1x16xf32>,
      %get3A_676 = arith.index_cast %scan3A_32 : i32 to index
      %get3A_677 = arith.constant 736 : index
      %get3A_678 = tpu.vector_load %arg7[%get3A_676, %get3A_677] {strides = array<i32>} : memref<64x768xf32, #tpu.memory_space<vmem>>, vector<1x16xf32>,
      %get3A_679 = vector.shape_cast %get3A_678 : vector<1x16xf32> to vector<16xf32>
      %get3A_680 = arith.index_cast %scan3A_32 : i32 to index
      %get3A_681 = arith.constant 736 : index
      %get3A_682 = tpu.vector_load %arg8[%get3A_680, %get3A_681] {strides = array<i32>} : memref<64x768xf32, #tpu.memory_space<vmem>>, vector<1x16xf32>,
      %get3A_683 = vector.shape_cast %get3A_682 : vector<1x16xf32> to vector<16xf32>
      %add3A_684 = arith.addf %get3A_679, %get3A_683 : vector<16xf32>
      %swap3A_685 = arith.index_cast %scan3A_32 : i32 to index
      %swap3A_686 = arith.constant 736 : index
      %swap3A_687 = tpu.vector_load %arg7[%swap3A_685, %swap3A_686] {strides = array<i32>} : memref<64x768xf32, #tpu.memory_space<vmem>>, vector<1x16xf32>,
      %swap3A_688 = vector.shape_cast %swap3A_687 : vector<1x16xf32> to vector<16xf32>
      %swap3A_689 = vector.shape_cast %add3A_684 : vector<16xf32> to vector<1x16xf32>
      tpu.vector_store %arg7[%swap3A_685, %swap3A_686], %swap3A_689 {strides = array<i32>} : memref<64x768xf32, #tpu.memory_space<vmem>>, vector<1x16xf32>,
      %get3A_690 = arith.index_cast %scan3A_32 : i32 to index
      %get3A_691 = arith.constant 752 : index
      %get3A_692 = tpu.vector_load %arg7[%get3A_690, %get3A_691] {strides = array<i32>} : memref<64x768xf32, #tpu.memory_space<vmem>>, vector<1x16xf32>,
      %get3A_693 = vector.shape_cast %get3A_692 : vector<1x16xf32> to vector<16xf32>
      %get3A_694 = arith.index_cast %scan3A_32 : i32 to index
      %get3A_695 = arith.constant 752 : index
      %get3A_696 = tpu.vector_load %arg8[%get3A_694, %get3A_695] {strides = array<i32>} : memref<64x768xf32, #tpu.memory_space<vmem>>, vector<1x16xf32>,
      %get3A_697 = vector.shape_cast %get3A_696 : vector<1x16xf32> to vector<16xf32>
      %add3A_698 = arith.addf %get3A_693, %get3A_697 : vector<16xf32>
      %swap3A_699 = arith.index_cast %scan3A_32 : i32 to index
      %swap3A_700 = arith.constant 752 : index
      %swap3A_701 = tpu.vector_load %arg7[%swap3A_699, %swap3A_700] {strides = array<i32>} : memref<64x768xf32, #tpu.memory_space<vmem>>, vector<1x16xf32>,
      %swap3A_702 = vector.shape_cast %swap3A_701 : vector<1x16xf32> to vector<16xf32>
      %swap3A_703 = vector.shape_cast %add3A_698 : vector<16xf32> to vector<1x16xf32>
      tpu.vector_store %arg7[%swap3A_699, %swap3A_700], %swap3A_703 {strides = array<i32>} : memref<64x768xf32, #tpu.memory_space<vmem>>, vector<1x16xf32>,
      %scan3A_704 = arith.constant 0 : i32
      scf.yield %scan3A_704 : i32
    }
    %scan3A_31 = arith.constant 64 : i32
    "tpu.region"() ({
      %run_scoped3A = tpu.sem_alloc : memref<!tpu.dma_semaphore, #tpu.memory_space<semaphore_mem>>
      %dma_start3A_32 = arith.constant 0 : i32
      %dma_start3A_33 = tpu.memref_slice %arg5[%add3A_18, %dma_start3A_32] : memref<4096x768xf32, #tpu.memory_space<hbm>> -> memref<64x768xf32, #tpu.memory_space<hbm>>
      %dma_start3A_34 = arith.constant 0 : i32
      %dma_start3A_35 = tpu.memref_slice %arg5[%add3A_18, %dma_start3A_34] : memref<4096x768xf32, #tpu.memory_space<hbm>> -> memref<64x768xf32, #tpu.memory_space<hbm>>
      tpu.enqueue_dma source(%arg7 : memref<64x768xf32, #tpu.memory_space<vmem>>) target(%dma_start3A_35 : memref<64x768xf32, #tpu.memory_space<hbm>>) target_semaphore(%run_scoped3A : memref<!tpu.dma_semaphore, #tpu.memory_space<semaphore_mem>>)
      %dma_wait3A_36 = arith.constant 0 : i32
      %dma_wait3A_37 = tpu.memref_slice %arg5[%add3A_18, %dma_wait3A_36] : memref<4096x768xf32, #tpu.memory_space<hbm>> -> memref<64x768xf32, #tpu.memory_space<hbm>>
      %dma_wait3A_38 = arith.constant 0 : i32
      %dma_wait3A_39 = tpu.memref_slice %arg5[%add3A_18, %dma_wait3A_38] : memref<4096x768xf32, #tpu.memory_space<hbm>> -> memref<64x768xf32, #tpu.memory_space<hbm>>
      tpu.wait_dma2 semaphore(%run_scoped3A : memref<!tpu.dma_semaphore, #tpu.memory_space<semaphore_mem>>) src(%arg7 : memref<64x768xf32, #tpu.memory_space<vmem>>) dst(%dma_wait3A_39 : memref<64x768xf32, #tpu.memory_space<hbm>>)
      tpu.yield
    }) : () -> ()
    return
  }
}

module attributes {stable_mosaic.version = 14 : i64} {
  func.func @_bookkeep_body(%arg0: memref<1x64xf32, #tpu.memory_space<vmem>>, %arg1: memref<4096x1xi32, #tpu.memory_space<vmem>>, %arg2: memref<4096x1xi32, #tpu.memory_space<vmem>>, %arg3: memref<4096x1xi32, #tpu.memory_space<vmem>>, %arg4: memref<96x1xi32, #tpu.memory_space<vmem>>, %arg5: memref<96x1xi32, #tpu.memory_space<vmem>>) attributes {dimension_semantics = [], scalar_prefetch = 0 : i64, scratch_operands = 0 : i64, tpu.core_type = #tpu.core_type<tc>} {
    %get3A = arith.constant 0 : index
    %get3A_0 = arith.constant 0 : index
    %get3A_1 = vector.load %arg0[%get3A, %get3A_0] : memref<1x64xf32, #tpu.memory_space<vmem>>, vector<1x64xf32>
    %add3A = arith.constant 1.270000e+02 : f32
    %add3A_2 = vector.broadcast %add3A : f32 to vector<1x64xf32>
    %add3A_3 = arith.addf %get3A_1, %add3A_2 : vector<1x64xf32>
    %mul3A = arith.constant 7.812500e-03 : f32
    %mul3A_4 = vector.broadcast %mul3A : f32 to vector<1x64xf32>
    %mul3A_5 = arith.mulf %add3A_3, %mul3A_4 : vector<1x64xf32>
    %floor3A = math.floor %mul3A_5 : vector<1x64xf32>
    %iota3A = tpu.iota {dimensions = array<i32: 0>} : vector<64x64xi32>
    %iota3A_6 = tpu.iota {dimensions = array<i32: 1>} : vector<64x64xi32>
    %le3A = arith.cmpi sle, %iota3A, %iota3A_6 : vector<64x64xi32>
    %convert_element_type3A = arith.extui %le3A : vector<64x64xi1> to vector<64x64xi32>
    %convert_element_type3A_7 = arith.sitofp %convert_element_type3A : vector<64x64xi32> to vector<64x64xf32>
    %dot_general3A = arith.constant dense<0.000000e+00> : vector<1x64xf32>
    %dot_general3A_8 = tpu.matmul %floor3A, %convert_element_type3A_7, %dot_general3A {dimension_numbers = #tpu.dot_dimension_numbers<[1], [0], [0], [1], [0, 0, 1, 1], [], []>, transpose_lhs_hint = false} : vector<1x64xf32>, vector<64x64xf32>, vector<1x64xf32> -> vector<1x64xf32>
    %sub3A = arith.subf %dot_general3A_8, %floor3A : vector<1x64xf32>
    %mul3A_9 = arith.constant 1.280000e+02 : f32
    %mul3A_10 = vector.broadcast %mul3A_9 : f32 to vector<1x64xf32>
    %mul3A_11 = arith.mulf %sub3A, %mul3A_10 : vector<1x64xf32>
    %get3A_12 = arith.constant 0 : index
    %get3A_13 = arith.constant 0 : index
    %get3A_14 = vector.load %arg1[%get3A_12, %get3A_13] : memref<4096x1xi32, #tpu.memory_space<vmem>>, vector<4096x1xi32>
    %iota3A_15 = tpu.iota {dimensions = array<i32: 1>} : vector<4096x64xi32>
    %eq3A = vector.broadcast %get3A_14 : vector<4096x1xi32> to vector<4096x64xi32>
    %eq3A_16 = arith.cmpi eq, %eq3A, %iota3A_15 : vector<4096x64xi32>
    %convert_element_type3A_17 = arith.extui %eq3A_16 : vector<4096x64xi1> to vector<4096x64xi32>
    %convert_element_type3A_18 = arith.sitofp %convert_element_type3A_17 : vector<4096x64xi32> to vector<4096x64xf32>
    %mul3A_19 = vector.broadcast %mul3A_11 : vector<1x64xf32> to vector<4096x64xf32>
    %mul3A_20 = arith.mulf %convert_element_type3A_18, %mul3A_19 : vector<4096x64xf32>
    %reduce_sum3A = arith.constant dense<0.000000e+00> : vector<4096xf32>
    %reduce_sum3A_21 = vector.multi_reduction <add>, %mul3A_20, %reduce_sum3A [1] : vector<4096x64xf32> to vector<4096xf32>
    %broadcast_in_dim3A = vector.shape_cast %reduce_sum3A_21 : vector<4096xf32> to vector<4096x1xf32>
    %get3A_22 = arith.constant 0 : index
    %get3A_23 = arith.constant 0 : index
    %get3A_24 = vector.load %arg2[%get3A_22, %get3A_23] : memref<4096x1xi32, #tpu.memory_space<vmem>>, vector<4096x1xi32>
    %convert_element_type3A_25 = arith.sitofp %get3A_24 : vector<4096x1xi32> to vector<4096x1xf32>
    %add3A_26 = arith.addf %broadcast_in_dim3A, %convert_element_type3A_25 : vector<4096x1xf32>
    %convert_element_type3A_27 = arith.fptosi %add3A_26 : vector<4096x1xf32> to vector<4096x1xi32>
    %swap3A = arith.constant 0 : index
    %swap3A_28 = arith.constant 0 : index
    %swap3A_29 = vector.load %arg3[%swap3A, %swap3A_28] : memref<4096x1xi32, #tpu.memory_space<vmem>>, vector<4096x1xi32>
    tpu.vector_store %arg3[%swap3A, %swap3A_28], %convert_element_type3A_27 {strides = array<i32>} : memref<4096x1xi32, #tpu.memory_space<vmem>>, vector<4096x1xi32>,
    %iota3A_30 = tpu.iota {dimensions = array<i32: 0>} : vector<96x64xi32>
    %convert_element_type3A_31 = arith.sitofp %iota3A_30 : vector<96x64xi32> to vector<96x64xf32>
    %le3A_32 = vector.broadcast %dot_general3A_8 : vector<1x64xf32> to vector<96x64xf32>
    %le3A_33 = arith.cmpf ole, %le3A_32, %convert_element_type3A_31 : vector<96x64xf32>
    %convert_element_type3A_34 = arith.extui %le3A_33 : vector<96x64xi1> to vector<96x64xi32>
    %convert_element_type3A_35 = arith.sitofp %convert_element_type3A_34 : vector<96x64xi32> to vector<96x64xf32>
    %reduce_sum3A_36 = arith.constant dense<0.000000e+00> : vector<96xf32>
    %reduce_sum3A_37 = vector.multi_reduction <add>, %convert_element_type3A_35, %reduce_sum3A_36 [1] : vector<96x64xf32> to vector<96xf32>
    %broadcast_in_dim3A_38 = vector.shape_cast %reduce_sum3A_37 : vector<96xf32> to vector<96x1xf32>
    %min3A = arith.constant 6.300000e+01 : f32
    %min3A_39 = vector.broadcast %min3A : f32 to vector<96x1xf32>
    %min3A_40 = arith.minimumf %broadcast_in_dim3A_38, %min3A_39 : vector<96x1xf32>
    %reduce_sum3A_41 = vector.shape_cast %floor3A : vector<1x64xf32> to vector<1x1x64xf32>
    %reduce_sum3A_42 = arith.constant dense<0.000000e+00> : vector<1xf32>
    %reduce_sum3A_43 = vector.multi_reduction <add>, %reduce_sum3A_41, %reduce_sum3A_42 [1, 2] : vector<1x1x64xf32> to vector<1xf32>
    %reduce_sum3A_44 = vector.shape_cast %reduce_sum3A_43 : vector<1xf32> to vector<1x1x1xf32>
    %reduce_sum3A_45 = vector.extract %reduce_sum3A_44[0, 0, 0] : f32 from vector<1x1x1xf32>
    %iota3A_46 = tpu.iota {dimensions = array<i32: 0>} : vector<96x1xi32>
    %convert_element_type3A_47 = arith.sitofp %iota3A_46 : vector<96x1xi32> to vector<96x1xf32>
    %lt3A = vector.broadcast %reduce_sum3A_45 : f32 to vector<96x1xf32>
    %lt3A_48 = arith.cmpf olt, %convert_element_type3A_47, %lt3A : vector<96x1xf32>
    %convert_element_type3A_49 = arith.extui %lt3A_48 : vector<96x1xi1> to vector<96x1xi32>
    %convert_element_type3A_50 = arith.sitofp %convert_element_type3A_49 : vector<96x1xi32> to vector<96x1xf32>
    %mul3A_51 = arith.mulf %min3A_40, %convert_element_type3A_50 : vector<96x1xf32>
    %reduce_max3A = vector.shape_cast %mul3A_51 : vector<96x1xf32> to vector<1x96x1xf32>
    %reduce_max3A_52 = arith.constant dense<0xFF800000> : vector<1xf32>
    %reduce_max3A_53 = vector.multi_reduction <maximumf>, %reduce_max3A, %reduce_max3A_52 [1, 2] : vector<1x96x1xf32> to vector<1xf32>
    %reduce_max3A_54 = vector.shape_cast %reduce_max3A_53 : vector<1xf32> to vector<1x1x1xf32>
    %reduce_max3A_55 = vector.extract %reduce_max3A_54[0, 0, 0] : f32 from vector<1x1x1xf32>
    %gt3A = arith.constant 0.000000e+00 : f32
    %gt3A_56 = vector.broadcast %gt3A : f32 to vector<96x1xf32>
    %gt3A_57 = arith.cmpf ogt, %convert_element_type3A_50, %gt3A_56 : vector<96x1xf32>
    %broadcast_in_dim3A_58 = vector.broadcast %reduce_max3A_55 : f32 to vector<96x1xf32>
    %select_n3A = arith.select %gt3A_57, %min3A_40, %broadcast_in_dim3A_58 : vector<96x1xi1>, vector<96x1xf32>
    %convert_element_type3A_59 = arith.fptosi %select_n3A : vector<96x1xf32> to vector<96x1xi32>
    %swap3A_60 = arith.constant 0 : index
    %swap3A_61 = arith.constant 0 : index
    %swap3A_62 = vector.load %arg4[%swap3A_60, %swap3A_61] : memref<96x1xi32, #tpu.memory_space<vmem>>, vector<96x1xi32>
    tpu.vector_store %arg4[%swap3A_60, %swap3A_61], %convert_element_type3A_59 {strides = array<i32>} : memref<96x1xi32, #tpu.memory_space<vmem>>, vector<96x1xi32>,
    %convert_element_type3A_63 = arith.fptosi %convert_element_type3A_50 : vector<96x1xf32> to vector<96x1xi32>
    %swap3A_64 = arith.constant 0 : index
    %swap3A_65 = arith.constant 0 : index
    %swap3A_66 = vector.load %arg5[%swap3A_64, %swap3A_65] : memref<96x1xi32, #tpu.memory_space<vmem>>, vector<96x1xi32>
    tpu.vector_store %arg5[%swap3A_64, %swap3A_65], %convert_element_type3A_63 {strides = array<i32>} : memref<96x1xi32, #tpu.memory_space<vmem>>, vector<96x1xi32>,
    return
  }
}

module attributes {stable_mosaic.version = 14 : i64} {
  func.func @_expert_body(%arg0: i32, %arg1: memref<96xi32, #tpu.memory_space<smem>>, %arg2: memref<96xi32, #tpu.memory_space<smem>>, %arg3: memref<256x768xf32, #tpu.memory_space<vmem>>, %arg4: memref<1x768x768xf32, #tpu.memory_space<vmem>>, %arg5: memref<1x768x768xf32, #tpu.memory_space<vmem>>, %arg6: memref<1x768x768xf32, #tpu.memory_space<vmem>>, %arg7: memref<1x768x768xf32, #tpu.memory_space<vmem>>, %arg8: memref<1x768x768xf32, #tpu.memory_space<vmem>>, %arg9: memref<1x768x768xf32, #tpu.memory_space<vmem>>, %arg10: memref<256x768xf32, #tpu.memory_space<vmem>>) attributes {dimension_semantics = [#tpu.dimension_semantics<parallel>], iteration_bounds = array<i64: 48>, scalar_prefetch = 2 : i64, scratch_operands = 0 : i64, tpu.core_type = #tpu.core_type<tc>, window_params = [{transform_indices = @transform_0, window_bounds = array<i64: 256, 768>}, {transform_indices = @transform_1, window_bounds = array<i64: 1, 768, 768>}, {transform_indices = @transform_2, window_bounds = array<i64: 1, 768, 768>}, {transform_indices = @transform_3, window_bounds = array<i64: 1, 768, 768>}, {transform_indices = @transform_4, window_bounds = array<i64: 1, 768, 768>}, {transform_indices = @transform_5, window_bounds = array<i64: 1, 768, 768>}, {transform_indices = @transform_6, window_bounds = array<i64: 1, 768, 768>}, {transform_indices = @transform_7, window_bounds = array<i64: 256, 768>}]} {
    %mul3A = arith.constant 2 : i32
    %mul3A_0 = arith.muli %mul3A, %arg0 : i32
    %get3A = arith.index_cast %mul3A_0 : i32 to index
    %get3A_1 = memref.load %arg2[%get3A] : memref<96xi32, #tpu.memory_space<smem>>
    %gt3A = arith.constant 0 : i32
    %gt3A_2 = arith.cmpi sgt, %get3A_1, %gt3A : i32
    %convert_element_type3A = arith.extui %gt3A_2 : i1 to i32
    %cond3A = arith.constant 0 : i32
    %cond3A_3 = arith.cmpi ne, %convert_element_type3A, %cond3A : i32
    scf.if %cond3A_3 {
      %get3A_14 = arith.constant 0 : index
      %get3A_15 = arith.constant 0 : index
      %get3A_16 = vector.load %arg3[%get3A_14, %get3A_15] : memref<256x768xf32, #tpu.memory_space<vmem>>, vector<128x768xf32>
      %get3A_17 = arith.constant 0 : index
      %get3A_18 = arith.constant 0 : index
      %get3A_19 = arith.constant 0 : index
      %get3A_20 = vector.load %arg4[%get3A_17, %get3A_18, %get3A_19] : memref<1x768x768xf32, #tpu.memory_space<vmem>>, vector<1x768x768xf32>
      %get3A_21 = vector.shape_cast %get3A_20 : vector<1x768x768xf32> to vector<768x768xf32>
      %get3A_22 = arith.constant 0 : index
      %get3A_23 = arith.constant 0 : index
      %get3A_24 = arith.constant 0 : index
      %get3A_25 = vector.load %arg5[%get3A_22, %get3A_23, %get3A_24] : memref<1x768x768xf32, #tpu.memory_space<vmem>>, vector<1x768x768xf32>
      %get3A_26 = vector.shape_cast %get3A_25 : vector<1x768x768xf32> to vector<768x768xf32>
      %get3A_27 = arith.constant 0 : index
      %get3A_28 = arith.constant 0 : index
      %get3A_29 = arith.constant 0 : index
      %get3A_30 = vector.load %arg6[%get3A_27, %get3A_28, %get3A_29] : memref<1x768x768xf32, #tpu.memory_space<vmem>>, vector<1x768x768xf32>
      %get3A_31 = vector.shape_cast %get3A_30 : vector<1x768x768xf32> to vector<768x768xf32>
      %dot_general3A = arith.constant dense<0.000000e+00> : vector<128x768xf32>
      %dot_general3A_32 = tpu.matmul %get3A_16, %get3A_21, %dot_general3A {dimension_numbers = #tpu.dot_dimension_numbers<[1], [1], [0], [0], [0, 0, 1, 0], [], []>, transpose_lhs_hint = false} : vector<128x768xf32>, vector<768x768xf32>, vector<128x768xf32> -> vector<128x768xf32>
      %dot_general3A_33 = arith.constant dense<0.000000e+00> : vector<128x768xf32>
      %dot_general3A_34 = tpu.matmul %get3A_16, %get3A_26, %dot_general3A_33 {dimension_numbers = #tpu.dot_dimension_numbers<[1], [1], [0], [0], [0, 0, 1, 0], [], []>, transpose_lhs_hint = false} : vector<128x768xf32>, vector<768x768xf32>, vector<128x768xf32> -> vector<128x768xf32>
      %logistic3A = arith.negf %dot_general3A_32 : vector<128x768xf32>
      %logistic3A_35 = math.exp %logistic3A : vector<128x768xf32>
      %logistic3A_36 = arith.constant 1.000000e+00 : f32
      %logistic3A_37 = vector.broadcast %logistic3A_36 : f32 to vector<128x768xf32>
      %logistic3A_38 = arith.addf %logistic3A_37, %logistic3A_35 : vector<128x768xf32>
      %logistic3A_39 = arith.divf %logistic3A_37, %logistic3A_38 : vector<128x768xf32>
      %mul3A_40 = arith.mulf %dot_general3A_32, %logistic3A_39 : vector<128x768xf32>
      %mul3A_41 = arith.mulf %mul3A_40, %dot_general3A_34 : vector<128x768xf32>
      %dot_general3A_42 = arith.constant dense<0.000000e+00> : vector<128x768xf32>
      %dot_general3A_43 = tpu.matmul %mul3A_41, %get3A_31, %dot_general3A_42 {dimension_numbers = #tpu.dot_dimension_numbers<[1], [1], [0], [0], [0, 0, 1, 0], [], []>, transpose_lhs_hint = false} : vector<128x768xf32>, vector<768x768xf32>, vector<128x768xf32> -> vector<128x768xf32>
      %swap3A = arith.constant 0 : index
      %swap3A_44 = arith.constant 0 : index
      %swap3A_45 = vector.load %arg10[%swap3A, %swap3A_44] : memref<256x768xf32, #tpu.memory_space<vmem>>, vector<128x768xf32>
      tpu.vector_store %arg10[%swap3A, %swap3A_44], %dot_general3A_43 {strides = array<i32>} : memref<256x768xf32, #tpu.memory_space<vmem>>, vector<128x768xf32>,
    } else {
    }
    %mul3A_4 = arith.constant 2 : i32
    %mul3A_5 = arith.muli %mul3A_4, %arg0 : i32
    %add3A = arith.constant 1 : i32
    %add3A_6 = arith.addi %mul3A_5, %add3A : i32
    %get3A_7 = arith.index_cast %add3A_6 : i32 to index
    %get3A_8 = memref.load %arg2[%get3A_7] : memref<96xi32, #tpu.memory_space<smem>>
    %gt3A_9 = arith.constant 0 : i32
    %gt3A_10 = arith.cmpi sgt, %get3A_8, %gt3A_9 : i32
    %convert_element_type3A_11 = arith.extui %gt3A_10 : i1 to i32
    %cond3A_12 = arith.constant 0 : i32
    %cond3A_13 = arith.cmpi ne, %convert_element_type3A_11, %cond3A_12 : i32
    scf.if %cond3A_13 {
      %get3A_14 = arith.constant 128 : index
      %get3A_15 = arith.constant 0 : index
      %get3A_16 = vector.load %arg3[%get3A_14, %get3A_15] : memref<256x768xf32, #tpu.memory_space<vmem>>, vector<128x768xf32>
      %get3A_17 = arith.constant 0 : index
      %get3A_18 = arith.constant 0 : index
      %get3A_19 = arith.constant 0 : index
      %get3A_20 = vector.load %arg7[%get3A_17, %get3A_18, %get3A_19] : memref<1x768x768xf32, #tpu.memory_space<vmem>>, vector<1x768x768xf32>
      %get3A_21 = vector.shape_cast %get3A_20 : vector<1x768x768xf32> to vector<768x768xf32>
      %get3A_22 = arith.constant 0 : index
      %get3A_23 = arith.constant 0 : index
      %get3A_24 = arith.constant 0 : index
      %get3A_25 = vector.load %arg8[%get3A_22, %get3A_23, %get3A_24] : memref<1x768x768xf32, #tpu.memory_space<vmem>>, vector<1x768x768xf32>
      %get3A_26 = vector.shape_cast %get3A_25 : vector<1x768x768xf32> to vector<768x768xf32>
      %get3A_27 = arith.constant 0 : index
      %get3A_28 = arith.constant 0 : index
      %get3A_29 = arith.constant 0 : index
      %get3A_30 = vector.load %arg9[%get3A_27, %get3A_28, %get3A_29] : memref<1x768x768xf32, #tpu.memory_space<vmem>>, vector<1x768x768xf32>
      %get3A_31 = vector.shape_cast %get3A_30 : vector<1x768x768xf32> to vector<768x768xf32>
      %dot_general3A = arith.constant dense<0.000000e+00> : vector<128x768xf32>
      %dot_general3A_32 = tpu.matmul %get3A_16, %get3A_21, %dot_general3A {dimension_numbers = #tpu.dot_dimension_numbers<[1], [1], [0], [0], [0, 0, 1, 0], [], []>, transpose_lhs_hint = false} : vector<128x768xf32>, vector<768x768xf32>, vector<128x768xf32> -> vector<128x768xf32>
      %dot_general3A_33 = arith.constant dense<0.000000e+00> : vector<128x768xf32>
      %dot_general3A_34 = tpu.matmul %get3A_16, %get3A_26, %dot_general3A_33 {dimension_numbers = #tpu.dot_dimension_numbers<[1], [1], [0], [0], [0, 0, 1, 0], [], []>, transpose_lhs_hint = false} : vector<128x768xf32>, vector<768x768xf32>, vector<128x768xf32> -> vector<128x768xf32>
      %logistic3A = arith.negf %dot_general3A_32 : vector<128x768xf32>
      %logistic3A_35 = math.exp %logistic3A : vector<128x768xf32>
      %logistic3A_36 = arith.constant 1.000000e+00 : f32
      %logistic3A_37 = vector.broadcast %logistic3A_36 : f32 to vector<128x768xf32>
      %logistic3A_38 = arith.addf %logistic3A_37, %logistic3A_35 : vector<128x768xf32>
      %logistic3A_39 = arith.divf %logistic3A_37, %logistic3A_38 : vector<128x768xf32>
      %mul3A_40 = arith.mulf %dot_general3A_32, %logistic3A_39 : vector<128x768xf32>
      %mul3A_41 = arith.mulf %mul3A_40, %dot_general3A_34 : vector<128x768xf32>
      %dot_general3A_42 = arith.constant dense<0.000000e+00> : vector<128x768xf32>
      %dot_general3A_43 = tpu.matmul %mul3A_41, %get3A_31, %dot_general3A_42 {dimension_numbers = #tpu.dot_dimension_numbers<[1], [1], [0], [0], [0, 0, 1, 0], [], []>, transpose_lhs_hint = false} : vector<128x768xf32>, vector<768x768xf32>, vector<128x768xf32> -> vector<128x768xf32>
      %swap3A = arith.constant 128 : index
      %swap3A_44 = arith.constant 0 : index
      %swap3A_45 = vector.load %arg10[%swap3A, %swap3A_44] : memref<256x768xf32, #tpu.memory_space<vmem>>, vector<128x768xf32>
      tpu.vector_store %arg10[%swap3A, %swap3A_44], %dot_general3A_43 {strides = array<i32>} : memref<256x768xf32, #tpu.memory_space<vmem>>, vector<128x768xf32>,
    } else {
    }
    return
  }
  func.func @transform_0(%arg0: i32, %arg1: memref<96xi32, #tpu.memory_space<smem>>, %arg2: memref<96xi32, #tpu.memory_space<smem>>) -> (i32, i32) {
    %c0_i32 = arith.constant 0 : i32
    %c0_i32_0 = arith.constant 0 : i32
    return %arg0, %c0_i32 : i32, i32
  }
  func.func @transform_1(%arg0: i32, %arg1: memref<96xi32, #tpu.memory_space<smem>>, %arg2: memref<96xi32, #tpu.memory_space<smem>>) -> (i32, i32, i32) {
    %mul3A = arith.constant 2 : i32
    %mul3A_0 = arith.muli %mul3A, %arg0 : i32
    %get3A = arith.index_cast %mul3A_0 : i32 to index
    %get3A_1 = memref.load %arg1[%get3A] : memref<96xi32, #tpu.memory_space<smem>>
    %c0_i32 = arith.constant 0 : i32
    %c0_i32_2 = arith.constant 0 : i32
    %c0_i32_3 = arith.constant 0 : i32
    return %get3A_1, %c0_i32, %c0_i32_2 : i32, i32, i32
  }
  func.func @transform_2(%arg0: i32, %arg1: memref<96xi32, #tpu.memory_space<smem>>, %arg2: memref<96xi32, #tpu.memory_space<smem>>) -> (i32, i32, i32) {
    %mul3A = arith.constant 2 : i32
    %mul3A_0 = arith.muli %mul3A, %arg0 : i32
    %get3A = arith.index_cast %mul3A_0 : i32 to index
    %get3A_1 = memref.load %arg1[%get3A] : memref<96xi32, #tpu.memory_space<smem>>
    %c0_i32 = arith.constant 0 : i32
    %c0_i32_2 = arith.constant 0 : i32
    %c0_i32_3 = arith.constant 0 : i32
    return %get3A_1, %c0_i32, %c0_i32_2 : i32, i32, i32
  }
  func.func @transform_3(%arg0: i32, %arg1: memref<96xi32, #tpu.memory_space<smem>>, %arg2: memref<96xi32, #tpu.memory_space<smem>>) -> (i32, i32, i32) {
    %mul3A = arith.constant 2 : i32
    %mul3A_0 = arith.muli %mul3A, %arg0 : i32
    %get3A = arith.index_cast %mul3A_0 : i32 to index
    %get3A_1 = memref.load %arg1[%get3A] : memref<96xi32, #tpu.memory_space<smem>>
    %c0_i32 = arith.constant 0 : i32
    %c0_i32_2 = arith.constant 0 : i32
    %c0_i32_3 = arith.constant 0 : i32
    return %get3A_1, %c0_i32, %c0_i32_2 : i32, i32, i32
  }
  func.func @transform_4(%arg0: i32, %arg1: memref<96xi32, #tpu.memory_space<smem>>, %arg2: memref<96xi32, #tpu.memory_space<smem>>) -> (i32, i32, i32) {
    %mul3A = arith.constant 2 : i32
    %mul3A_0 = arith.muli %mul3A, %arg0 : i32
    %add3A = arith.constant 1 : i32
    %add3A_1 = arith.addi %mul3A_0, %add3A : i32
    %get3A = arith.index_cast %add3A_1 : i32 to index
    %get3A_2 = memref.load %arg1[%get3A] : memref<96xi32, #tpu.memory_space<smem>>
    %c0_i32 = arith.constant 0 : i32
    %c0_i32_3 = arith.constant 0 : i32
    %c0_i32_4 = arith.constant 0 : i32
    return %get3A_2, %c0_i32, %c0_i32_3 : i32, i32, i32
  }
  func.func @transform_5(%arg0: i32, %arg1: memref<96xi32, #tpu.memory_space<smem>>, %arg2: memref<96xi32, #tpu.memory_space<smem>>) -> (i32, i32, i32) {
    %mul3A = arith.constant 2 : i32
    %mul3A_0 = arith.muli %mul3A, %arg0 : i32
    %add3A = arith.constant 1 : i32
    %add3A_1 = arith.addi %mul3A_0, %add3A : i32
    %get3A = arith.index_cast %add3A_1 : i32 to index
    %get3A_2 = memref.load %arg1[%get3A] : memref<96xi32, #tpu.memory_space<smem>>
    %c0_i32 = arith.constant 0 : i32
    %c0_i32_3 = arith.constant 0 : i32
    %c0_i32_4 = arith.constant 0 : i32
    return %get3A_2, %c0_i32, %c0_i32_3 : i32, i32, i32
  }
  func.func @transform_6(%arg0: i32, %arg1: memref<96xi32, #tpu.memory_space<smem>>, %arg2: memref<96xi32, #tpu.memory_space<smem>>) -> (i32, i32, i32) {
    %mul3A = arith.constant 2 : i32
    %mul3A_0 = arith.muli %mul3A, %arg0 : i32
    %add3A = arith.constant 1 : i32
    %add3A_1 = arith.addi %mul3A_0, %add3A : i32
    %get3A = arith.index_cast %add3A_1 : i32 to index
    %get3A_2 = memref.load %arg1[%get3A] : memref<96xi32, #tpu.memory_space<smem>>
    %c0_i32 = arith.constant 0 : i32
    %c0_i32_3 = arith.constant 0 : i32
    %c0_i32_4 = arith.constant 0 : i32
    return %get3A_2, %c0_i32, %c0_i32_3 : i32, i32, i32
  }
  func.func @transform_7(%arg0: i32, %arg1: memref<96xi32, #tpu.memory_space<smem>>, %arg2: memref<96xi32, #tpu.memory_space<smem>>) -> (i32, i32) {
    %c0_i32 = arith.constant 0 : i32
    %c0_i32_0 = arith.constant 0 : i32
    return %arg0, %c0_i32 : i32, i32
  }
}

module attributes {stable_mosaic.version = 14 : i64} {
  func.func @_router_shared_body(%arg0: i32, %arg1: memref<512x768xf32, #tpu.memory_space<vmem>>, %arg2: memref<768x768xf32, #tpu.memory_space<vmem>>, %arg3: memref<768x768xf32, #tpu.memory_space<vmem>>, %arg4: memref<768x768xf32, #tpu.memory_space<vmem>>, %arg5: memref<64x768xf32, #tpu.memory_space<vmem>>, %arg6: memref<512x768xf32, #tpu.memory_space<vmem>>, %arg7: memref<512x64xf32, #tpu.memory_space<vmem>>, %arg8: memref<512x1xi32, #tpu.memory_space<vmem>>, %arg9: memref<512x1xi32, #tpu.memory_space<vmem>>, %arg10: memref<1x64xf32, #tpu.memory_space<vmem>>, %arg11: memref<1x64xf32, #tpu.memory_space<vmem>>) attributes {dimension_semantics = [#tpu.dimension_semantics<arbitrary>], iteration_bounds = array<i64: 8>, scalar_prefetch = 0 : i64, scratch_operands = 1 : i64, tpu.core_type = #tpu.core_type<tc>, window_params = [{transform_indices = @transform_0, window_bounds = array<i64: 512, 768>}, {pipeline_mode = #tpu.pipeline_mode<synchronous>, transform_indices = @transform_1, window_bounds = array<i64: 768, 768>}, {pipeline_mode = #tpu.pipeline_mode<synchronous>, transform_indices = @transform_2, window_bounds = array<i64: 768, 768>}, {pipeline_mode = #tpu.pipeline_mode<synchronous>, transform_indices = @transform_3, window_bounds = array<i64: 768, 768>}, {pipeline_mode = #tpu.pipeline_mode<synchronous>, transform_indices = @transform_4, window_bounds = array<i64: 64, 768>}, {transform_indices = @transform_5, window_bounds = array<i64: 512, 768>}, {transform_indices = @transform_6, window_bounds = array<i64: 512, 64>}, {transform_indices = @transform_7, window_bounds = array<i64: 512, 1>}, {transform_indices = @transform_8, window_bounds = array<i64: 512, 1>}, {pipeline_mode = #tpu.pipeline_mode<synchronous>, transform_indices = @transform_9, window_bounds = array<i64: 1, 64>}]} {
    %eq3A = arith.constant 0 : i32
    %eq3A_0 = arith.cmpi eq, %arg0, %eq3A : i32
    %convert_element_type3A = arith.extui %eq3A_0 : i1 to i32
    %cond3A = arith.constant 0 : i32
    %cond3A_1 = arith.cmpi ne, %convert_element_type3A, %cond3A : i32
    scf.if %cond3A_1 {
      %broadcast_in_dim3A_85 = arith.constant 0.000000e+00 : f32
      %broadcast_in_dim3A_86 = vector.broadcast %broadcast_in_dim3A_85 : f32 to vector<1x64xf32>
      %swap3A_87 = arith.constant 0 : index
      %swap3A_88 = arith.constant 0 : index
      %swap3A_89 = vector.load %arg11[%swap3A_87, %swap3A_88] : memref<1x64xf32, #tpu.memory_space<vmem>>, vector<1x64xf32>
      tpu.vector_store %arg11[%swap3A_87, %swap3A_88], %broadcast_in_dim3A_86 {strides = array<i32>} : memref<1x64xf32, #tpu.memory_space<vmem>>, vector<1x64xf32>,
    } else {
    }
    %get3A = arith.constant 0 : index
    %get3A_2 = arith.constant 0 : index
    %get3A_3 = vector.load %arg1[%get3A, %get3A_2] : memref<512x768xf32, #tpu.memory_space<vmem>>, vector<512x768xf32>
    %get3A_4 = arith.constant 0 : index
    %get3A_5 = arith.constant 0 : index
    %get3A_6 = vector.load %arg2[%get3A_4, %get3A_5] : memref<768x768xf32, #tpu.memory_space<vmem>>, vector<768x768xf32>
    %get3A_7 = arith.constant 0 : index
    %get3A_8 = arith.constant 0 : index
    %get3A_9 = vector.load %arg3[%get3A_7, %get3A_8] : memref<768x768xf32, #tpu.memory_space<vmem>>, vector<768x768xf32>
    %get3A_10 = arith.constant 0 : index
    %get3A_11 = arith.constant 0 : index
    %get3A_12 = vector.load %arg4[%get3A_10, %get3A_11] : memref<768x768xf32, #tpu.memory_space<vmem>>, vector<768x768xf32>
    %dot_general3A = arith.constant dense<0.000000e+00> : vector<512x768xf32>
    %dot_general3A_13 = tpu.matmul %get3A_3, %get3A_6, %dot_general3A {dimension_numbers = #tpu.dot_dimension_numbers<[1], [1], [0], [0], [0, 0, 1, 0], [], []>, transpose_lhs_hint = false} : vector<512x768xf32>, vector<768x768xf32>, vector<512x768xf32> -> vector<512x768xf32>
    %dot_general3A_14 = arith.constant dense<0.000000e+00> : vector<512x768xf32>
    %dot_general3A_15 = tpu.matmul %get3A_3, %get3A_9, %dot_general3A_14 {dimension_numbers = #tpu.dot_dimension_numbers<[1], [1], [0], [0], [0, 0, 1, 0], [], []>, transpose_lhs_hint = false} : vector<512x768xf32>, vector<768x768xf32>, vector<512x768xf32> -> vector<512x768xf32>
    %logistic3A = arith.negf %dot_general3A_13 : vector<512x768xf32>
    %logistic3A_16 = math.exp %logistic3A : vector<512x768xf32>
    %logistic3A_17 = arith.constant 1.000000e+00 : f32
    %logistic3A_18 = vector.broadcast %logistic3A_17 : f32 to vector<512x768xf32>
    %logistic3A_19 = arith.addf %logistic3A_18, %logistic3A_16 : vector<512x768xf32>
    %logistic3A_20 = arith.divf %logistic3A_18, %logistic3A_19 : vector<512x768xf32>
    %mul3A = arith.mulf %dot_general3A_13, %logistic3A_20 : vector<512x768xf32>
    %mul3A_21 = arith.mulf %mul3A, %dot_general3A_15 : vector<512x768xf32>
    %dot_general3A_22 = arith.constant dense<0.000000e+00> : vector<512x768xf32>
    %dot_general3A_23 = tpu.matmul %mul3A_21, %get3A_12, %dot_general3A_22 {dimension_numbers = #tpu.dot_dimension_numbers<[1], [1], [0], [0], [0, 0, 1, 0], [], []>, transpose_lhs_hint = false} : vector<512x768xf32>, vector<768x768xf32>, vector<512x768xf32> -> vector<512x768xf32>
    %swap3A = arith.constant 0 : index
    %swap3A_24 = arith.constant 0 : index
    %swap3A_25 = vector.load %arg6[%swap3A, %swap3A_24] : memref<512x768xf32, #tpu.memory_space<vmem>>, vector<512x768xf32>
    tpu.vector_store %arg6[%swap3A, %swap3A_24], %dot_general3A_23 {strides = array<i32>} : memref<512x768xf32, #tpu.memory_space<vmem>>, vector<512x768xf32>,
    %get3A_26 = arith.constant 0 : index
    %get3A_27 = arith.constant 0 : index
    %get3A_28 = vector.load %arg5[%get3A_26, %get3A_27] : memref<64x768xf32, #tpu.memory_space<vmem>>, vector<64x768xf32>
    %dot_general3A_29 = arith.constant dense<0.000000e+00> : vector<512x64xf32>
    %dot_general3A_30 = tpu.matmul %get3A_3, %get3A_28, %dot_general3A_29 {dimension_numbers = #tpu.dot_dimension_numbers<[1], [1], [0], [0], [0, 0, 1, 0], [], []>, transpose_lhs_hint = false} : vector<512x768xf32>, vector<64x768xf32>, vector<512x64xf32> -> vector<512x64xf32>
    %reduce_max3A = arith.constant dense<0xFF800000> : vector<512xf32>
    %reduce_max3A_31 = vector.multi_reduction <maximumf>, %dot_general3A_30, %reduce_max3A [1] : vector<512x64xf32> to vector<512xf32>
    %broadcast_in_dim3A = vector.shape_cast %reduce_max3A_31 : vector<512xf32> to vector<512x1xf32>
    %sub3A = vector.broadcast %broadcast_in_dim3A : vector<512x1xf32> to vector<512x64xf32>
    %sub3A_32 = arith.subf %dot_general3A_30, %sub3A : vector<512x64xf32>
    %exp3A = math.exp %sub3A_32 : vector<512x64xf32>
    %reduce_sum3A = arith.constant dense<0.000000e+00> : vector<512xf32>
    %reduce_sum3A_33 = vector.multi_reduction <add>, %exp3A, %reduce_sum3A [1] : vector<512x64xf32> to vector<512xf32>
    %broadcast_in_dim3A_34 = vector.shape_cast %reduce_sum3A_33 : vector<512xf32> to vector<512x1xf32>
    %div3A = vector.broadcast %broadcast_in_dim3A_34 : vector<512x1xf32> to vector<512x64xf32>
    %div3A_35 = arith.divf %exp3A, %div3A : vector<512x64xf32>
    %swap3A_36 = arith.constant 0 : index
    %swap3A_37 = arith.constant 0 : index
    %swap3A_38 = vector.load %arg7[%swap3A_36, %swap3A_37] : memref<512x64xf32, #tpu.memory_space<vmem>>, vector<512x64xf32>
    tpu.vector_store %arg7[%swap3A_36, %swap3A_37], %div3A_35 {strides = array<i32>} : memref<512x64xf32, #tpu.memory_space<vmem>>, vector<512x64xf32>,
    %iota3A = tpu.iota {dimensions = array<i32: 1>} : vector<512x64xi32>
    %reduce_max3A_39 = arith.constant dense<0xFF800000> : vector<512xf32>
    %reduce_max3A_40 = vector.multi_reduction <maximumf>, %dot_general3A_30, %reduce_max3A_39 [1] : vector<512x64xf32> to vector<512xf32>
    %broadcast_in_dim3A_41 = vector.shape_cast %reduce_max3A_40 : vector<512xf32> to vector<512x1xf32>
    %eq3A_42 = vector.broadcast %broadcast_in_dim3A_41 : vector<512x1xf32> to vector<512x64xf32>
    %eq3A_43 = arith.cmpf oeq, %dot_general3A_30, %eq3A_42 : vector<512x64xf32>
    %jit3A = arith.constant 64 : i32
    %broadcast_in_dim3A_44 = vector.broadcast %jit3A : i32 to vector<512x64xi32>
    %select_n3A = arith.select %eq3A_43, %iota3A, %broadcast_in_dim3A_44 : vector<512x64xi1>, vector<512x64xi32>
    %reduce_min3A = arith.constant dense<2147483647> : vector<512xi32>
    %reduce_min3A_45 = vector.multi_reduction <minsi>, %select_n3A, %reduce_min3A [1] : vector<512x64xi32> to vector<512xi32>
    %broadcast_in_dim3A_46 = vector.shape_cast %reduce_min3A_45 : vector<512xi32> to vector<512x1xi32>
    %swap3A_47 = arith.constant 0 : index
    %swap3A_48 = arith.constant 0 : index
    %swap3A_49 = vector.load %arg8[%swap3A_47, %swap3A_48] : memref<512x1xi32, #tpu.memory_space<vmem>>, vector<512x1xi32>
    tpu.vector_store %arg8[%swap3A_47, %swap3A_48], %broadcast_in_dim3A_46 {strides = array<i32>} : memref<512x1xi32, #tpu.memory_space<vmem>>, vector<512x1xi32>,
    %broadcast_in_dim3A_50 = vector.shape_cast %reduce_min3A_45 : vector<512xi32> to vector<512x1xi32>
    %iota3A_51 = tpu.iota {dimensions = array<i32: 1>} : vector<1x64xi32>
    %eq3A_52 = vector.broadcast %broadcast_in_dim3A_50 : vector<512x1xi32> to vector<512x64xi32>
    %eq3A_53 = vector.broadcast %iota3A_51 : vector<1x64xi32> to vector<512x64xi32>
    %eq3A_54 = arith.cmpi eq, %eq3A_52, %eq3A_53 : vector<512x64xi32>
    %convert_element_type3A_55 = arith.extui %eq3A_54 : vector<512x64xi1> to vector<512x64xi32>
    %convert_element_type3A_56 = arith.sitofp %convert_element_type3A_55 : vector<512x64xi32> to vector<512x64xf32>
    %iota3A_57 = tpu.iota {dimensions = array<i32: 0>} : vector<512x512xi32>
    %iota3A_58 = tpu.iota {dimensions = array<i32: 1>} : vector<512x512xi32>
    %lt3A = arith.cmpi slt, %iota3A_58, %iota3A_57 : vector<512x512xi32>
    %convert_element_type3A_59 = arith.extui %lt3A : vector<512x512xi1> to vector<512x512xi32>
    %convert_element_type3A_60 = arith.sitofp %convert_element_type3A_59 : vector<512x512xi32> to vector<512x512xf32>
    %dot_general3A_61 = arith.constant dense<0.000000e+00> : vector<512x64xf32>
    %dot_general3A_62 = tpu.matmul %convert_element_type3A_60, %convert_element_type3A_56, %dot_general3A_61 {dimension_numbers = #tpu.dot_dimension_numbers<[1], [0], [0], [1], [0, 0, 1, 1], [], []>, transpose_lhs_hint = false} : vector<512x512xf32>, vector<512x64xf32>, vector<512x64xf32> -> vector<512x64xf32>
    %get3A_63 = arith.constant 0 : index
    %get3A_64 = arith.constant 0 : index
    %get3A_65 = vector.load %arg11[%get3A_63, %get3A_64] : memref<1x64xf32, #tpu.memory_space<vmem>>, vector<1x64xf32>
    %add3A = vector.broadcast %get3A_65 : vector<1x64xf32> to vector<512x64xf32>
    %add3A_66 = arith.addf %dot_general3A_62, %add3A : vector<512x64xf32>
    %mul3A_67 = arith.mulf %add3A_66, %convert_element_type3A_56 : vector<512x64xf32>
    %reduce_sum3A_68 = arith.constant dense<0.000000e+00> : vector<512xf32>
    %reduce_sum3A_69 = vector.multi_reduction <add>, %mul3A_67, %reduce_sum3A_68 [1] : vector<512x64xf32> to vector<512xf32>
    %broadcast_in_dim3A_70 = vector.shape_cast %reduce_sum3A_69 : vector<512xf32> to vector<512x1xf32>
    %convert_element_type3A_71 = arith.fptosi %broadcast_in_dim3A_70 : vector<512x1xf32> to vector<512x1xi32>
    %swap3A_72 = arith.constant 0 : index
    %swap3A_73 = arith.constant 0 : index
    %swap3A_74 = vector.load %arg9[%swap3A_72, %swap3A_73] : memref<512x1xi32, #tpu.memory_space<vmem>>, vector<512x1xi32>
    tpu.vector_store %arg9[%swap3A_72, %swap3A_73], %convert_element_type3A_71 {strides = array<i32>} : memref<512x1xi32, #tpu.memory_space<vmem>>, vector<512x1xi32>,
    %reduce_sum3A_75 = arith.constant dense<0.000000e+00> : vector<64xf32>
    %reduce_sum3A_76 = vector.multi_reduction <add>, %convert_element_type3A_56, %reduce_sum3A_75 [0] : vector<512x64xf32> to vector<64xf32>
    %broadcast_in_dim3A_77 = vector.shape_cast %reduce_sum3A_76 : vector<64xf32> to vector<1x64xf32>
    %add3A_78 = arith.addf %get3A_65, %broadcast_in_dim3A_77 : vector<1x64xf32>
    %swap3A_79 = arith.constant 0 : index
    %swap3A_80 = arith.constant 0 : index
    %swap3A_81 = vector.load %arg11[%swap3A_79, %swap3A_80] : memref<1x64xf32, #tpu.memory_space<vmem>>, vector<1x64xf32>
    tpu.vector_store %arg11[%swap3A_79, %swap3A_80], %add3A_78 {strides = array<i32>} : memref<1x64xf32, #tpu.memory_space<vmem>>, vector<1x64xf32>,
    %swap3A_82 = arith.constant 0 : index
    %swap3A_83 = arith.constant 0 : index
    %swap3A_84 = vector.load %arg10[%swap3A_82, %swap3A_83] : memref<1x64xf32, #tpu.memory_space<vmem>>, vector<1x64xf32>
    tpu.vector_store %arg10[%swap3A_82, %swap3A_83], %add3A_78 {strides = array<i32>} : memref<1x64xf32, #tpu.memory_space<vmem>>, vector<1x64xf32>,
    return
  }
  func.func @transform_0(%arg0: i32) -> (i32, i32) {
    %c0_i32 = arith.constant 0 : i32
    %c0_i32_0 = arith.constant 0 : i32
    return %arg0, %c0_i32 : i32, i32
  }
  func.func @transform_1(%arg0: i32) -> (i32, i32) {
    %c0_i32 = arith.constant 0 : i32
    %c0_i32_0 = arith.constant 0 : i32
    %c0_i32_1 = arith.constant 0 : i32
    return %c0_i32, %c0_i32_0 : i32, i32
  }
  func.func @transform_2(%arg0: i32) -> (i32, i32) {
    %c0_i32 = arith.constant 0 : i32
    %c0_i32_0 = arith.constant 0 : i32
    %c0_i32_1 = arith.constant 0 : i32
    return %c0_i32, %c0_i32_0 : i32, i32
  }
  func.func @transform_3(%arg0: i32) -> (i32, i32) {
    %c0_i32 = arith.constant 0 : i32
    %c0_i32_0 = arith.constant 0 : i32
    %c0_i32_1 = arith.constant 0 : i32
    return %c0_i32, %c0_i32_0 : i32, i32
  }
  func.func @transform_4(%arg0: i32) -> (i32, i32) {
    %c0_i32 = arith.constant 0 : i32
    %c0_i32_0 = arith.constant 0 : i32
    %c0_i32_1 = arith.constant 0 : i32
    return %c0_i32, %c0_i32_0 : i32, i32
  }
  func.func @transform_5(%arg0: i32) -> (i32, i32) {
    %c0_i32 = arith.constant 0 : i32
    %c0_i32_0 = arith.constant 0 : i32
    return %arg0, %c0_i32 : i32, i32
  }
  func.func @transform_6(%arg0: i32) -> (i32, i32) {
    %c0_i32 = arith.constant 0 : i32
    %c0_i32_0 = arith.constant 0 : i32
    return %arg0, %c0_i32 : i32, i32
  }
  func.func @transform_7(%arg0: i32) -> (i32, i32) {
    %c0_i32 = arith.constant 0 : i32
    %c0_i32_0 = arith.constant 0 : i32
    return %arg0, %c0_i32 : i32, i32
  }
  func.func @transform_8(%arg0: i32) -> (i32, i32) {
    %c0_i32 = arith.constant 0 : i32
    %c0_i32_0 = arith.constant 0 : i32
    return %arg0, %c0_i32 : i32, i32
  }
  func.func @transform_9(%arg0: i32) -> (i32, i32) {
    %c0_i32 = arith.constant 0 : i32
    %c0_i32_0 = arith.constant 0 : i32
    %c0_i32_1 = arith.constant 0 : i32
    return %c0_i32, %c0_i32_0 : i32, i32
  }
}

</mosaic_0001>

<sc_bundles>
// kernel: kernel.10.cloned.1.call-start
scs
__scs_entry_jumppad:
0x0: {  	(pc) =	sbr.rel $0x88, $3  }
0x1: {  	(tag) =	ssettag $0x0;
	lr =	simm.s32 $0x1  }
0x2: {  	[smem:$0x3F99] =	sst lr;
	_ =	strace $0xD0000000  }
0x3: {  	_ = 	snop  }
0x4: {  	_ = 	snop  }
0x5: {  	_ = 	snop  }
0x6: {  	_ = 	snop  }
0x7: {  	_ = 	snop  }
__scs_overlays_trampoline_lowered:
0x8: {  	[smem:$0x3FA8] =	sst s0  }
0x9: {  	[smem:$0x3FA9] =	sst s1  }
0xa: {  	[smem:$0x3FAA] =	sst s2  }
0xb: {  	[smem:$0x3FAB] =	sst s3  }
0xc: {  	[smem:$0x3FAC] =	sst s4  }
0xd: {  	[smem:$0x3FAD] =	sst s5  }
0xe: {  	[smem:$0x3FAE] =	sst s6  }
0xf: {  	[smem:$0x3FAF] =	sst s7  }
0x10: {  	[smem:$0x3FB0] =	sst s8  }
0x11: {  	[smem:$0x3FB1] =	sst s9;
	s0 =	simm.s32 @!p0 $0x0  }
0x12: {  	s1 =	sld [smem:$0x3F97];
	s0 =	simm.s32 @p0 $0x1  }
0x13: {  	[smem:$0x3FB2] =	sst s0;
	s0 =	simm.s32 @!p1 $0x0  }
0x14: {  	s2 =	sld [smem:$0x3F96];
	s0 =	simm.s32 @p1 $0x1  }
0x15: {  	[smem:$0x3FB3] =	sst s0;
	s0 =	simm.s32 @!p2 $0x0  }
0x16: {  	s3 =	sld [smem:$0x3FDB];
	s0 =	simm.s32 @p2 $0x1  }
0x17: {  	s4 =	simm.s32 $0x1BF5;
	[smem:$0x3FB5] =	sst s0  }
0x18: {  	s0 =	sld [smem:$0x3F98];
	_ =	swait.ge [sflag:s4], $0x0  }
0x19: {  	s7 =	sld [smem:$0x3F99]  }
0x1a: {  	s8 =	sadd.s32 $0xFFFFE003, lr  }
0x1b: {  	s9 =	sadd.s32 $0xFFFFFEF7, lr;
	s5 =	simm.s32 $0xFFFFFFFF;
	p2 =	slt.u32 s8, $0xFFFFF086  }
0x1c: {  	p1 =	slt.u32 s9, $0xF7A;
	s5 =	simm.s32 @!p2 $0x0  }
0x1d: {  	s5 =	simm.s32 @p1 $0x1;
	p0 =	seq.s32 s7, s2  }
0x1e: {  	s7 =	smul.u32 @!p0 $0xF7A, s2;
	p2 =	seq.s32 @!p0 s5, $0x0  }
0x1f: {  	s9 =	smul.u32 $0xF7A, s1;
	s8 =	simm.s32 @!p0 $0x1BF5;
	p2 =	por !p2, p0  }
0x20: {  	[sflag:s8] =	ssyncset.s32 @!p0 $0xFFFFF086;
	s6 =	sadd.s32 @!p0 s3, s7;
	s7 =	simm.s32 @!p0 $0x108  }
0x21: {  	s3 =	sadd.s32 s3, s9;
	s6 =	sadd.s32 @!p0 $0x88, s6;
	s7 =	simm.s32 @p2 $0x1082  }
0x22: {  	[simem:s7], [sflag:s8] =	dma.local @!p0 [hbm:s6], $0xF7A  }
0x23: {  	s9 =	sor.u32 $0xD0000000, s2;
	s6 =	simm.s32 $0x108;
	_ =	swait.ge @!p0 [sflag:s8], $0x0  }
0x24: {  	s3 =	sadd.s32 $0x88, s3;
	s6 =	simm.s32 @!p1 $0x1082;
	[sflag:s4] =	ssyncset.s32 $0xFFFFF086  }
0x25: {  	[simem:s6], [sflag:s4] =	dma.local [hbm:s3], $0xF7A  }
0x26: {  	[smem:$0x3F99] =	sst s1;
	(tag) =	ssettag s2;
	_ =	strace s9  }
0x27: {  	s1 =	sld [smem:$0x3FA9]  }
0x28: {  	s2 =	sld [smem:$0x3FAA]  }
0x29: {  	s4 =	sld [smem:$0x3FAC]  }
0x2a: {  	p0 =	seq.s32 s5, $0x0;
	s5 =	sld [smem:$0x3FAD]  }
0x2b: {  	s6 =	sld [smem:$0x3FAE]  }
0x2c: {  	s7 =	sld [smem:$0x3FAF]  }
0x2d: {  	s3 =	simm.s32 $0x108;
	s8 =	sld [smem:$0x3FB0]  }
0x2e: {  	s3 =	simm.s32 @!p0 $0x1082;
	s9 =	sld [smem:$0x3FB1]  }
0x2f: {  	lr =	sadd.s32 s0, s3;
	s0 =	sld [smem:$0x3FA8]  }
0x30: {  	s3 =	sld [smem:$0x3FAB]  }
0x31: {  	[smem:$0x3FB4] =	sst s10  }
0x32: {  	s10 =	sld [smem:$0x3FB2];
	_ =	sdelay $0x3  }
0x33: {  	p0 =	seq.s32 s10, $0x1;
	s10 =	sld [smem:$0x3FB4];
	_ =	sdelay $0x3  }
0x34: {  	[smem:$0x3FB4] =	sst s10  }
0x35: {  	s10 =	sld [smem:$0x3FB3];
	_ =	sdelay $0x3  }
0x36: {  	p1 =	seq.s32 s10, $0x1;
	s10 =	sld [smem:$0x3FB4];
	_ =	sdelay $0x3  }
0x37: {  	[smem:$0x3FB4] =	sst s10  }
0x38: {  	s10 =	sld [smem:$0x3FB5]  }
0x39: {  	_ = 	snop;
	(pc) =	sbr.ind lr, $3  }
0x3a: {  	_ = 	snop  }
0x3b: {  	_ = 	snop  }
0x3c: {  	p2 =	seq.s32 s10, $0x1;
	s10 =	sld [smem:$0x3FB4]  }
0x3d: {  	_ =	shalt  }
0x3e: {  	_ =	shalt  }
0x3f: {  	_ =	shalt  }
0x40: {  	_ =	shalt  }
0x41: {  	_ =	shalt  }
0x42: {  	_ =	shalt  }
0x43: {  	_ =	shalt  }
0x44: {  	_ =	shalt  }
0x45: {  	_ =	shalt  }
0x46: {  	_ =	shalt  }
0x47: {  	_ =	shalt  }
0x48: {  	_ =	shalt  }
0x49: {  	_ =	shalt  }
0x4a: {  	_ =	shalt  }
0x4b: {  	_ =	shalt  }
0x4c: {  	_ =	shalt  }
0x4d: {  	_ =	shalt  }
0x4e: {  	_ =	shalt  }
0x4f: {  	_ =	shalt  }
0x50: {  	_ =	shalt  }
0x51: {  	_ =	shalt  }
0x52: {  	_ =	shalt  }
0x53: {  	_ =	shalt  }
0x54: {  	_ =	shalt  }
0x55: {  	_ =	shalt  }
0x56: {  	_ =	shalt  }
0x57: {  	_ =	shalt  }
0x58: {  	_ =	shalt  }
0x59: {  	_ =	shalt  }
0x5a: {  	_ =	shalt  }
0x5b: {  	_ =	shalt  }
0x5c: {  	_ =	shalt  }
0x5d: {  	_ =	shalt  }
0x5e: {  	_ =	shalt  }
0x5f: {  	_ =	shalt  }
0x60: {  	_ =	shalt  }
0x61: {  	_ =	shalt  }
0x62: {  	_ =	shalt  }
0x63: {  	_ =	shalt  }
0x64: {  	_ =	shalt  }
0x65: {  	_ =	shalt  }
0x66: {  	_ =	shalt  }
0x67: {  	_ =	shalt  }
0x68: {  	_ =	shalt  }
0x69: {  	_ =	shalt  }
0x6a: {  	_ =	shalt  }
0x6b: {  	_ =	shalt  }
0x6c: {  	_ =	shalt  }
0x6d: {  	_ =	shalt  }
0x6e: {  	_ =	shalt  }
0x6f: {  	_ =	shalt  }
0x70: {  	_ =	shalt  }
0x71: {  	_ =	shalt  }
0x72: {  	_ =	shalt  }
0x73: {  	_ =	shalt  }
0x74: {  	_ =	shalt  }
0x75: {  	_ =	shalt  }
0x76: {  	_ =	shalt  }
0x77: {  	_ =	shalt  }
0x78: {  	_ =	shalt  }
0x79: {  	_ =	shalt  }
0x7a: {  	_ =	shalt  }
0x7b: {  	_ =	shalt  }
0x7c: {  	_ =	shalt  }
0x7d: {  	_ =	shalt  }
0x7e: {  	_ =	shalt  }
0x7f: {  	_ =	shalt  }
0x80: {  	_ =	shalt  }
0x81: {  	_ =	shalt  }
0x82: {  	_ =	shalt  }
0x83: {  	_ =	shalt  }
0x84: {  	_ =	shalt  }
0x85: {  	_ =	shalt  }
0x86: {  	_ =	shalt  }
0x87: {  	_ =	shalt  }
.Lfunc_end0:
.L_simem_size_0:
called_computation.1_lowered:
.L_overlay_start_0:
0x88: {  	s2 =	sld [smem:$0x3FD9]  }
0x89: {  	s3 =	sld [smem:$0x3FFE];
	_ =	sdelay $0x1  }
0x8a: {  	s1 =	srdreg.scid  }
0x8b: {  	s0 =	sand.u32 $0x1, s1  }
0x8c: {  	s14 =	sshll.u32 s0, $0xA;
	s2 =	sadd.s32 s3, s2  }
0x8d: {  	s2 =	sadd.s32 s2, s14  }
0x8e: {  	[smem:$0x3FC0] =	sst s2  }
0x8f: {  	_ = 	snop  }
0x90: {  	s2 =	sld [smem:$0x3FD0];
	_ =	sdelay $0x2  }
0x91: {  	s15 =	simm.s32 $0xA;
	s4 =	simm.s32 $0x10  }
0x92: {  	[smem:s4], [sflag:s15] =	dma.local [hbm:s2], $0x1  }
0x93: {  	_ =	swait.eq [sflag:s15], $0x1  }
0x94: {  	[sflag:s15] =	ssyncset.done $0x0  }
0x95: {  	[sflag:s15] =	ssyncadd.s32 $0xFFFFFFFF  }
0x96: {  	s16 =	sld [smem:$0x10];
	(tm) =	ssettm $0x1  }
0x97: {  	s17 =	sld [smem:$0x3FFB];
	_ =	sdelay $0x3  }
0x98: {  	_ =	strace s17  }
0x99: {  	s3 =	sld [smem:$0x3FFC];
	_ =	sdelay $0x3  }
0x9a: {  	_ =	strace s3  }
0x9b: {  	s3 =	sld [smem:$0x3FFD];
	_ =	sdelay $0x3  }
0x9c: {  	_ =	strace s3  }
0x9d: {  	_ =	strace $0x8FFFFFFF  }
0x9e: {  	s18 =	sld [smem:$0x3FDB];
	_ =	sdelay $0x1  }
0x9f: {  	s19 =	simm.s32 $_scs_section_size  }
0xa0: {  	s5 =	simm.s32 $_size__tile_overlayer_lowered;
	s6 =	simm.s32 $_tile_overlayer_lowered  }
0xa1: {  	s22 =	simm.s32 $0x1BFF;
	s21 =	sshll.u32 s6, $0x1;
	s3 =	sadd.s32 s19, s18  }
0xa2: {  	s7 =	simm.s32 $0x0;
	s20 =	sshll.u32 s5, $0x1;
	s5 =	sadd.s32 s21, s3  }
0xa3: {  	[timem:s7], [sflag:s22] =	dma.local [hbm:s5], s20  }
0xa4: {  	_ =	swait.ge [sflag:s22], s20  }
0xa5: {  	s4 =	ssub.s32 $0x0, s20;
	[sflag:s22] =	ssyncset.done $0x0  }
0xa6: {  	[sflag:s22] =	ssyncadd.s32 s4;
	_ =	sdelay $0x1  }
0xa7: {  	s23 =	simm.s32 $0x1B8B  }
0xa8: {  	_ =	swait.ge [sflag:s23], $0x1  }
0xa9: {  	[sflag:s23] =	ssyncset.done $0x0  }
0xaa: {  	s25 =	simm.s32 $0x1B8E;
	s24 =	sld [smem:$0x3FFE];
	[sflag:s23] =	ssyncadd.s32 $0xFFFFFFFF  }
0xab: {  	s26 =	simm.s32 $execute0_lowered;
	[smem:$0x3FD2] =	sst s25  }
0xac: {  	s5 =	sshll.u32 s26, $0x1;
	_ =	strace $0x80000049;
	[dreg:$0x1] =	wrdreg $0xFFFFFFFF  }
0xad: {  	s28 =	simm.s32 $_size_execute0_lowered;
	s3 =	sadd.s32 s3, s5;
	[dreg:$0x0] =	wrdreg $0x0  }
0xae: {  	s5 =	sshll.u32 s28, $0x1;
	[dreg:$0x2] =	wrdreg s3  }
0xaf: {  	[dreg:$0x3] =	wrdreg s5  }
0xb0: {  	[dreg:$0x4] =	wrdreg $0xC0  }
0xb1: {  	_ =	task [dreg:s7], $0x5FFFF  }
0xb2: {  	[dreg:$0x1] =	wrdreg $0xFFFFFFFF  }
0xb3: {  	[dreg:$0x0] =	wrdreg $0x60  }
0xb4: {  	[dreg:$0x2] =	wrdreg s24  }
0xb5: {  	[dreg:$0x3] =	wrdreg s16  }
0xb6: {  	[dreg:$0x4] =	wrdreg $0x9  }
0xb7: {  	_ =	task.clear_ibuf [dreg:s7], $0x5FFFF;
	_ =	strace $0x90000049  }
0xb8: {  	s29 =	simm.s32 $0x9;
	_ =	strace $0x8000004B  }
0xb9: {  	_ =	swait.ge [sflag:s29], $0x1  }
0xba: {  	[sflag:s29] =	ssyncadd.s32 $0xFFFFFFFF  }
0xbb: {  	_ =	strace $0x9000004B  }
0xbc: {  	_ =	sfence  }
0xbd: {  	s30 =	sld [smem:$0x0];
	_ =	sdelay $0x2  }
0xbe: {  	s31 =	sshll.u32 s1, $0xD;
	s1 =	sshrl.u32 s1, $0x2  }
0xbf: {  	s3 =	sand.u32 $0x4000, s31;
	s1 =	sadd.s32 s1, s30  }
0xc0: {  	s0 =	sor.u32 s3, s0;
	s1 =	sshll.u32 s1, $0x11  }
0xc1: {  	s0 =	sor.u32 s1, s0  }
0xc2: {  	s0 =	sadd.s32 $0x8F2B, s0  }
0xc3: {  	[sflag:s0] =	ssyncadd.remote.s32 $0x1  }
0xc4: {  	_ =	sfence.sel $0xFFFF  }
0xc5: {  	[dreg:$0x0] =	wrdreg $0xFFFFFFFF;
	(pc) =	sbr.abs _section_cstart, $3  }
0xc6: {  	[dreg:$0x1] =	wrdreg $0xFFFFFFFF  }
0xc7: {  	_ =	task.clear_ibuf [dreg:s7], $0x2FFFF;
	_ =	strace $0x9FFFFFFF  }
0xc8: {  	(tm) =	ssettm $0x7FFFFFFF  }
0xc9: {  	_ =	shalt  }
tec
execute0_lowered:
.L_overlay_start_1:
0x0: {  	(tag) =	ssettag $0x1  }
0x1: {  	s0 =	rddreg [dreg:$0x0]  }
0x2: {  	s2 =	rddreg [dreg:$0x1];
	s1 =	simm.s32 $0x0  }
0x3: {  	s4 =	srdreg.scid;
	s5 =	stileid.u32;
	s13 =	simm.s32 $0x2  }
0x4: {  	s14 =	simm.s32 $0x80;
	s28 =	simm.s32 $0x6880;
	s29 =	simm.s32 $0x7080  }
0x5: {  	s30 =	simm.s32 $0x7880;
	s31 =	simm.s32 $0x8080;
	s15 =	simm.s32 $0x9880  }
0x6: {  	s16 =	simm.s32 $0xA080;
	s17 =	simm.s32 $0xA880;
	s18 =	simm.s32 $0xB080  }
0x7: {  	s19 =	simm.s32 $0xB880;
	s20 =	simm.s32 $0x1;
	s21 =	simm.s32 $0xC080  }
0x8: {  	[smem:$0x7FF] =	sst s1;
	s3 =	sadd.s32 $0x190A00, s0;
	s4 =	sand.u32 $0x1, s4  }
0x9: {  	s9 =	sadd.s32 $0x70800, s0;
	s5 =	sshll.u32 s5, $0x5;
	s10 =	sadd.s32 $0x800, s0  }
0xa: {  	_ =	strace $0x8000004A;
	s6 =	sshll.u32 s4, $0x4;
	s4 =	ssub.s32 $0x2, s4  }
0xb: {  	s5 =	sor.u32 s6, s5;
	s25 =	sshrl.u32 s4, $0x1;
	s6 =	sadd.s32 $0x190C00, s0  }
0xc: {  	s8 =	smul.u32 $0x300, s5;
	s11 =	sor.u32 $0x8, s5;
	s5 =	sadd.s32 s9, s5  }
0xd: {  	s4 =	ssub.s32 s4, s25;
	[dreg:$0x3] =	wrdreg s5;
	s12 =	smul.u32 $0x300, s11  }
0xe: {  	s5 =	sadd.s32 $0x190B00, s0;
	s9 =	sadd.s32 s9, s11;
	s26 =	sadd.s32 s10, s8  }
0xf: {  	v2 =	vlaneseq.u32;
	s0 =	simm.s32 $0x8880;
	s8 =	sadd.s32 s2, s8;
	[dreg:$0x4] =	wrdreg s26  }
0x10: {  	vm0 =	vmmov $0xffff;
	v1 =	vshrl.u32 v2, $0x3;
	s10 =	sadd.s32 s10, s12;
	s11 =	sadd.s32 s2, s12;
	s12 =	smax.u32 s4, $0x1  }
0x11: {  	v0 =	vand.u32 $0x7, v2;
	v2 =	vor.u32 $0x8, v2;
	v1 =	vmul.u32 $0x8, v1;
	s26 =	simm.s32 $0x6080;
	s2 =	simm.s32 $0x9080;
	s4 =	simm.s32 $0x0  }
.LBB2_1:
0x12: {  	s7 =	rddreg [dreg:$0x3]  }
0x13: {  	[tilespmem:s1], [sflag:$0x2] =	stream.linear.gather [hbm4b:s7+s1], $0x40, $0x38;
	[tilespmem:$0x18080] =	vst v63  }
0x14: {  	_ =	swait.ge [sflag:s13], $0x40  }
0x15: {  	[sflag:s13] =	ssyncset.done $0x0  }
0x16: {  	[sflag:s13] =	ssyncadd.s32 $0xFFFFFFC0  }
0x17: {  	v3 =	vld [tilespmem:$0x0];
	_ =	sdelay $0x4  }
0x18: {  	v4 =	vshrl.u32 v3, $0x3  }
0x19: {  	v4 =	vmul.u32 $0x30, v4  }
0x1a: {  	v3 =	vand.u32 $0x7, v3  }
0x1b: {  	v3 =	vor.u32 v3, v4  }
0x1c: {  	v4 =	vperm.xlane v3, v0;
	_ =	sdelay $0x1  }
0x1d: {  	v4 =	vadd.s32 v1, v4;
	_ =	sdelay $0x3  }
0x1e: {  	v3 =	vperm.xlane v3, v2  }
0x1f: {  	[tilespmem:s14], [sflag:$0x1] =	stream.indirect_vreg.gather [hbm4b:s3+s1], $0x80, v4, vm0, $0xb8;
	[tilespmem:$0x18080] =	vst v63  }
0x20: {  	s22 =	simm.s32 $0x880;
	v3 =	vadd.s32 v1, v3  }
0x21: {  	[tilespmem:s22], [sflag:$0x1] =	stream.indirect_vreg.gather [hbm4b:s5+s1], $0x80, v4, vm0, $0xb8;
	[tilespmem:$0x18080] =	vst v63  }
0x22: {  	s23 =	simm.s32 $0x1080  }
0x23: {  	[tilespmem:s23], [sflag:$0x1] =	stream.indirect_vreg.gather [hbm4b:s6+s1], $0x80, v4, vm0, $0xb8;
	[tilespmem:$0x18080] =	vst v63  }
0x24: {  	s24 =	simm.s32 $0x1880  }
0x25: {  	[tilespmem:s24], [sflag:$0x1] =	stream.indirect_vreg.gather [hbm4b:s3+s1], $0x80, v3, vm0, $0xb8;
	[tilespmem:$0x18080] =	vst v63  }
0x26: {  	s25 =	simm.s32 $0x2080  }
0x27: {  	[tilespmem:s25], [sflag:$0x1] =	stream.indirect_vreg.gather [hbm4b:s5+s1], $0x80, v3, vm0, $0xb8;
	[tilespmem:$0x18080] =	vst v63  }
0x28: {  	s22 =	simm.s32 $0x2880  }
0x29: {  	[tilespmem:s22], [sflag:$0x1] =	stream.indirect_vreg.gather [hbm4b:s6+s1], $0x80, v3, vm0, $0xb8;
	[tilespmem:$0x18080] =	vst v63  }
0x2a: {  	v3 =	vld [tilespmem:$0x10];
	_ =	sdelay $0x4  }
0x2b: {  	v4 =	vshrl.u32 v3, $0x3  }
0x2c: {  	v4 =	vmul.u32 $0x30, v4  }
0x2d: {  	v3 =	vand.u32 $0x7, v3  }
0x2e: {  	v3 =	vor.u32 v3, v4  }
0x2f: {  	v4 =	vperm.xlane v3, v0;
	_ =	sdelay $0x1  }
0x30: {  	v4 =	vadd.s32 v1, v4;
	_ =	sdelay $0x3  }
0x31: {  	s23 =	simm.s32 $0x3080;
	v3 =	vperm.xlane v3, v2  }
0x32: {  	[tilespmem:s23], [sflag:$0x1] =	stream.indirect_vreg.gather [hbm4b:s3+s1], $0x80, v4, vm0, $0xb8;
	[tilespmem:$0x18080] =	vst v63  }
0x33: {  	s24 =	simm.s32 $0x3880;
	v3 =	vadd.s32 v1, v3  }
0x34: {  	[tilespmem:s24], [sflag:$0x1] =	stream.indirect_vreg.gather [hbm4b:s5+s1], $0x80, v4, vm0, $0xb8;
	[tilespmem:$0x18080] =	vst v63  }
0x35: {  	s25 =	simm.s32 $0x4080  }
0x36: {  	[tilespmem:s25], [sflag:$0x1] =	stream.indirect_vreg.gather [hbm4b:s6+s1], $0x80, v4, vm0, $0xb8;
	[tilespmem:$0x18080] =	vst v63  }
0x37: {  	s22 =	simm.s32 $0x4880  }
0x38: {  	[tilespmem:s22], [sflag:$0x1] =	stream.indirect_vreg.gather [hbm4b:s3+s1], $0x80, v3, vm0, $0xb8;
	[tilespmem:$0x18080] =	vst v63  }
0x39: {  	s23 =	simm.s32 $0x5080  }
0x3a: {  	[tilespmem:s23], [sflag:$0x1] =	stream.indirect_vreg.gather [hbm4b:s5+s1], $0x80, v3, vm0, $0xb8;
	[tilespmem:$0x18080] =	vst v63  }
0x3b: {  	s24 =	simm.s32 $0x5880  }
0x3c: {  	[tilespmem:s24], [sflag:$0x1] =	stream.indirect_vreg.gather [hbm4b:s6+s1], $0x80, v3, vm0, $0xb8;
	[tilespmem:$0x18080] =	vst v63  }
0x3d: {  	v3 =	vld [tilespmem:$0x20];
	_ =	sdelay $0x4  }
0x3e: {  	v4 =	vshrl.u32 v3, $0x3  }
0x3f: {  	v4 =	vmul.u32 $0x30, v4  }
0x40: {  	v3 =	vand.u32 $0x7, v3  }
0x41: {  	v3 =	vor.u32 v3, v4  }
0x42: {  	v4 =	vperm.xlane v3, v0;
	_ =	sdelay $0x1  }
0x43: {  	v4 =	vadd.s32 v1, v4;
	_ =	sdelay $0x3  }
0x44: {  	v3 =	vperm.xlane v3, v2  }
0x45: {  	[tilespmem:s26], [sflag:$0x1] =	stream.indirect_vreg.gather [hbm4b:s3+s1], $0x80, v4, vm0, $0xb8;
	[tilespmem:$0x18080] =	vst v63  }
0x46: {  	v3 =	vadd.s32 v1, v3  }
0x47: {  	[tilespmem:s28], [sflag:$0x1] =	stream.indirect_vreg.gather [hbm4b:s5+s1], $0x80, v4, vm0, $0xb8;
	[tilespmem:$0x18080] =	vst v63  }
0x48: {  	_ = 	snop  }
0x49: {  	[tilespmem:s29], [sflag:$0x1] =	stream.indirect_vreg.gather [hbm4b:s6+s1], $0x80, v4, vm0, $0xb8;
	[tilespmem:$0x18080] =	vst v63  }
0x4a: {  	_ = 	snop  }
0x4b: {  	[tilespmem:s30], [sflag:$0x1] =	stream.indirect_vreg.gather [hbm4b:s3+s1], $0x80, v3, vm0, $0xb8;
	[tilespmem:$0x18080] =	vst v63  }
0x4c: {  	_ = 	snop  }
0x4d: {  	[tilespmem:s31], [sflag:$0x1] =	stream.indirect_vreg.gather [hbm4b:s5+s1], $0x80, v3, vm0, $0xb8;
	[tilespmem:$0x18080] =	vst v63  }
0x4e: {  	_ = 	snop  }
0x4f: {  	[tilespmem:s0], [sflag:$0x1] =	stream.indirect_vreg.gather [hbm4b:s6+s1], $0x80, v3, vm0, $0xb8;
	[tilespmem:$0x18080] =	vst v63  }
0x50: {  	v3 =	vld [tilespmem:$0x30];
	_ =	sdelay $0x4  }
0x51: {  	v4 =	vshrl.u32 v3, $0x3  }
0x52: {  	v4 =	vmul.u32 $0x30, v4  }
0x53: {  	v3 =	vand.u32 $0x7, v3  }
0x54: {  	v3 =	vor.u32 v3, v4  }
0x55: {  	v4 =	vperm.xlane v3, v0;
	_ =	sdelay $0x1  }
0x56: {  	v4 =	vadd.s32 v1, v4;
	_ =	sdelay $0x3  }
0x57: {  	v3 =	vperm.xlane v3, v2  }
0x58: {  	[tilespmem:s2], [sflag:$0x1] =	stream.indirect_vreg.gather [hbm4b:s3+s1], $0x80, v4, vm0, $0xb8;
	[tilespmem:$0x18080] =	vst v63  }
0x59: {  	v3 =	vadd.s32 v1, v3  }
0x5a: {  	[tilespmem:s15], [sflag:$0x1] =	stream.indirect_vreg.gather [hbm4b:s5+s1], $0x80, v4, vm0, $0xb8;
	[tilespmem:$0x18080] =	vst v63  }
0x5b: {  	_ = 	snop  }
0x5c: {  	[tilespmem:s16], [sflag:$0x1] =	stream.indirect_vreg.gather [hbm4b:s6+s1], $0x80, v4, vm0, $0xb8;
	[tilespmem:$0x18080] =	vst v63  }
0x5d: {  	_ = 	snop  }
0x5e: {  	[tilespmem:s17], [sflag:$0x1] =	stream.indirect_vreg.gather [hbm4b:s3+s1], $0x80, v3, vm0, $0xb8;
	[tilespmem:$0x18080] =	vst v63  }
0x5f: {  	_ = 	snop  }
0x60: {  	[tilespmem:s18], [sflag:$0x1] =	stream.indirect_vreg.gather [hbm4b:s5+s1], $0x80, v3, vm0, $0xb8;
	[tilespmem:$0x18080] =	vst v63  }
0x61: {  	_ = 	snop  }
0x62: {  	[tilespmem:s19], [sflag:$0x1] =	stream.indirect_vreg.gather [hbm4b:s6+s1], $0x80, v3, vm0, $0xb8;
	[tilespmem:$0x18080] =	vst v63  }
0x63: {  	_ =	swait.ge [sflag:s20], $0xC000  }
0x64: {  	[sflag:s20] =	ssyncset.done $0x0  }
0x65: {  	s22 =	simm.s32 $0x0;
	s25 =	rddreg [dreg:$0x4];
	[sflag:s20] =	ssyncadd.s32 $0xFFFF4000  }
0x66: {  	[tilespmem:s21], [sflag:$0x2] =	stream.linear.gather [hbm4b:s25+s1], $0xC000, $0x38;
	[tilespmem:$0x18080] =	vst v63  }
0x67: {  	s22 =	smul.u32 $0x1800, s22;
	_ =	swait.ge [sflag:s13], $0xC000  }
0x68: {  	s23 =	sand.u32 $0x380, s1;
	[sflag:s13] =	ssyncset.done $0x0  }
0x69: {  	s22 =	sor.u32 s23, s22;
	[sflag:s13] =	ssyncadd.s32 $0xFFFF4000  }
0x6a: {  	v12 =	vld [tilespmem:s22+$0xC080]  }
0x6b: {  	v13 =	vld [tilespmem:s22+$0xC090]  }
0x6c: {  	v14 =	vld [tilespmem:s22+$0xC0A0]  }
0x6d: {  	v15 =	vld [tilespmem:s22+$0xC0B0]  }
0x6e: {  	v16 =	vld [tilespmem:s22+$0xC0C0]  }
0x6f: {  	v17 =	vld [tilespmem:s22+$0xC0D0]  }
0x70: {  	v18 =	vld [tilespmem:s22+$0xC0E0]  }
0x71: {  	v19 =	vld [tilespmem:s22+$0xC0F0]  }
0x72: {  	v20 =	vld [tilespmem:s22+$0xC480]  }
0x73: {  	v21 =	vld [tilespmem:s22+$0xC490]  }
0x74: {  	v22 =	vld [tilespmem:s22+$0xC4A0]  }
0x75: {  	v23 =	vld [tilespmem:s22+$0xC4B0]  }
0x76: {  	v24 =	vld [tilespmem:s22+$0xC4C0]  }
0x77: {  	v25 =	vld [tilespmem:s22+$0xC4D0]  }
0x78: {  	v26 =	vld [tilespmem:s22+$0xC4E0]  }
0x79: {  	v27 =	vld [tilespmem:s22+$0xC4F0]  }
0x7a: {  	v28 =	vld [tilespmem:s22+$0xC880]  }
0x7b: {  	v29 =	vld [tilespmem:s22+$0xC890]  }
0x7c: {  	v30 =	vld [tilespmem:s22+$0xC8A0]  }
0x7d: {  	v31 =	vld [tilespmem:s22+$0xC8B0]  }
0x7e: {  	v32 =	vld [tilespmem:s22+$0xC8C0]  }
0x7f: {  	v33 =	vld [tilespmem:s22+$0xC8D0]  }
0x80: {  	v34 =	vld [tilespmem:s22+$0xC8E0]  }
0x81: {  	v35 =	vld [tilespmem:s22+$0xC8F0]  }
0x82: {  	v36 =	vld [tilespmem:s22+$0xCC80]  }
0x83: {  	v37 =	vld [tilespmem:s22+$0xCC90]  }
0x84: {  	v38 =	vld [tilespmem:s22+$0xCCA0]  }
0x85: {  	v39 =	vld [tilespmem:s22+$0xCCB0]  }
0x86: {  	v40 =	vld [tilespmem:s22+$0xCCC0]  }
0x87: {  	v41 =	vld [tilespmem:s22+$0xCCD0]  }
0x88: {  	v42 =	vld [tilespmem:s22+$0xCCE0]  }
0x89: {  	v43 =	vld [tilespmem:s22+$0xCCF0]  }
0x8a: {  	v44 =	vld [tilespmem:s22+$0xD080]  }
0x8b: {  	v45 =	vld [tilespmem:s22+$0xD090]  }
0x8c: {  	v46 =	vld [tilespmem:s22+$0xD0A0]  }
0x8d: {  	v47 =	vld [tilespmem:s22+$0xD0B0]  }
0x8e: {  	v48 =	vld [tilespmem:s22+$0xD0C0]  }
0x8f: {  	v49 =	vld [tilespmem:s22+$0xD0D0]  }
0x90: {  	v50 =	vld [tilespmem:s22+$0xD0E0]  }
0x91: {  	v11 =	vld [tilespmem:s22+$0xD0F0]  }
0x92: {  	v10 =	vld [tilespmem:s22+$0xD480]  }
0x93: {  	v9 =	vld [tilespmem:s22+$0xD490]  }
0x94: {  	v8 =	vld [tilespmem:s22+$0xD4A0]  }
0x95: {  	v7 =	vld [tilespmem:s22+$0xD4B0]  }
0x96: {  	v6 =	vld [tilespmem:s22+$0xD4C0]  }
0x97: {  	v51 =	vld [tilespmem:s22+$0x80]  }
0x98: {  	v52 =	vld [tilespmem:s22+$0x90]  }
0x99: {  	v53 =	vld [tilespmem:s22+$0xA0]  }
0x9a: {  	v54 =	vld [tilespmem:s22+$0xB0]  }
0x9b: {  	v55 =	vld [tilespmem:s22+$0xC0]  }
0x9c: {  	v62 =	vld [tilespmem:s22+$0xD0];
	v12 =	vadd.f32 v12, v51  }
0x9d: {  	v63 =	vld [tilespmem:s22+$0xE0];
	v13 =	vadd.f32 v13, v52  }
0x9e: {  	[tilespmem:s22+$0x80] =	vst v12;
	v12 =	vadd.f32 v14, v53;
	v14 =	vld [tilespmem:s22+$0xF0]  }
0x9f: {  	[tilespmem:s22+$0x90] =	vst v13;
	v13 =	vadd.f32 v15, v54;
	v15 =	vld [tilespmem:s22+$0x480]  }
0xa0: {  	[tilespmem:s22+$0xA0] =	vst v12;
	v12 =	vadd.f32 v16, v55;
	v16 =	vld [tilespmem:s22+$0x490]  }
0xa1: {  	[tilespmem:s22+$0xB0] =	vst v13;
	v13 =	vadd.f32 v17, v62;
	v17 =	vld [tilespmem:s22+$0x4A0]  }
0xa2: {  	v5 =	vld [tilespmem:s22+$0xD4D0]  }
0xa3: {  	[tilespmem:s22+$0xC0] =	vst v12;
	v12 =	vadd.f32 v18, v63;
	v18 =	vld [tilespmem:s22+$0x4F0]  }
0xa4: {  	[tilespmem:s22+$0xD0] =	vst v13;
	v13 =	vadd.f32 v19, v14;
	v14 =	vld [tilespmem:s22+$0x4B0]  }
0xa5: {  	[tilespmem:s22+$0xE0] =	vst v12;
	v12 =	vadd.f32 v20, v15;
	v15 =	vld [tilespmem:s22+$0x4C0]  }
0xa6: {  	[tilespmem:s22+$0xF0] =	vst v13;
	v13 =	vadd.f32 v21, v16;
	v16 =	vadd.f32 v22, v17;
	v17 =	vld [tilespmem:s22+$0x4E0]  }
0xa7: {  	[tilespmem:s22+$0x480] =	vst v12;
	v12 =	vld [tilespmem:s22+$0x4D0]  }
0xa8: {  	[tilespmem:s22+$0x490] =	vst v13;
	v13 =	vld [tilespmem:s22+$0x880];
	v18 =	vadd.f32 v27, v18  }
0xa9: {  	[tilespmem:s22+$0x4A0] =	vst v16;
	v16 =	vld [tilespmem:s22+$0x890];
	v14 =	vadd.f32 v23, v14  }
0xaa: {  	v4 =	vld [tilespmem:s22+$0xD4E0];
	v15 =	vadd.f32 v24, v15;
	[tilespmem:s22+$0x4F0] =	vst v18  }
0xab: {  	[tilespmem:s22+$0x4B0] =	vst v14;
	v14 =	vld [tilespmem:s22+$0x8A0];
	v17 =	vadd.f32 v26, v17  }
0xac: {  	v12 =	vadd.f32 v25, v12;
	[tilespmem:s22+$0x4C0] =	vst v15;
	v15 =	vld [tilespmem:s22+$0x8B0]  }
0xad: {  	v18 =	vld [tilespmem:s22+$0x8F0];
	[tilespmem:s22+$0x4E0] =	vst v17;
	v13 =	vadd.f32 v28, v13  }
0xae: {  	v16 =	vadd.f32 v29, v16;
	[tilespmem:s22+$0x4D0] =	vst v12;
	v12 =	vld [tilespmem:s22+$0x8C0]  }
0xaf: {  	v17 =	vld [tilespmem:s22+$0x8D0];
	[tilespmem:s22+$0x880] =	vst v13  }
0xb0: {  	[tilespmem:s22+$0x890] =	vst v16;
	v16 =	vld [tilespmem:s22+$0x8E0];
	v13 =	vadd.f32 v30, v14  }
0xb1: {  	v14 =	vld [tilespmem:s22+$0xC80];
	v15 =	vadd.f32 v31, v15  }
0xb2: {  	[tilespmem:s22+$0x8A0] =	vst v13;
	v13 =	vld [tilespmem:s22+$0xC90]  }
0xb3: {  	v12 =	vadd.f32 v32, v12;
	[tilespmem:s22+$0x8B0] =	vst v15;
	v15 =	vld [tilespmem:s22+$0xCA0]  }
0xb4: {  	v3 =	vld [tilespmem:s22+$0xD4F0];
	v17 =	vadd.f32 v33, v17  }
0xb5: {  	v16 =	vadd.f32 v34, v16;
	[tilespmem:s22+$0x8C0] =	vst v12;
	v12 =	vld [tilespmem:s22+$0xCB0]  }
0xb6: {  	[tilespmem:s22+$0x8D0] =	vst v17;
	v17 =	vld [tilespmem:s22+$0xCC0];
	v14 =	vadd.f32 v36, v14  }
0xb7: {  	v18 =	vadd.f32 v35, v18;
	[tilespmem:s22+$0x8E0] =	vst v16;
	v16 =	vld [tilespmem:s22+$0xCD0]  }
0xb8: {  	v13 =	vadd.f32 v37, v13;
	[tilespmem:s22+$0xC80] =	vst v14;
	v14 =	vadd.f32 v38, v15;
	v15 =	vld [tilespmem:s22+$0xCE0]  }
0xb9: {  	[tilespmem:s22+$0x8F0] =	vst v18;
	v18 =	vld [tilespmem:s22+$0xCF0]  }
0xba: {  	[tilespmem:s22+$0xC90] =	vst v13;
	v13 =	vld [tilespmem:s22+$0x1080];
	v12 =	vadd.f32 v39, v12  }
0xbb: {  	v17 =	vadd.f32 v40, v17;
	[tilespmem:s22+$0xCA0] =	vst v14;
	v14 =	vld [tilespmem:s22+$0x1090]  }
0xbc: {  	v16 =	vadd.f32 v41, v16;
	[tilespmem:s22+$0xCB0] =	vst v12;
	v12 =	vld [tilespmem:s22+$0x10A0]  }
0xbd: {  	[tilespmem:s22+$0xCC0] =	vst v17;
	v17 =	vld [tilespmem:s22+$0x10B0];
	v15 =	vadd.f32 v42, v15  }
0xbe: {  	v19 =	vld [tilespmem:s22+$0x10C0];
	[tilespmem:s22+$0xCD0] =	vst v16;
	v16 =	vadd.f32 v43, v18  }
0xbf: {  	v18 =	vld [tilespmem:s22+$0x10D0];
	v13 =	vadd.f32 v44, v13;
	[tilespmem:s22+$0xCE0] =	vst v15  }
0xc0: {  	v20 =	vld [tilespmem:s22+$0x10E0];
	[tilespmem:s22+$0xCF0] =	vst v16;
	v14 =	vadd.f32 v45, v14  }
0xc1: {  	v16 =	vld [tilespmem:s22+$0x10F0];
	[tilespmem:s22+$0x1080] =	vst v13;
	v12 =	vadd.f32 v46, v12  }
0xc2: {  	v15 =	vld [tilespmem:s22+$0x1480];
	v13 =	vadd.f32 v47, v17;
	[tilespmem:s22+$0x1090] =	vst v14  }
0xc3: {  	v14 =	vld [tilespmem:s22+$0x1490];
	[tilespmem:s22+$0x10A0] =	vst v12;
	v12 =	vadd.f32 v48, v19  }
0xc4: {  	[tilespmem:s22+$0x10B0] =	vst v13;
	v13 =	vld [tilespmem:s22+$0x14A0];
	v18 =	vadd.f32 v49, v18  }
0xc5: {  	s23 =	simm.s32 $0x1;
	s24 =	simm.s32 $0x0;
	v17 =	vadd.f32 v50, v20;
	[tilespmem:s22+$0x10C0] =	vst v12;
	v12 =	vld [tilespmem:s22+$0x14B0]  }
.LBB2_2:
0xc6: {  	s25 =	sshrl.u32 s23, $0x3;
	p0 =	sne.s32 s23, $0x3F;
	[tilespmem:s22+$0x10D0] =	vst v18;
	v11 =	vadd.f32 v11, v16;
	v16 =	vld [tilespmem:s22+$0x14C0]  }
0xc7: {  	s24 =	sadd.s32 $0x80, s24;
	s25 =	smul.u32 $0x1800, s25;
	[tilespmem:s22+$0x10E0] =	vst v17;
	v10 =	vadd.f32 v10, v15;
	v15 =	vld [tilespmem:s22+$0x14D0]  }
0xc8: {  	s7 =	sand.u32 $0x380, s24;
	[tilespmem:s22+$0x10F0] =	vst v11;
	v9 =	vadd.f32 v9, v14;
	v11 =	vld [tilespmem:s22+$0x14E0]  }
0xc9: {  	s7 =	sor.u32 s7, s25;
	[tilespmem:s22+$0x1480] =	vst v10;
	v8 =	vadd.f32 v8, v13;
	v10 =	vld [tilespmem:s22+$0x14F0]  }
0xca: {  	v39 =	vld [tilespmem:s7+$0xC080];
	[tilespmem:s22+$0x1490] =	vst v9;
	v7 =	vadd.f32 v7, v12  }
0xcb: {  	v40 =	vld [tilespmem:s7+$0xC090];
	[tilespmem:s22+$0x14A0] =	vst v8;
	v6 =	vadd.f32 v6, v16  }
0xcc: {  	v41 =	vld [tilespmem:s7+$0xC0A0];
	[tilespmem:s22+$0x14B0] =	vst v7;
	v5 =	vadd.f32 v5, v15  }
0xcd: {  	v42 =	vld [tilespmem:s7+$0xC0B0];
	[tilespmem:s22+$0x14C0] =	vst v6;
	v4 =	vadd.f32 v4, v11  }
0xce: {  	v43 =	vld [tilespmem:s7+$0xC0C0];
	[tilespmem:s22+$0x14D0] =	vst v5;
	v3 =	vadd.f32 v3, v10  }
0xcf: {  	v44 =	vld [tilespmem:s7+$0xC0D0];
	[tilespmem:s22+$0x14E0] =	vst v4  }
0xd0: {  	v45 =	vld [tilespmem:s7+$0xC0E0];
	[tilespmem:s22+$0x14F0] =	vst v3;
	s22 =	smov.u32 s7  }
0xd1: {  	v46 =	vld [tilespmem:s22+$0xC0F0]  }
0xd2: {  	v47 =	vld [tilespmem:s22+$0xC480]  }
0xd3: {  	v48 =	vld [tilespmem:s22+$0xC490]  }
0xd4: {  	v49 =	vld [tilespmem:s22+$0xC4A0]  }
0xd5: {  	v50 =	vld [tilespmem:s22+$0xC4B0]  }
0xd6: {  	v38 =	vld [tilespmem:s22+$0xC4C0]  }
0xd7: {  	v37 =	vld [tilespmem:s22+$0xC4D0]  }
0xd8: {  	v36 =	vld [tilespmem:s22+$0xC4E0]  }
0xd9: {  	v35 =	vld [tilespmem:s22+$0xC4F0]  }
0xda: {  	v34 =	vld [tilespmem:s22+$0xC880]  }
0xdb: {  	v33 =	vld [tilespmem:s22+$0xC890]  }
0xdc: {  	v32 =	vld [tilespmem:s22+$0xC8A0]  }
0xdd: {  	v31 =	vld [tilespmem:s22+$0xC8B0]  }
0xde: {  	v30 =	vld [tilespmem:s22+$0xC8C0]  }
0xdf: {  	v29 =	vld [tilespmem:s22+$0xC8D0]  }
0xe0: {  	v28 =	vld [tilespmem:s22+$0xC8E0]  }
0xe1: {  	v27 =	vld [tilespmem:s22+$0xC8F0]  }
0xe2: {  	v26 =	vld [tilespmem:s22+$0xCC80]  }
0xe3: {  	v25 =	vld [tilespmem:s22+$0xCC90]  }
0xe4: {  	v24 =	vld [tilespmem:s22+$0xCCA0]  }
0xe5: {  	v23 =	vld [tilespmem:s22+$0xCCB0]  }
0xe6: {  	v22 =	vld [tilespmem:s22+$0xCCC0]  }
0xe7: {  	v21 =	vld [tilespmem:s22+$0xCCD0]  }
0xe8: {  	v20 =	vld [tilespmem:s22+$0xCCE0]  }
0xe9: {  	v19 =	vld [tilespmem:s22+$0xCCF0]  }
0xea: {  	v18 =	vld [tilespmem:s22+$0xD080]  }
0xeb: {  	v17 =	vld [tilespmem:s22+$0xD090]  }
0xec: {  	v16 =	vld [tilespmem:s22+$0xD0A0]  }
0xed: {  	v15 =	vld [tilespmem:s22+$0xD0B0]  }
0xee: {  	v14 =	vld [tilespmem:s22+$0xD0C0]  }
0xef: {  	v13 =	vld [tilespmem:s22+$0xD0D0]  }
0xf0: {  	v12 =	vld [tilespmem:s22+$0xD0E0]  }
0xf1: {  	v11 =	vld [tilespmem:s22+$0xD0F0]  }
0xf2: {  	v10 =	vld [tilespmem:s22+$0xD480]  }
0xf3: {  	v9 =	vld [tilespmem:s22+$0xD490]  }
0xf4: {  	v8 =	vld [tilespmem:s22+$0xD4A0]  }
0xf5: {  	v7 =	vld [tilespmem:s22+$0xD4B0]  }
0xf6: {  	v6 =	vld [tilespmem:s22+$0xD4C0]  }
0xf7: {  	v5 =	vld [tilespmem:s22+$0xD4D0]  }
0xf8: {  	v4 =	vld [tilespmem:s22+$0xD4E0]  }
0xf9: {  	v3 =	vld [tilespmem:s22+$0xD4F0]  }
0xfa: {  	v51 =	vld [tilespmem:s22+$0x80]  }
0xfb: {  	v52 =	vld [tilespmem:s22+$0x90]  }
0xfc: {  	v53 =	vld [tilespmem:s22+$0xA0]  }
0xfd: {  	v54 =	vld [tilespmem:s22+$0xB0]  }
0xfe: {  	v55 =	vld [tilespmem:s22+$0xC0]  }
0xff: {  	v39 =	vadd.f32 v39, v51;
	v51 =	vld [tilespmem:s22+$0xD0]  }
0x100: {  	v40 =	vadd.f32 v40, v52;
	v52 =	vld [tilespmem:s22+$0xE0]  }
0x101: {  	[tilespmem:s22+$0x80] =	vst v39;
	v39 =	vadd.f32 v41, v53;
	v41 =	vld [tilespmem:s22+$0xF0]  }
0x102: {  	[tilespmem:s22+$0x90] =	vst v40;
	v40 =	vadd.f32 v42, v54;
	v42 =	vld [tilespmem:s22+$0x480]  }
0x103: {  	[tilespmem:s22+$0xA0] =	vst v39;
	v39 =	vadd.f32 v43, v55;
	v43 =	vld [tilespmem:s22+$0x490]  }
0x104: {  	[tilespmem:s22+$0xB0] =	vst v40;
	v40 =	vadd.f32 v44, v51;
	v44 =	vld [tilespmem:s22+$0x4A0]  }
0x105: {  	[tilespmem:s22+$0xC0] =	vst v39;
	v39 =	vadd.f32 v45, v52;
	v45 =	vld [tilespmem:s22+$0x4B0]  }
0x106: {  	[tilespmem:s22+$0xD0] =	vst v40;
	v40 =	vadd.f32 v46, v41;
	v41 =	vld [tilespmem:s22+$0x4C0]  }
0x107: {  	[tilespmem:s22+$0xE0] =	vst v39;
	v39 =	vadd.f32 v47, v42;
	v42 =	vld [tilespmem:s22+$0x4D0]  }
0x108: {  	[tilespmem:s22+$0xF0] =	vst v40;
	v40 =	vadd.f32 v48, v43;
	v43 =	vld [tilespmem:s22+$0x4E0]  }
0x109: {  	[tilespmem:s22+$0x480] =	vst v39;
	v39 =	vadd.f32 v49, v44;
	v44 =	vld [tilespmem:s22+$0x4F0]  }
0x10a: {  	[tilespmem:s22+$0x490] =	vst v40;
	v40 =	vadd.f32 v50, v45;
	v45 =	vld [tilespmem:s22+$0x880]  }
0x10b: {  	[tilespmem:s22+$0x4A0] =	vst v39;
	v38 =	vadd.f32 v38, v41;
	v39 =	vld [tilespmem:s22+$0x890]  }
0x10c: {  	[tilespmem:s22+$0x4B0] =	vst v40;
	v37 =	vadd.f32 v37, v42;
	v40 =	vld [tilespmem:s22+$0x8A0]  }
0x10d: {  	[tilespmem:s22+$0x4C0] =	vst v38;
	v36 =	vadd.f32 v36, v43;
	v38 =	vld [tilespmem:s22+$0x8B0]  }
0x10e: {  	[tilespmem:s22+$0x4D0] =	vst v37;
	v35 =	vadd.f32 v35, v44;
	v37 =	vld [tilespmem:s22+$0x8C0]  }
0x10f: {  	[tilespmem:s22+$0x4E0] =	vst v36;
	v34 =	vadd.f32 v34, v45;
	v36 =	vld [tilespmem:s22+$0x8D0]  }
0x110: {  	[tilespmem:s22+$0x4F0] =	vst v35;
	v33 =	vadd.f32 v33, v39;
	v35 =	vld [tilespmem:s22+$0x8E0]  }
0x111: {  	[tilespmem:s22+$0x880] =	vst v34;
	v32 =	vadd.f32 v32, v40;
	v34 =	vld [tilespmem:s22+$0x8F0]  }
0x112: {  	[tilespmem:s22+$0x890] =	vst v33;
	v31 =	vadd.f32 v31, v38;
	v33 =	vld [tilespmem:s22+$0xC80]  }
0x113: {  	[tilespmem:s22+$0x8A0] =	vst v32;
	v30 =	vadd.f32 v30, v37;
	v32 =	vld [tilespmem:s22+$0xC90]  }
0x114: {  	[tilespmem:s22+$0x8B0] =	vst v31;
	v29 =	vadd.f32 v29, v36;
	v31 =	vld [tilespmem:s22+$0xCA0]  }
0x115: {  	[tilespmem:s22+$0x8C0] =	vst v30;
	v28 =	vadd.f32 v28, v35;
	v30 =	vld [tilespmem:s22+$0xCB0]  }
0x116: {  	[tilespmem:s22+$0x8D0] =	vst v29;
	v27 =	vadd.f32 v27, v34;
	v29 =	vld [tilespmem:s22+$0xCC0]  }
0x117: {  	[tilespmem:s22+$0x8E0] =	vst v28;
	v26 =	vadd.f32 v26, v33;
	v28 =	vld [tilespmem:s22+$0xCD0]  }
0x118: {  	[tilespmem:s22+$0x8F0] =	vst v27;
	v25 =	vadd.f32 v25, v32;
	v27 =	vld [tilespmem:s22+$0xCE0]  }
0x119: {  	[tilespmem:s22+$0xC80] =	vst v26;
	v24 =	vadd.f32 v24, v31;
	v26 =	vld [tilespmem:s22+$0xCF0]  }
0x11a: {  	[tilespmem:s22+$0xC90] =	vst v25;
	v23 =	vadd.f32 v23, v30;
	v25 =	vld [tilespmem:s22+$0x1080]  }
0x11b: {  	[tilespmem:s22+$0xCA0] =	vst v24;
	v22 =	vadd.f32 v22, v29;
	v24 =	vld [tilespmem:s22+$0x1090]  }
0x11c: {  	[tilespmem:s22+$0xCB0] =	vst v23;
	v21 =	vadd.f32 v21, v28;
	v23 =	vld [tilespmem:s22+$0x10A0]  }
0x11d: {  	[tilespmem:s22+$0xCC0] =	vst v22;
	v20 =	vadd.f32 v20, v27;
	v22 =	vld [tilespmem:s22+$0x10B0]  }
0x11e: {  	[tilespmem:s22+$0xCD0] =	vst v21;
	v19 =	vadd.f32 v19, v26;
	v21 =	vld [tilespmem:s22+$0x10C0]  }
0x11f: {  	[tilespmem:s22+$0xCE0] =	vst v20;
	v18 =	vadd.f32 v18, v25;
	v20 =	vld [tilespmem:s22+$0x10D0]  }
0x120: {  	[tilespmem:s22+$0xCF0] =	vst v19;
	v17 =	vadd.f32 v17, v24;
	v19 =	vld [tilespmem:s22+$0x10E0]  }
.Ltmp0:
0x121: {  	[tilespmem:s22+$0x1080] =	vst v18;
	v18 =	vadd.f32 v16, v23;
	v16 =	vld [tilespmem:s22+$0x10F0];
	(pc) =	sbr.rel @p0 .LBB2_2-.Ltmp0, $4  }
0x122: {  	[tilespmem:s22+$0x1090] =	vst v17;
	v17 =	vadd.f32 v15, v22;
	v15 =	vld [tilespmem:s22+$0x1480]  }
0x123: {  	[tilespmem:s22+$0x10A0] =	vst v18;
	v21 =	vadd.f32 v14, v21;
	v14 =	vld [tilespmem:s22+$0x1490]  }
0x124: {  	[tilespmem:s22+$0x10B0] =	vst v17;
	v18 =	vadd.f32 v13, v20;
	v13 =	vld [tilespmem:s22+$0x14A0]  }
0x125: {  	s23 =	sadd.s32 $0x1, s23;
	[tilespmem:s22+$0x10C0] =	vst v21;
	v17 =	vadd.f32 v12, v19;
	v12 =	vld [tilespmem:s22+$0x14B0]  }
0x126: {  	[tilespmem:s22+$0x10D0] =	vst v18;
	v18 =	vld [tilespmem:s22+$0x14C0];
	v11 =	vadd.f32 v11, v16  }
0x127: {  	v16 =	vld [tilespmem:s22+$0x14D0];
	[tilespmem:s22+$0x10E0] =	vst v17;
	v10 =	vadd.f32 v10, v15  }
0x128: {  	[tilespmem:s22+$0x10F0] =	vst v11;
	v9 =	vadd.f32 v9, v14;
	v11 =	vld [tilespmem:s22+$0x14E0]  }
0x129: {  	[tilespmem:s22+$0x1480] =	vst v10;
	v8 =	vadd.f32 v8, v13;
	v10 =	vld [tilespmem:s22+$0x14F0]  }
0x12a: {  	[tilespmem:s22+$0x1490] =	vst v9;
	v7 =	vadd.f32 v7, v12  }
0x12b: {  	[tilespmem:s22+$0x14A0] =	vst v8;
	v6 =	vadd.f32 v6, v18  }
0x12c: {  	v5 =	vadd.f32 v5, v16;
	[tilespmem:s22+$0x14B0] =	vst v7  }
0x12d: {  	[tilespmem:s22+$0x14C0] =	vst v6;
	v4 =	vadd.f32 v4, v11  }
0x12e: {  	[tilespmem:s22+$0x14D0] =	vst v5;
	v3 =	vadd.f32 v3, v10  }
0x12f: {  	[tilespmem:s22+$0x14E0] =	vst v4  }
0x130: {  	[tilespmem:s22+$0x14F0] =	vst v3;
	s22 =	simm.s32 $0x0  }
0x131: {  	[hbm4b:s8+s22] =	stream.linear.scatter [tilespmem:s14], [sflag:$0x2], $0xC000, $0x38;
	[tilespmem:$0x18080] =	vst v63  }
0x132: {  	_ =	swait.ge [sflag:s13], $0xC000  }
0x133: {  	[sflag:s13] =	ssyncset.done $0x0  }
0x134: {  	[sflag:s13] =	ssyncadd.s32 $0xFFFF4000  }
0x135: {  	[tilespmem:s22], [sflag:$0x2] =	stream.linear.gather [hbm4b:s9+s22], $0x40, $0x38;
	[tilespmem:$0x18080] =	vst v63  }
0x136: {  	_ =	swait.ge [sflag:s13], $0x40  }
0x137: {  	[sflag:s13] =	ssyncset.done $0x0  }
0x138: {  	[sflag:s13] =	ssyncadd.s32 $0xFFFFFFC0  }
0x139: {  	v3 =	vld [tilespmem:$0x0];
	_ =	sdelay $0x4  }
0x13a: {  	v4 =	vshrl.u32 v3, $0x3  }
0x13b: {  	v4 =	vmul.u32 $0x30, v4  }
0x13c: {  	v3 =	vand.u32 $0x7, v3  }
0x13d: {  	v3 =	vor.u32 v3, v4  }
0x13e: {  	v4 =	vperm.xlane v3, v0;
	_ =	sdelay $0x1  }
0x13f: {  	v4 =	vadd.s32 v1, v4;
	_ =	sdelay $0x3  }
0x140: {  	v3 =	vperm.xlane v3, v2  }
0x141: {  	[tilespmem:s14], [sflag:$0x1] =	stream.indirect_vreg.gather [hbm4b:s3+s22], $0x80, v4, vm0, $0xb8;
	[tilespmem:$0x18080] =	vst v63  }
0x142: {  	s7 =	simm.s32 $0x880;
	v3 =	vadd.s32 v1, v3  }
0x143: {  	[tilespmem:s7], [sflag:$0x1] =	stream.indirect_vreg.gather [hbm4b:s5+s22], $0x80, v4, vm0, $0xb8;
	[tilespmem:$0x18080] =	vst v63  }
0x144: {  	s24 =	simm.s32 $0x1080  }
0x145: {  	[tilespmem:s24], [sflag:$0x1] =	stream.indirect_vreg.gather [hbm4b:s6+s22], $0x80, v4, vm0, $0xb8;
	[tilespmem:$0x18080] =	vst v63  }
0x146: {  	s25 =	simm.s32 $0x1880  }
0x147: {  	[tilespmem:s25], [sflag:$0x1] =	stream.indirect_vreg.gather [hbm4b:s3+s22], $0x80, v3, vm0, $0xb8;
	[tilespmem:$0x18080] =	vst v63  }
0x148: {  	s23 =	simm.s32 $0x2080  }
0x149: {  	[tilespmem:s23], [sflag:$0x1] =	stream.indirect_vreg.gather [hbm4b:s5+s22], $0x80, v3, vm0, $0xb8;
	[tilespmem:$0x18080] =	vst v63  }
0x14a: {  	s24 =	simm.s32 $0x2880  }
0x14b: {  	[tilespmem:s24], [sflag:$0x1] =	stream.indirect_vreg.gather [hbm4b:s6+s22], $0x80, v3, vm0, $0xb8;
	[tilespmem:$0x18080] =	vst v63  }
0x14c: {  	v3 =	vld [tilespmem:$0x10];
	_ =	sdelay $0x4  }
0x14d: {  	v4 =	vshrl.u32 v3, $0x3  }
0x14e: {  	v4 =	vmul.u32 $0x30, v4  }
0x14f: {  	v3 =	vand.u32 $0x7, v3  }
0x150: {  	v3 =	vor.u32 v3, v4  }
0x151: {  	v4 =	vperm.xlane v3, v0;
	_ =	sdelay $0x1  }
0x152: {  	v4 =	vadd.s32 v1, v4;
	_ =	sdelay $0x3  }
0x153: {  	s25 =	simm.s32 $0x3080;
	v3 =	vperm.xlane v3, v2  }
0x154: {  	[tilespmem:s25], [sflag:$0x1] =	stream.indirect_vreg.gather [hbm4b:s3+s22], $0x80, v4, vm0, $0xb8;
	[tilespmem:$0x18080] =	vst v63  }
0x155: {  	s23 =	simm.s32 $0x3880;
	v3 =	vadd.s32 v1, v3  }
0x156: {  	[tilespmem:s23], [sflag:$0x1] =	stream.indirect_vreg.gather [hbm4b:s5+s22], $0x80, v4, vm0, $0xb8;
	[tilespmem:$0x18080] =	vst v63  }
0x157: {  	s24 =	simm.s32 $0x4080  }
0x158: {  	[tilespmem:s24], [sflag:$0x1] =	stream.indirect_vreg.gather [hbm4b:s6+s22], $0x80, v4, vm0, $0xb8;
	[tilespmem:$0x18080] =	vst v63  }
0x159: {  	s25 =	simm.s32 $0x4880  }
0x15a: {  	[tilespmem:s25], [sflag:$0x1] =	stream.indirect_vreg.gather [hbm4b:s3+s22], $0x80, v3, vm0, $0xb8;
	[tilespmem:$0x18080] =	vst v63  }
0x15b: {  	s23 =	simm.s32 $0x5080  }
0x15c: {  	[tilespmem:s23], [sflag:$0x1] =	stream.indirect_vreg.gather [hbm4b:s5+s22], $0x80, v3, vm0, $0xb8;
	[tilespmem:$0x18080] =	vst v63  }
0x15d: {  	s24 =	simm.s32 $0x5880  }
0x15e: {  	[tilespmem:s24], [sflag:$0x1] =	stream.indirect_vreg.gather [hbm4b:s6+s22], $0x80, v3, vm0, $0xb8;
	[tilespmem:$0x18080] =	vst v63  }
0x15f: {  	v3 =	vld [tilespmem:$0x20];
	_ =	sdelay $0x4  }
0x160: {  	v4 =	vshrl.u32 v3, $0x3  }
0x161: {  	v4 =	vmul.u32 $0x30, v4  }
0x162: {  	v3 =	vand.u32 $0x7, v3  }
0x163: {  	v3 =	vor.u32 v3, v4  }
0x164: {  	v4 =	vperm.xlane v3, v0;
	_ =	sdelay $0x1  }
0x165: {  	v4 =	vadd.s32 v1, v4;
	_ =	sdelay $0x3  }
0x166: {  	v3 =	vperm.xlane v3, v2  }
0x167: {  	[tilespmem:s26], [sflag:$0x1] =	stream.indirect_vreg.gather [hbm4b:s3+s22], $0x80, v4, vm0, $0xb8;
	[tilespmem:$0x18080] =	vst v63  }
0x168: {  	v3 =	vadd.s32 v1, v3  }
0x169: {  	[tilespmem:s28], [sflag:$0x1] =	stream.indirect_vreg.gather [hbm4b:s5+s22], $0x80, v4, vm0, $0xb8;
	[tilespmem:$0x18080] =	vst v63  }
0x16a: {  	_ = 	snop  }
0x16b: {  	[tilespmem:s29], [sflag:$0x1] =	stream.indirect_vreg.gather [hbm4b:s6+s22], $0x80, v4, vm0, $0xb8;
	[tilespmem:$0x18080] =	vst v63  }
0x16c: {  	_ = 	snop  }
0x16d: {  	[tilespmem:s30], [sflag:$0x1] =	stream.indirect_vreg.gather [hbm4b:s3+s22], $0x80, v3, vm0, $0xb8;
	[tilespmem:$0x18080] =	vst v63  }
0x16e: {  	_ = 	snop  }
0x16f: {  	[tilespmem:s31], [sflag:$0x1] =	stream.indirect_vreg.gather [hbm4b:s5+s22], $0x80, v3, vm0, $0xb8;
	[tilespmem:$0x18080] =	vst v63  }
0x170: {  	_ = 	snop  }
0x171: {  	[tilespmem:s0], [sflag:$0x1] =	stream.indirect_vreg.gather [hbm4b:s6+s22], $0x80, v3, vm0, $0xb8;
	[tilespmem:$0x18080] =	vst v63  }
0x172: {  	v3 =	vld [tilespmem:$0x30];
	_ =	sdelay $0x4  }
0x173: {  	v4 =	vshrl.u32 v3, $0x3  }
0x174: {  	v4 =	vmul.u32 $0x30, v4  }
0x175: {  	v3 =	vand.u32 $0x7, v3  }
0x176: {  	v3 =	vor.u32 v3, v4  }
0x177: {  	v4 =	vperm.xlane v3, v0;
	_ =	sdelay $0x1  }
0x178: {  	v4 =	vadd.s32 v1, v4;
	_ =	sdelay $0x3  }
0x179: {  	v3 =	vperm.xlane v3, v2  }
0x17a: {  	[tilespmem:s2], [sflag:$0x1] =	stream.indirect_vreg.gather [hbm4b:s3+s22], $0x80, v4, vm0, $0xb8;
	[tilespmem:$0x18080] =	vst v63  }
0x17b: {  	v3 =	vadd.s32 v1, v3  }
0x17c: {  	[tilespmem:s15], [sflag:$0x1] =	stream.indirect_vreg.gather [hbm4b:s5+s22], $0x80, v4, vm0, $0xb8;
	[tilespmem:$0x18080] =	vst v63  }
0x17d: {  	_ = 	snop  }
0x17e: {  	[tilespmem:s16], [sflag:$0x1] =	stream.indirect_vreg.gather [hbm4b:s6+s22], $0x80, v4, vm0, $0xb8;
	[tilespmem:$0x18080] =	vst v63  }
0x17f: {  	_ = 	snop  }
0x180: {  	[tilespmem:s17], [sflag:$0x1] =	stream.indirect_vreg.gather [hbm4b:s3+s22], $0x80, v3, vm0, $0xb8;
	[tilespmem:$0x18080] =	vst v63  }
0x181: {  	_ = 	snop  }
0x182: {  	[tilespmem:s18], [sflag:$0x1] =	stream.indirect_vreg.gather [hbm4b:s5+s22], $0x80, v3, vm0, $0xb8;
	[tilespmem:$0x18080] =	vst v63  }
0x183: {  	_ = 	snop  }
0x184: {  	[tilespmem:s19], [sflag:$0x1] =	stream.indirect_vreg.gather [hbm4b:s6+s22], $0x80, v3, vm0, $0xb8;
	[tilespmem:$0x18080] =	vst v63  }
0x185: {  	_ =	swait.ge [sflag:s20], $0xC000  }
0x186: {  	[sflag:s20] =	ssyncset.done $0x0  }
0x187: {  	s25 =	simm.s32 $0x0;
	[sflag:s20] =	ssyncadd.s32 $0xFFFF4000  }
0x188: {  	[tilespmem:s21], [sflag:$0x2] =	stream.linear.gather [hbm4b:s10+s22], $0xC000, $0x38;
	[tilespmem:$0x18080] =	vst v63  }
0x189: {  	s7 =	smul.u32 $0x1800, s25;
	_ =	swait.ge [sflag:s13], $0xC000  }
0x18a: {  	s23 =	sand.u32 $0x380, s22;
	[sflag:s13] =	ssyncset.done $0x0  }
0x18b: {  	s23 =	sor.u32 s23, s7;
	[sflag:s13] =	ssyncadd.s32 $0xFFFF4000  }
0x18c: {  	v12 =	vld [tilespmem:s23+$0xC080]  }
0x18d: {  	v13 =	vld [tilespmem:s23+$0xC090]  }
0x18e: {  	v14 =	vld [tilespmem:s23+$0xC0A0]  }
0x18f: {  	v15 =	vld [tilespmem:s23+$0xC0B0]  }
0x190: {  	v16 =	vld [tilespmem:s23+$0xC0C0]  }
0x191: {  	v17 =	vld [tilespmem:s23+$0xC0D0]  }
0x192: {  	v18 =	vld [tilespmem:s23+$0xC0E0]  }
0x193: {  	v19 =	vld [tilespmem:s23+$0xC0F0]  }
0x194: {  	v20 =	vld [tilespmem:s23+$0xC480]  }
0x195: {  	v21 =	vld [tilespmem:s23+$0xC490]  }
0x196: {  	v22 =	vld [tilespmem:s23+$0xC4A0]  }
0x197: {  	v23 =	vld [tilespmem:s23+$0xC4B0]  }
0x198: {  	v24 =	vld [tilespmem:s23+$0xC4C0]  }
0x199: {  	v25 =	vld [tilespmem:s23+$0xC4D0]  }
0x19a: {  	v26 =	vld [tilespmem:s23+$0xC4E0]  }
0x19b: {  	v27 =	vld [tilespmem:s23+$0xC4F0]  }
0x19c: {  	v28 =	vld [tilespmem:s23+$0xC880]  }
0x19d: {  	v29 =	vld [tilespmem:s23+$0xC890]  }
0x19e: {  	v30 =	vld [tilespmem:s23+$0xC8A0]  }
0x19f: {  	v31 =	vld [tilespmem:s23+$0xC8B0]  }
0x1a0: {  	v32 =	vld [tilespmem:s23+$0xC8C0]  }
0x1a1: {  	v33 =	vld [tilespmem:s23+$0xC8D0]  }
0x1a2: {  	v34 =	vld [tilespmem:s23+$0xC8E0]  }
0x1a3: {  	v35 =	vld [tilespmem:s23+$0xC8F0]  }
0x1a4: {  	v36 =	vld [tilespmem:s23+$0xCC80]  }
0x1a5: {  	v37 =	vld [tilespmem:s23+$0xCC90]  }
0x1a6: {  	v38 =	vld [tilespmem:s23+$0xCCA0]  }
0x1a7: {  	v39 =	vld [tilespmem:s23+$0xCCB0]  }
0x1a8: {  	v40 =	vld [tilespmem:s23+$0xCCC0]  }
0x1a9: {  	v41 =	vld [tilespmem:s23+$0xCCD0]  }
0x1aa: {  	v42 =	vld [tilespmem:s23+$0xCCE0]  }
0x1ab: {  	v43 =	vld [tilespmem:s23+$0xCCF0]  }
0x1ac: {  	v44 =	vld [tilespmem:s23+$0xD080]  }
0x1ad: {  	v45 =	vld [tilespmem:s23+$0xD090]  }
0x1ae: {  	v46 =	vld [tilespmem:s23+$0xD0A0]  }
0x1af: {  	v47 =	vld [tilespmem:s23+$0xD0B0]  }
0x1b0: {  	v48 =	vld [tilespmem:s23+$0xD0C0]  }
0x1b1: {  	v49 =	vld [tilespmem:s23+$0xD0D0]  }
0x1b2: {  	v50 =	vld [tilespmem:s23+$0xD0E0]  }
0x1b3: {  	v11 =	vld [tilespmem:s23+$0xD0F0]  }
0x1b4: {  	v10 =	vld [tilespmem:s23+$0xD480]  }
0x1b5: {  	v9 =	vld [tilespmem:s23+$0xD490]  }
0x1b6: {  	v8 =	vld [tilespmem:s23+$0xD4A0]  }
0x1b7: {  	v7 =	vld [tilespmem:s23+$0xD4B0]  }
0x1b8: {  	v6 =	vld [tilespmem:s23+$0xD4C0]  }
0x1b9: {  	v51 =	vld [tilespmem:s23+$0x80]  }
0x1ba: {  	v52 =	vld [tilespmem:s23+$0x90]  }
0x1bb: {  	v53 =	vld [tilespmem:s23+$0xA0]  }
0x1bc: {  	v54 =	vld [tilespmem:s23+$0xB0]  }
0x1bd: {  	v55 =	vld [tilespmem:s23+$0xC0]  }
0x1be: {  	v62 =	vld [tilespmem:s23+$0xD0];
	v12 =	vadd.f32 v12, v51  }
0x1bf: {  	v63 =	vld [tilespmem:s23+$0xE0];
	v13 =	vadd.f32 v13, v52  }
0x1c0: {  	[tilespmem:s23+$0x80] =	vst v12;
	v12 =	vadd.f32 v14, v53;
	v14 =	vld [tilespmem:s23+$0xF0]  }
0x1c1: {  	[tilespmem:s23+$0x90] =	vst v13;
	v13 =	vadd.f32 v15, v54;
	v15 =	vld [tilespmem:s23+$0x480]  }
0x1c2: {  	[tilespmem:s23+$0xA0] =	vst v12;
	v12 =	vadd.f32 v16, v55;
	v16 =	vld [tilespmem:s23+$0x490]  }
0x1c3: {  	[tilespmem:s23+$0xB0] =	vst v13;
	v13 =	vadd.f32 v17, v62;
	v17 =	vld [tilespmem:s23+$0x4A0]  }
0x1c4: {  	v5 =	vld [tilespmem:s23+$0xD4D0]  }
0x1c5: {  	[tilespmem:s23+$0xC0] =	vst v12;
	v12 =	vadd.f32 v18, v63;
	v18 =	vld [tilespmem:s23+$0x4F0]  }
0x1c6: {  	[tilespmem:s23+$0xD0] =	vst v13;
	v13 =	vadd.f32 v19, v14;
	v14 =	vld [tilespmem:s23+$0x4B0]  }
0x1c7: {  	[tilespmem:s23+$0xE0] =	vst v12;
	v12 =	vadd.f32 v20, v15;
	v15 =	vld [tilespmem:s23+$0x4C0]  }
0x1c8: {  	[tilespmem:s23+$0xF0] =	vst v13;
	v13 =	vadd.f32 v21, v16;
	v16 =	vadd.f32 v22, v17;
	v17 =	vld [tilespmem:s23+$0x4E0]  }
0x1c9: {  	[tilespmem:s23+$0x480] =	vst v12;
	v12 =	vld [tilespmem:s23+$0x4D0]  }
0x1ca: {  	[tilespmem:s23+$0x490] =	vst v13;
	v13 =	vld [tilespmem:s23+$0x880];
	v18 =	vadd.f32 v27, v18  }
0x1cb: {  	[tilespmem:s23+$0x4A0] =	vst v16;
	v16 =	vld [tilespmem:s23+$0x890];
	v14 =	vadd.f32 v23, v14  }
0x1cc: {  	v4 =	vld [tilespmem:s23+$0xD4E0];
	v15 =	vadd.f32 v24, v15;
	[tilespmem:s23+$0x4F0] =	vst v18  }
0x1cd: {  	[tilespmem:s23+$0x4B0] =	vst v14;
	v14 =	vld [tilespmem:s23+$0x8A0];
	v17 =	vadd.f32 v26, v17  }
0x1ce: {  	v12 =	vadd.f32 v25, v12;
	[tilespmem:s23+$0x4C0] =	vst v15;
	v15 =	vld [tilespmem:s23+$0x8B0]  }
0x1cf: {  	v18 =	vld [tilespmem:s23+$0x8F0];
	[tilespmem:s23+$0x4E0] =	vst v17;
	v13 =	vadd.f32 v28, v13  }
0x1d0: {  	v16 =	vadd.f32 v29, v16;
	[tilespmem:s23+$0x4D0] =	vst v12;
	v12 =	vld [tilespmem:s23+$0x8C0]  }
0x1d1: {  	v17 =	vld [tilespmem:s23+$0x8D0];
	[tilespmem:s23+$0x880] =	vst v13  }
0x1d2: {  	[tilespmem:s23+$0x890] =	vst v16;
	v16 =	vld [tilespmem:s23+$0x8E0];
	v13 =	vadd.f32 v30, v14  }
0x1d3: {  	v14 =	vld [tilespmem:s23+$0xC80];
	v15 =	vadd.f32 v31, v15  }
0x1d4: {  	[tilespmem:s23+$0x8A0] =	vst v13;
	v13 =	vld [tilespmem:s23+$0xC90]  }
0x1d5: {  	v12 =	vadd.f32 v32, v12;
	[tilespmem:s23+$0x8B0] =	vst v15;
	v15 =	vld [tilespmem:s23+$0xCA0]  }
0x1d6: {  	v3 =	vld [tilespmem:s23+$0xD4F0];
	v17 =	vadd.f32 v33, v17  }
0x1d7: {  	v16 =	vadd.f32 v34, v16;
	[tilespmem:s23+$0x8C0] =	vst v12;
	v12 =	vld [tilespmem:s23+$0xCB0]  }
0x1d8: {  	[tilespmem:s23+$0x8D0] =	vst v17;
	v17 =	vld [tilespmem:s23+$0xCC0];
	v14 =	vadd.f32 v36, v14  }
0x1d9: {  	v18 =	vadd.f32 v35, v18;
	[tilespmem:s23+$0x8E0] =	vst v16;
	v16 =	vld [tilespmem:s23+$0xCD0]  }
0x1da: {  	v13 =	vadd.f32 v37, v13;
	[tilespmem:s23+$0xC80] =	vst v14;
	v14 =	vadd.f32 v38, v15;
	v15 =	vld [tilespmem:s23+$0xCE0]  }
0x1db: {  	[tilespmem:s23+$0x8F0] =	vst v18;
	v18 =	vld [tilespmem:s23+$0xCF0]  }
0x1dc: {  	[tilespmem:s23+$0xC90] =	vst v13;
	v13 =	vld [tilespmem:s23+$0x1080];
	v12 =	vadd.f32 v39, v12  }
0x1dd: {  	v17 =	vadd.f32 v40, v17;
	[tilespmem:s23+$0xCA0] =	vst v14;
	v14 =	vld [tilespmem:s23+$0x1090]  }
0x1de: {  	v16 =	vadd.f32 v41, v16;
	[tilespmem:s23+$0xCB0] =	vst v12;
	v12 =	vld [tilespmem:s23+$0x10A0]  }
0x1df: {  	[tilespmem:s23+$0xCC0] =	vst v17;
	v17 =	vld [tilespmem:s23+$0x10B0];
	v15 =	vadd.f32 v42, v15  }
0x1e0: {  	v19 =	vld [tilespmem:s23+$0x10C0];
	[tilespmem:s23+$0xCD0] =	vst v16;
	v16 =	vadd.f32 v43, v18  }
0x1e1: {  	v18 =	vld [tilespmem:s23+$0x10D0];
	v13 =	vadd.f32 v44, v13;
	[tilespmem:s23+$0xCE0] =	vst v15  }
0x1e2: {  	v20 =	vld [tilespmem:s23+$0x10E0];
	[tilespmem:s23+$0xCF0] =	vst v16;
	v14 =	vadd.f32 v45, v14  }
0x1e3: {  	v16 =	vld [tilespmem:s23+$0x10F0];
	[tilespmem:s23+$0x1080] =	vst v13;
	v12 =	vadd.f32 v46, v12  }
0x1e4: {  	v15 =	vld [tilespmem:s23+$0x1480];
	v13 =	vadd.f32 v47, v17;
	[tilespmem:s23+$0x1090] =	vst v14  }
0x1e5: {  	v14 =	vld [tilespmem:s23+$0x1490];
	[tilespmem:s23+$0x10A0] =	vst v12;
	v12 =	vadd.f32 v48, v19  }
0x1e6: {  	[tilespmem:s23+$0x10B0] =	vst v13;
	v13 =	vld [tilespmem:s23+$0x14A0];
	v18 =	vadd.f32 v49, v18  }
0x1e7: {  	s24 =	simm.s32 $0x1;
	v17 =	vadd.f32 v50, v20;
	[tilespmem:s23+$0x10C0] =	vst v12;
	v12 =	vld [tilespmem:s23+$0x14B0]  }
.LBB2_4:
0x1e8: {  	s7 =	sshrl.u32 s24, $0x3;
	p0 =	sne.s32 s24, $0x3F;
	[tilespmem:s23+$0x10D0] =	vst v18;
	v11 =	vadd.f32 v11, v16;
	v16 =	vld [tilespmem:s23+$0x14C0]  }
0x1e9: {  	s22 =	sadd.s32 $0x80, s22;
	s7 =	smul.u32 $0x1800, s7;
	[tilespmem:s23+$0x10E0] =	vst v17;
	v10 =	vadd.f32 v10, v15;
	v15 =	vld [tilespmem:s23+$0x14D0]  }
0x1ea: {  	s25 =	sand.u32 $0x380, s22;
	[tilespmem:s23+$0x10F0] =	vst v11;
	v9 =	vadd.f32 v9, v14;
	v11 =	vld [tilespmem:s23+$0x14E0]  }
0x1eb: {  	s7 =	sor.u32 s25, s7;
	[tilespmem:s23+$0x1480] =	vst v10;
	v8 =	vadd.f32 v8, v13;
	v10 =	vld [tilespmem:s23+$0x14F0]  }
0x1ec: {  	v39 =	vld [tilespmem:s7+$0xC080];
	[tilespmem:s23+$0x1490] =	vst v9;
	v7 =	vadd.f32 v7, v12  }
0x1ed: {  	v40 =	vld [tilespmem:s7+$0xC090];
	[tilespmem:s23+$0x14A0] =	vst v8;
	v6 =	vadd.f32 v6, v16  }
0x1ee: {  	v41 =	vld [tilespmem:s7+$0xC0A0];
	[tilespmem:s23+$0x14B0] =	vst v7;
	v5 =	vadd.f32 v5, v15  }
0x1ef: {  	v42 =	vld [tilespmem:s7+$0xC0B0];
	[tilespmem:s23+$0x14C0] =	vst v6;
	v4 =	vadd.f32 v4, v11  }
0x1f0: {  	v43 =	vld [tilespmem:s7+$0xC0C0];
	[tilespmem:s23+$0x14D0] =	vst v5;
	v3 =	vadd.f32 v3, v10  }
0x1f1: {  	v44 =	vld [tilespmem:s7+$0xC0D0];
	[tilespmem:s23+$0x14E0] =	vst v4  }
0x1f2: {  	v45 =	vld [tilespmem:s7+$0xC0E0];
	[tilespmem:s23+$0x14F0] =	vst v3;
	s23 =	smov.u32 s7  }
0x1f3: {  	v46 =	vld [tilespmem:s23+$0xC0F0]  }
0x1f4: {  	v47 =	vld [tilespmem:s23+$0xC480]  }
0x1f5: {  	v48 =	vld [tilespmem:s23+$0xC490]  }
0x1f6: {  	v49 =	vld [tilespmem:s23+$0xC4A0]  }
0x1f7: {  	v50 =	vld [tilespmem:s23+$0xC4B0]  }
0x1f8: {  	v38 =	vld [tilespmem:s23+$0xC4C0]  }
0x1f9: {  	v37 =	vld [tilespmem:s23+$0xC4D0]  }
0x1fa: {  	v36 =	vld [tilespmem:s23+$0xC4E0]  }
0x1fb: {  	v35 =	vld [tilespmem:s23+$0xC4F0]  }
0x1fc: {  	v34 =	vld [tilespmem:s23+$0xC880]  }
0x1fd: {  	v33 =	vld [tilespmem:s23+$0xC890]  }
0x1fe: {  	v32 =	vld [tilespmem:s23+$0xC8A0]  }
0x1ff: {  	v31 =	vld [tilespmem:s23+$0xC8B0]  }
0x200: {  	v30 =	vld [tilespmem:s23+$0xC8C0]  }
0x201: {  	v29 =	vld [tilespmem:s23+$0xC8D0]  }
0x202: {  	v28 =	vld [tilespmem:s23+$0xC8E0]  }
0x203: {  	v27 =	vld [tilespmem:s23+$0xC8F0]  }
0x204: {  	v26 =	vld [tilespmem:s23+$0xCC80]  }
0x205: {  	v25 =	vld [tilespmem:s23+$0xCC90]  }
0x206: {  	v24 =	vld [tilespmem:s23+$0xCCA0]  }
0x207: {  	v23 =	vld [tilespmem:s23+$0xCCB0]  }
0x208: {  	v22 =	vld [tilespmem:s23+$0xCCC0]  }
0x209: {  	v21 =	vld [tilespmem:s23+$0xCCD0]  }
0x20a: {  	v20 =	vld [tilespmem:s23+$0xCCE0]  }
0x20b: {  	v19 =	vld [tilespmem:s23+$0xCCF0]  }
0x20c: {  	v18 =	vld [tilespmem:s23+$0xD080]  }
0x20d: {  	v17 =	vld [tilespmem:s23+$0xD090]  }
0x20e: {  	v16 =	vld [tilespmem:s23+$0xD0A0]  }
0x20f: {  	v15 =	vld [tilespmem:s23+$0xD0B0]  }
0x210: {  	v14 =	vld [tilespmem:s23+$0xD0C0]  }
0x211: {  	v13 =	vld [tilespmem:s23+$0xD0D0]  }
0x212: {  	v12 =	vld [tilespmem:s23+$0xD0E0]  }
0x213: {  	v11 =	vld [tilespmem:s23+$0xD0F0]  }
0x214: {  	v10 =	vld [tilespmem:s23+$0xD480]  }
0x215: {  	v9 =	vld [tilespmem:s23+$0xD490]  }
0x216: {  	v8 =	vld [tilespmem:s23+$0xD4A0]  }
0x217: {  	v7 =	vld [tilespmem:s23+$0xD4B0]  }
0x218: {  	v6 =	vld [tilespmem:s23+$0xD4C0]  }
0x219: {  	v5 =	vld [tilespmem:s23+$0xD4D0]  }
0x21a: {  	v4 =	vld [tilespmem:s23+$0xD4E0]  }
0x21b: {  	v3 =	vld [tilespmem:s23+$0xD4F0]  }
0x21c: {  	v51 =	vld [tilespmem:s23+$0x80]  }
0x21d: {  	v52 =	vld [tilespmem:s23+$0x90]  }
0x21e: {  	v53 =	vld [tilespmem:s23+$0xA0]  }
0x21f: {  	v54 =	vld [tilespmem:s23+$0xB0]  }
0x220: {  	v55 =	vld [tilespmem:s23+$0xC0]  }
0x221: {  	v39 =	vadd.f32 v39, v51;
	v51 =	vld [tilespmem:s23+$0xD0]  }
0x222: {  	v40 =	vadd.f32 v40, v52;
	v52 =	vld [tilespmem:s23+$0xE0]  }
0x223: {  	[tilespmem:s23+$0x80] =	vst v39;
	v39 =	vadd.f32 v41, v53;
	v41 =	vld [tilespmem:s23+$0xF0]  }
0x224: {  	[tilespmem:s23+$0x90] =	vst v40;
	v40 =	vadd.f32 v42, v54;
	v42 =	vld [tilespmem:s23+$0x480]  }
0x225: {  	[tilespmem:s23+$0xA0] =	vst v39;
	v39 =	vadd.f32 v43, v55;
	v43 =	vld [tilespmem:s23+$0x490]  }
0x226: {  	[tilespmem:s23+$0xB0] =	vst v40;
	v40 =	vadd.f32 v44, v51;
	v44 =	vld [tilespmem:s23+$0x4A0]  }
0x227: {  	[tilespmem:s23+$0xC0] =	vst v39;
	v39 =	vadd.f32 v45, v52;
	v45 =	vld [tilespmem:s23+$0x4B0]  }
0x228: {  	[tilespmem:s23+$0xD0] =	vst v40;
	v40 =	vadd.f32 v46, v41;
	v41 =	vld [tilespmem:s23+$0x4C0]  }
0x229: {  	[tilespmem:s23+$0xE0] =	vst v39;
	v39 =	vadd.f32 v47, v42;
	v42 =	vld [tilespmem:s23+$0x4D0]  }
0x22a: {  	[tilespmem:s23+$0xF0] =	vst v40;
	v40 =	vadd.f32 v48, v43;
	v43 =	vld [tilespmem:s23+$0x4E0]  }
0x22b: {  	[tilespmem:s23+$0x480] =	vst v39;
	v39 =	vadd.f32 v49, v44;
	v44 =	vld [tilespmem:s23+$0x4F0]  }
0x22c: {  	[tilespmem:s23+$0x490] =	vst v40;
	v40 =	vadd.f32 v50, v45;
	v45 =	vld [tilespmem:s23+$0x880]  }
0x22d: {  	[tilespmem:s23+$0x4A0] =	vst v39;
	v38 =	vadd.f32 v38, v41;
	v39 =	vld [tilespmem:s23+$0x890]  }
0x22e: {  	[tilespmem:s23+$0x4B0] =	vst v40;
	v37 =	vadd.f32 v37, v42;
	v40 =	vld [tilespmem:s23+$0x8A0]  }
0x22f: {  	[tilespmem:s23+$0x4C0] =	vst v38;
	v36 =	vadd.f32 v36, v43;
	v38 =	vld [tilespmem:s23+$0x8B0]  }
0x230: {  	[tilespmem:s23+$0x4D0] =	vst v37;
	v35 =	vadd.f32 v35, v44;
	v37 =	vld [tilespmem:s23+$0x8C0]  }
0x231: {  	[tilespmem:s23+$0x4E0] =	vst v36;
	v34 =	vadd.f32 v34, v45;
	v36 =	vld [tilespmem:s23+$0x8D0]  }
0x232: {  	[tilespmem:s23+$0x4F0] =	vst v35;
	v33 =	vadd.f32 v33, v39;
	v35 =	vld [tilespmem:s23+$0x8E0]  }
0x233: {  	[tilespmem:s23+$0x880] =	vst v34;
	v32 =	vadd.f32 v32, v40;
	v34 =	vld [tilespmem:s23+$0x8F0]  }
0x234: {  	[tilespmem:s23+$0x890] =	vst v33;
	v31 =	vadd.f32 v31, v38;
	v33 =	vld [tilespmem:s23+$0xC80]  }
0x235: {  	[tilespmem:s23+$0x8A0] =	vst v32;
	v30 =	vadd.f32 v30, v37;
	v32 =	vld [tilespmem:s23+$0xC90]  }
0x236: {  	[tilespmem:s23+$0x8B0] =	vst v31;
	v29 =	vadd.f32 v29, v36;
	v31 =	vld [tilespmem:s23+$0xCA0]  }
0x237: {  	[tilespmem:s23+$0x8C0] =	vst v30;
	v28 =	vadd.f32 v28, v35;
	v30 =	vld [tilespmem:s23+$0xCB0]  }
0x238: {  	[tilespmem:s23+$0x8D0] =	vst v29;
	v27 =	vadd.f32 v27, v34;
	v29 =	vld [tilespmem:s23+$0xCC0]  }
0x239: {  	[tilespmem:s23+$0x8E0] =	vst v28;
	v26 =	vadd.f32 v26, v33;
	v28 =	vld [tilespmem:s23+$0xCD0]  }
0x23a: {  	[tilespmem:s23+$0x8F0] =	vst v27;
	v25 =	vadd.f32 v25, v32;
	v27 =	vld [tilespmem:s23+$0xCE0]  }
0x23b: {  	[tilespmem:s23+$0xC80] =	vst v26;
	v24 =	vadd.f32 v24, v31;
	v26 =	vld [tilespmem:s23+$0xCF0]  }
0x23c: {  	[tilespmem:s23+$0xC90] =	vst v25;
	v23 =	vadd.f32 v23, v30;
	v25 =	vld [tilespmem:s23+$0x1080]  }
0x23d: {  	[tilespmem:s23+$0xCA0] =	vst v24;
	v22 =	vadd.f32 v22, v29;
	v24 =	vld [tilespmem:s23+$0x1090]  }
0x23e: {  	[tilespmem:s23+$0xCB0] =	vst v23;
	v21 =	vadd.f32 v21, v28;
	v23 =	vld [tilespmem:s23+$0x10A0]  }
0x23f: {  	[tilespmem:s23+$0xCC0] =	vst v22;
	v20 =	vadd.f32 v20, v27;
	v22 =	vld [tilespmem:s23+$0x10B0]  }
0x240: {  	[tilespmem:s23+$0xCD0] =	vst v21;
	v19 =	vadd.f32 v19, v26;
	v21 =	vld [tilespmem:s23+$0x10C0]  }
0x241: {  	[tilespmem:s23+$0xCE0] =	vst v20;
	v18 =	vadd.f32 v18, v25;
	v20 =	vld [tilespmem:s23+$0x10D0]  }
0x242: {  	[tilespmem:s23+$0xCF0] =	vst v19;
	v17 =	vadd.f32 v17, v24;
	v19 =	vld [tilespmem:s23+$0x10E0]  }
.Ltmp1:
0x243: {  	[tilespmem:s23+$0x1080] =	vst v18;
	v18 =	vadd.f32 v16, v23;
	v16 =	vld [tilespmem:s23+$0x10F0];
	(pc) =	sbr.rel @p0 .LBB2_4-.Ltmp1, $4  }
0x244: {  	[tilespmem:s23+$0x1090] =	vst v17;
	v17 =	vadd.f32 v15, v22;
	v15 =	vld [tilespmem:s23+$0x1480]  }
0x245: {  	[tilespmem:s23+$0x10A0] =	vst v18;
	v21 =	vadd.f32 v14, v21;
	v14 =	vld [tilespmem:s23+$0x1490]  }
0x246: {  	[tilespmem:s23+$0x10B0] =	vst v17;
	v18 =	vadd.f32 v13, v20;
	v13 =	vld [tilespmem:s23+$0x14A0]  }
0x247: {  	s24 =	sadd.s32 $0x1, s24;
	[tilespmem:s23+$0x10C0] =	vst v21;
	v17 =	vadd.f32 v12, v19;
	v12 =	vld [tilespmem:s23+$0x14B0]  }
0x248: {  	[tilespmem:s23+$0x10D0] =	vst v18;
	v60 =	vld [tilespmem:s23+$0x14C0];
	v11 =	vadd.f32 v11, v16  }
0x249: {  	v61 =	vld [tilespmem:s23+$0x14D0];
	[tilespmem:s23+$0x10E0] =	vst v17;
	v10 =	vadd.f32 v10, v15  }
0x24a: {  	v62 =	vld [tilespmem:s23+$0x14E0];
	[tilespmem:s23+$0x10F0] =	vst v11;
	v9 =	vadd.f32 v9, v14  }
0x24b: {  	v63 =	vld [tilespmem:s23+$0x14F0];
	[tilespmem:s23+$0x1480] =	vst v10;
	v8 =	vadd.f32 v8, v13  }
0x24c: {  	[tilespmem:s23+$0x1490] =	vst v9;
	v7 =	vadd.f32 v7, v12  }
0x24d: {  	[tilespmem:s23+$0x14A0] =	vst v8;
	v6 =	vadd.f32 v6, v60  }
0x24e: {  	v5 =	vadd.f32 v5, v61;
	[tilespmem:s23+$0x14B0] =	vst v7  }
0x24f: {  	v4 =	vadd.f32 v4, v62;
	[tilespmem:s23+$0x14C0] =	vst v6  }
0x250: {  	s4 =	sadd.s32 $0x1, s4;
	v3 =	vadd.f32 v3, v63;
	[tilespmem:s23+$0x14D0] =	vst v5  }
0x251: {  	p0 =	sne.s32 s4, s12;
	[tilespmem:s23+$0x14E0] =	vst v4  }
.Ltmp2:
0x252: {  	[tilespmem:s23+$0x14F0] =	vst v3;
	(pc) =	sbr.rel @p0 .LBB2_1-.Ltmp2, $4  }
0x253: {  	[hbm4b:s11+s1] =	stream.linear.scatter [tilespmem:s14], [sflag:$0x2], $0xC000, $0x38;
	[tilespmem:$0x18080] =	vst v63  }
0x254: {  	_ =	swait.ge [sflag:s13], $0xC000  }
0x255: {  	[sflag:s13] =	ssyncset.done $0x0  }
0x256: {  	[sflag:s13] =	ssyncadd.s32 $0xFFFF4000  }
0x257: {  	_ =	sfence.sel $0x180000  }
0x258: {  	[bflag:$0x0] =	sbarrier.arrive $0xFFFF  }
0x259: {  	_ =	strace $0x9000004A  }
0x25a: {  	s0 =	stileid.u32;
	[bflag:$0x2] =	sbarrier.arrive $0xFFFF  }
0x25b: {  	p0 =	sne.s32 s0, $0x0;
	s0 =	rddreg [dreg:$0x2]  }
0x25c: {  	s0 =	sadd.s32 @!p0 $0x100000, s0  }
0x25d: {  	[sflag:s0] =	ssyncadd.tile.s32 @!p0 $0x1;
	_ =	shalt  }
.Lfunc_end2:
_tile_overlayer_lowered:
.L_overlay_start_2:
0x25e: {  	(tag) =	ssettag $0x2  }
0x25f: {  	s0 =	rddreg [dreg:$0x0];
	s2 =	stileid.u32  }
0x260: {  	s1 =	rddreg [dreg:$0x1];
	p0 =	sne.s32 s2, $0x0  }
0x261: {  	s3 =	rddreg [dreg:$0x2];
	[bflag:$0x3] =	sbarrier.arrive $0xFFFF;
	s2 =	simm.s32 @!p0 $0x1C02  }
0x262: {  	[timem:s3], [sflag:s2] =	dma.local @!p0 [hbm:s0], s1  }
0x263: {  	s0 =	simm.s32 @!p0 $0x2  }
0x264: {  	_ =	swait.ge @!p0 [sflag:s0], s1  }
0x265: {  	s1 =	ssub.s32 @!p0 $0x0, s1;
	[sflag:s0] =	ssyncset.done @!p0 $0x0  }
0x266: {  	[sflag:s0] =	ssyncadd.s32 @!p0 s1  }
0x267: {  	[bflag:$0x3] =	sbarrier.arrive $0xFFFF  }
0x268: {  	_ =	shalt  }

// kernel: kernel.7.cloned.1.call-start
scs
__scs_entry_jumppad:
0x0: {  	(pc) =	sbr.rel $0x88, $3  }
0x1: {  	(tag) =	ssettag $0x0;
	lr =	simm.s32 $0x1  }
0x2: {  	[smem:$0x3F99] =	sst lr;
	_ =	strace $0xD0000000  }
0x3: {  	_ = 	snop  }
0x4: {  	_ = 	snop  }
0x5: {  	_ = 	snop  }
0x6: {  	_ = 	snop  }
0x7: {  	_ = 	snop  }
__scs_overlays_trampoline_lowered:
0x8: {  	[smem:$0x3FA8] =	sst s0  }
0x9: {  	[smem:$0x3FA9] =	sst s1  }
0xa: {  	[smem:$0x3FAA] =	sst s2  }
0xb: {  	[smem:$0x3FAB] =	sst s3  }
0xc: {  	[smem:$0x3FAC] =	sst s4  }
0xd: {  	[smem:$0x3FAD] =	sst s5  }
0xe: {  	[smem:$0x3FAE] =	sst s6  }
0xf: {  	[smem:$0x3FAF] =	sst s7  }
0x10: {  	[smem:$0x3FB0] =	sst s8  }
0x11: {  	[smem:$0x3FB1] =	sst s9;
	s0 =	simm.s32 @!p0 $0x0  }
0x12: {  	s1 =	sld [smem:$0x3F97];
	s0 =	simm.s32 @p0 $0x1  }
0x13: {  	[smem:$0x3FB2] =	sst s0;
	s0 =	simm.s32 @!p1 $0x0  }
0x14: {  	s2 =	sld [smem:$0x3F96];
	s0 =	simm.s32 @p1 $0x1  }
0x15: {  	[smem:$0x3FB3] =	sst s0;
	s0 =	simm.s32 @!p2 $0x0  }
0x16: {  	s3 =	sld [smem:$0x3FDB];
	s0 =	simm.s32 @p2 $0x1  }
0x17: {  	s4 =	simm.s32 $0x1BF5;
	[smem:$0x3FB5] =	sst s0  }
0x18: {  	s0 =	sld [smem:$0x3F98];
	_ =	swait.ge [sflag:s4], $0x0  }
0x19: {  	s7 =	sld [smem:$0x3F99]  }
0x1a: {  	s8 =	sadd.s32 $0xFFFFE003, lr  }
0x1b: {  	s9 =	sadd.s32 $0xFFFFFEF7, lr;
	s5 =	simm.s32 $0xFFFFFFFF;
	p2 =	slt.u32 s8, $0xFFFFF086  }
0x1c: {  	p1 =	slt.u32 s9, $0xF7A;
	s5 =	simm.s32 @!p2 $0x0  }
0x1d: {  	s5 =	simm.s32 @p1 $0x1;
	p0 =	seq.s32 s7, s2  }
0x1e: {  	s7 =	smul.u32 @!p0 $0xF7A, s2;
	p2 =	seq.s32 @!p0 s5, $0x0  }
0x1f: {  	s9 =	smul.u32 $0xF7A, s1;
	s8 =	simm.s32 @!p0 $0x1BF5;
	p2 =	por !p2, p0  }
0x20: {  	[sflag:s8] =	ssyncset.s32 @!p0 $0xFFFFF086;
	s6 =	sadd.s32 @!p0 s3, s7;
	s7 =	simm.s32 @!p0 $0x108  }
0x21: {  	s3 =	sadd.s32 s3, s9;
	s6 =	sadd.s32 @!p0 $0x88, s6;
	s7 =	simm.s32 @p2 $0x1082  }
0x22: {  	[simem:s7], [sflag:s8] =	dma.local @!p0 [hbm:s6], $0xF7A  }
0x23: {  	s9 =	sor.u32 $0xD0000000, s2;
	s6 =	simm.s32 $0x108;
	_ =	swait.ge @!p0 [sflag:s8], $0x0  }
0x24: {  	s3 =	sadd.s32 $0x88, s3;
	s6 =	simm.s32 @!p1 $0x1082;
	[sflag:s4] =	ssyncset.s32 $0xFFFFF086  }
0x25: {  	[simem:s6], [sflag:s4] =	dma.local [hbm:s3], $0xF7A  }
0x26: {  	[smem:$0x3F99] =	sst s1;
	(tag) =	ssettag s2;
	_ =	strace s9  }
0x27: {  	s1 =	sld [smem:$0x3FA9]  }
0x28: {  	s2 =	sld [smem:$0x3FAA]  }
0x29: {  	s4 =	sld [smem:$0x3FAC]  }
0x2a: {  	p0 =	seq.s32 s5, $0x0;
	s5 =	sld [smem:$0x3FAD]  }
0x2b: {  	s6 =	sld [smem:$0x3FAE]  }
0x2c: {  	s7 =	sld [smem:$0x3FAF]  }
0x2d: {  	s3 =	simm.s32 $0x108;
	s8 =	sld [smem:$0x3FB0]  }
0x2e: {  	s3 =	simm.s32 @!p0 $0x1082;
	s9 =	sld [smem:$0x3FB1]  }
0x2f: {  	lr =	sadd.s32 s0, s3;
	s0 =	sld [smem:$0x3FA8]  }
0x30: {  	s3 =	sld [smem:$0x3FAB]  }
0x31: {  	[smem:$0x3FB4] =	sst s10  }
0x32: {  	s10 =	sld [smem:$0x3FB2];
	_ =	sdelay $0x3  }
0x33: {  	p0 =	seq.s32 s10, $0x1;
	s10 =	sld [smem:$0x3FB4];
	_ =	sdelay $0x3  }
0x34: {  	[smem:$0x3FB4] =	sst s10  }
0x35: {  	s10 =	sld [smem:$0x3FB3];
	_ =	sdelay $0x3  }
0x36: {  	p1 =	seq.s32 s10, $0x1;
	s10 =	sld [smem:$0x3FB4];
	_ =	sdelay $0x3  }
0x37: {  	[smem:$0x3FB4] =	sst s10  }
0x38: {  	s10 =	sld [smem:$0x3FB5]  }
0x39: {  	_ = 	snop;
	(pc) =	sbr.ind lr, $3  }
0x3a: {  	_ = 	snop  }
0x3b: {  	_ = 	snop  }
0x3c: {  	p2 =	seq.s32 s10, $0x1;
	s10 =	sld [smem:$0x3FB4]  }
0x3d: {  	_ =	shalt  }
0x3e: {  	_ =	shalt  }
0x3f: {  	_ =	shalt  }
0x40: {  	_ =	shalt  }
0x41: {  	_ =	shalt  }
0x42: {  	_ =	shalt  }
0x43: {  	_ =	shalt  }
0x44: {  	_ =	shalt  }
0x45: {  	_ =	shalt  }
0x46: {  	_ =	shalt  }
0x47: {  	_ =	shalt  }
0x48: {  	_ =	shalt  }
0x49: {  	_ =	shalt  }
0x4a: {  	_ =	shalt  }
0x4b: {  	_ =	shalt  }
0x4c: {  	_ =	shalt  }
0x4d: {  	_ =	shalt  }
0x4e: {  	_ =	shalt  }
0x4f: {  	_ =	shalt  }
0x50: {  	_ =	shalt  }
0x51: {  	_ =	shalt  }
0x52: {  	_ =	shalt  }
0x53: {  	_ =	shalt  }
0x54: {  	_ =	shalt  }
0x55: {  	_ =	shalt  }
0x56: {  	_ =	shalt  }
0x57: {  	_ =	shalt  }
0x58: {  	_ =	shalt  }
0x59: {  	_ =	shalt  }
0x5a: {  	_ =	shalt  }
0x5b: {  	_ =	shalt  }
0x5c: {  	_ =	shalt  }
0x5d: {  	_ =	shalt  }
0x5e: {  	_ =	shalt  }
0x5f: {  	_ =	shalt  }
0x60: {  	_ =	shalt  }
0x61: {  	_ =	shalt  }
0x62: {  	_ =	shalt  }
0x63: {  	_ =	shalt  }
0x64: {  	_ =	shalt  }
0x65: {  	_ =	shalt  }
0x66: {  	_ =	shalt  }
0x67: {  	_ =	shalt  }
0x68: {  	_ =	shalt  }
0x69: {  	_ =	shalt  }
0x6a: {  	_ =	shalt  }
0x6b: {  	_ =	shalt  }
0x6c: {  	_ =	shalt  }
0x6d: {  	_ =	shalt  }
0x6e: {  	_ =	shalt  }
0x6f: {  	_ =	shalt  }
0x70: {  	_ =	shalt  }
0x71: {  	_ =	shalt  }
0x72: {  	_ =	shalt  }
0x73: {  	_ =	shalt  }
0x74: {  	_ =	shalt  }
0x75: {  	_ =	shalt  }
0x76: {  	_ =	shalt  }
0x77: {  	_ =	shalt  }
0x78: {  	_ =	shalt  }
0x79: {  	_ =	shalt  }
0x7a: {  	_ =	shalt  }
0x7b: {  	_ =	shalt  }
0x7c: {  	_ =	shalt  }
0x7d: {  	_ =	shalt  }
0x7e: {  	_ =	shalt  }
0x7f: {  	_ =	shalt  }
0x80: {  	_ =	shalt  }
0x81: {  	_ =	shalt  }
0x82: {  	_ =	shalt  }
0x83: {  	_ =	shalt  }
0x84: {  	_ =	shalt  }
0x85: {  	_ =	shalt  }
0x86: {  	_ =	shalt  }
0x87: {  	_ =	shalt  }
.Lfunc_end0:
.L_simem_size_0:
called_computation_lowered:
.L_overlay_start_0:
0x88: {  	s2 =	sld [smem:$0x3FD9]  }
0x89: {  	s3 =	sld [smem:$0x3FFE];
	_ =	sdelay $0x1  }
0x8a: {  	s1 =	srdreg.scid  }
0x8b: {  	s0 =	sand.u32 $0x1, s1  }
0x8c: {  	s17 =	sshll.u32 s0, $0xA;
	s2 =	sadd.s32 s3, s2  }
0x8d: {  	s2 =	sadd.s32 s2, s17  }
0x8e: {  	[smem:$0x3FC0] =	sst s2  }
0x8f: {  	_ = 	snop  }
0x90: {  	s2 =	sld [smem:$0x3FC9];
	(tm) =	ssettm $0x1  }
0x91: {  	s18 =	sld [smem:$0x3FFB];
	_ =	sdelay $0x3  }
0x92: {  	_ =	strace s18  }
0x93: {  	s3 =	sld [smem:$0x3FFC];
	_ =	sdelay $0x3  }
0x94: {  	_ =	strace s3  }
0x95: {  	s3 =	sld [smem:$0x3FFD];
	_ =	sdelay $0x3  }
0x96: {  	_ =	strace s3  }
0x97: {  	_ =	strace $0x8FFFFFFF  }
0x98: {  	s19 =	sld [smem:$0x3FDB];
	_ =	sdelay $0x1  }
0x99: {  	s4 =	simm.s32 $_scs_section_size  }
0x9a: {  	s5 =	simm.s32 $_size__tile_overlayer_lowered;
	s6 =	simm.s32 $_tile_overlayer_lowered  }
0x9b: {  	s22 =	simm.s32 $0x1BFF;
	s21 =	sshll.u32 s6, $0x1;
	s3 =	sadd.s32 s4, s19  }
0x9c: {  	s7 =	simm.s32 $0x0;
	s20 =	sshll.u32 s5, $0x1;
	s5 =	sadd.s32 s21, s3  }
0x9d: {  	[timem:s7], [sflag:s22] =	dma.local [hbm:s5], s20  }
0x9e: {  	_ =	swait.ge [sflag:s22], s20  }
0x9f: {  	s4 =	ssub.s32 $0x0, s20;
	[sflag:s22] =	ssyncset.done $0x0  }
0xa0: {  	[sflag:s22] =	ssyncadd.s32 s4;
	_ =	sdelay $0x1  }
0xa1: {  	s23 =	simm.s32 $0x1B8B  }
0xa2: {  	_ =	swait.ge [sflag:s23], $0x1  }
0xa3: {  	[sflag:s23] =	ssyncset.done $0x0  }
0xa4: {  	s25 =	simm.s32 $0x1B8E;
	s24 =	sld [smem:$0x3FFE];
	[sflag:s23] =	ssyncadd.s32 $0xFFFFFFFF  }
0xa5: {  	s26 =	simm.s32 $execute0_lowered;
	[smem:$0x3FD2] =	sst s25  }
0xa6: {  	s5 =	sshll.u32 s26, $0x1;
	_ =	strace $0x80000046;
	[dreg:$0x1] =	wrdreg $0xFFFFFFFF  }
0xa7: {  	s28 =	simm.s32 $_size_execute0_lowered;
	s3 =	sadd.s32 s3, s5;
	[dreg:$0x0] =	wrdreg $0x0  }
0xa8: {  	s5 =	sshll.u32 s28, $0x1;
	[dreg:$0x2] =	wrdreg s3  }
0xa9: {  	[dreg:$0x3] =	wrdreg s5  }
0xaa: {  	[dreg:$0x4] =	wrdreg $0xC0  }
0xab: {  	_ =	task [dreg:s7], $0x5FFFF  }
0xac: {  	[dreg:$0x1] =	wrdreg $0xFFFFFFFF  }
0xad: {  	[dreg:$0x0] =	wrdreg $0x60  }
0xae: {  	[dreg:$0x2] =	wrdreg s2  }
0xaf: {  	[dreg:$0x3] =	wrdreg s24  }
0xb0: {  	[dreg:$0x4] =	wrdreg $0x9  }
0xb1: {  	_ =	task.clear_ibuf [dreg:s7], $0x5FFFF;
	_ =	strace $0x90000046  }
0xb2: {  	s29 =	simm.s32 $0x9;
	_ =	strace $0x80000048  }
0xb3: {  	_ =	swait.ge [sflag:s29], $0x1  }
0xb4: {  	[sflag:s29] =	ssyncadd.s32 $0xFFFFFFFF  }
0xb5: {  	_ =	strace $0x90000048  }
0xb6: {  	_ =	sfence  }
0xb7: {  	s30 =	sld [smem:$0x0];
	_ =	sdelay $0x2  }
0xb8: {  	s31 =	sshll.u32 s1, $0xD;
	s1 =	sshrl.u32 s1, $0x2  }
0xb9: {  	s3 =	sand.u32 $0x4000, s31;
	s1 =	sadd.s32 s1, s30  }
0xba: {  	s0 =	sor.u32 s3, s0;
	s1 =	sshll.u32 s1, $0x11  }
0xbb: {  	s0 =	sor.u32 s1, s0  }
0xbc: {  	s0 =	sadd.s32 $0x8F2B, s0  }
0xbd: {  	[sflag:s0] =	ssyncadd.remote.s32 $0x1  }
0xbe: {  	_ =	sfence.sel $0xFFFF  }
0xbf: {  	[dreg:$0x0] =	wrdreg $0xFFFFFFFF;
	(pc) =	sbr.abs _section_cstart, $3  }
0xc0: {  	[dreg:$0x1] =	wrdreg $0xFFFFFFFF  }
0xc1: {  	_ =	task.clear_ibuf [dreg:s7], $0x2FFFF;
	_ =	strace $0x9FFFFFFF  }
0xc2: {  	(tm) =	ssettm $0x7FFFFFFF  }
0xc3: {  	_ =	shalt  }
tec
execute0_lowered:
.L_overlay_start_1:
0x0: {  	(tag) =	ssettag $0x1  }
0x1: {  	s3 =	rddreg [dreg:$0x0]  }
0x2: {  	s5 =	rddreg [dreg:$0x1];
	s2 =	simm.s32 $0x0  }
0x3: {  	s0 =	stileid.u32;
	s25 =	simm.s32 $0x880;
	[smem:$0x7FF] =	sst s2  }
0x4: {  	s26 =	simm.s32 $0x1080;
	_ =	strace $0x80000047;
	[dreg:$0x5] =	wrdreg s25  }
0x5: {  	s4 =	sshll.u32 s0, $0x5;
	s0 =	simm.s32 $0x1880;
	[dreg:$0x6] =	wrdreg s26  }
0x6: {  	s7 =	simm.s32 $0x3080;
	[dreg:$0x7] =	wrdreg s0  }
0x7: {  	s8 =	simm.s32 $0x3880;
	[dreg:$0xa] =	wrdreg s7  }
0x8: {  	s9 =	simm.s32 $0x4080;
	[dreg:$0xb] =	wrdreg s8  }
0x9: {  	s10 =	simm.s32 $0x4880;
	[dreg:$0xc] =	wrdreg s9  }
0xa: {  	s11 =	simm.s32 $0x5080;
	[dreg:$0xd] =	wrdreg s10  }
0xb: {  	s12 =	simm.s32 $0x5880;
	[dreg:$0xe] =	wrdreg s11  }
0xc: {  	s13 =	simm.s32 $0x6080;
	[dreg:$0xf] =	wrdreg s12  }
0xd: {  	s14 =	simm.s32 $0x6880;
	[dreg:$0x10] =	wrdreg s13  }
0xe: {  	s15 =	simm.s32 $0x7080;
	[dreg:$0x11] =	wrdreg s14  }
0xf: {  	s16 =	simm.s32 $0x7880;
	[dreg:$0x12] =	wrdreg s15  }
0x10: {  	s1 =	srdreg.scid;
	s17 =	simm.s32 $0x8080;
	[dreg:$0x13] =	wrdreg s16  }
0x11: {  	s18 =	simm.s32 $0x8880;
	s19 =	simm.s32 $0x9080;
	[dreg:$0x14] =	wrdreg s17  }
0x12: {  	s21 =	simm.s32 $0x9880;
	s22 =	simm.s32 $0xA080;
	[dreg:$0x15] =	wrdreg s18  }
0x13: {  	s23 =	simm.s32 $0xA880;
	s24 =	simm.s32 $0xB880;
	[dreg:$0x16] =	wrdreg s19  }
0x14: {  	s28 =	simm.s32 $0x16080;
	s29 =	simm.s32 $0x16880;
	[dreg:$0x17] =	wrdreg s21  }
0x15: {  	s30 =	simm.s32 $0x17080;
	s1 =	sand.u32 $0x1, s1;
	[dreg:$0x18] =	wrdreg s22  }
0x16: {  	s31 =	simm.s32 $0x17880;
	s6 =	sshll.u32 s1, $0x4;
	[dreg:$0x19] =	wrdreg s23  }
0x17: {  	s1 =	ssub.s32 $0x2, s1;
	s7 =	simm.s32 $0xB080;
	[dreg:$0x1b] =	wrdreg s24  }
0x18: {  	s25 =	simm.s32 $0xC080;
	s8 =	simm.s32 $0x80;
	s26 =	simm.s32 $0xC880  }
0x19: {  	s10 =	simm.s32 $0xD880;
	s11 =	simm.s32 $0xE080;
	s12 =	simm.s32 $0xE880  }
0x1a: {  	s13 =	simm.s32 $0xF080;
	s14 =	simm.s32 $0xF880;
	s15 =	simm.s32 $0x10080  }
0x1b: {  	s16 =	simm.s32 $0x10880;
	s17 =	simm.s32 $0x11080;
	s18 =	simm.s32 $0x11880  }
0x1c: {  	s19 =	simm.s32 $0x12080;
	s21 =	simm.s32 $0x13080;
	s22 =	simm.s32 $0x13880  }
0x1d: {  	s23 =	simm.s32 $0x14080;
	s24 =	simm.s32 $0x14880;
	s4 =	sor.u32 s6, s4  }
0x1e: {  	s20 =	sshrl.u32 s1, $0x1;
	[dreg:$0x1a] =	wrdreg s7;
	s7 =	simm.s32 $0x2  }
0x1f: {  	[dreg:$0x1c] =	wrdreg s25;
	s6 =	sadd.s32 s4, s5;
	s4 =	smul.u32 $0x300, s4  }
0x20: {  	[dreg:$0x1d] =	wrdreg s26;
	s25 =	simm.s32 $0x15080;
	s6 =	sadd.s32 $0x70800, s6  }
0x21: {  	s26 =	simm.s32 $0x15880;
	[dreg:$0x3] =	wrdreg s6;
	s3 =	sadd.s32 s3, s4  }
0x22: {  	s1 =	ssub.s32 s1, s20;
	s4 =	simm.s32 $0x2080;
	[dreg:$0x4] =	wrdreg s3  }
0x23: {  	v2 =	vlaneseq.u32;
	s20 =	simm.s32 $0x12880;
	s6 =	simm.s32 $0x2880;
	[dreg:$0x8] =	wrdreg s4  }
0x24: {  	vm0 =	vmmov $0xffff;
	v1 =	vshrl.u32 v2, $0x3;
	[dreg:$0x9] =	wrdreg s6;
	s3 =	sadd.s32 $0x70A00, s5;
	s4 =	sadd.s32 $0x70B00, s5  }
0x25: {  	v0 =	vand.u32 $0x7, v2;
	v2 =	vor.u32 $0x8, v2;
	v1 =	vmul.u32 $0x8, v1;
	s5 =	sadd.s32 $0x70C00, s5;
	s6 =	smax.u32 s1, $0x1;
	s1 =	simm.s32 $0x1  }
.LBB2_1:
0x26: {  	s0 =	rddreg [dreg:$0x3]  }
0x27: {  	[tilespmem:s2], [sflag:$0x2] =	stream.linear.gather [hbm4b:s0+s2], $0x80, $0x38;
	[tilespmem:$0x18080] =	vst v63  }
0x28: {  	_ =	swait.ge [sflag:s7], $0x80  }
0x29: {  	[sflag:s7] =	ssyncset.done $0x0  }
0x2a: {  	s9 =	rddreg [dreg:$0x4];
	[sflag:s7] =	ssyncadd.s32 $0xFFFFFF80  }
0x2b: {  	[tilespmem:s8], [sflag:$0x2] =	stream.linear.gather [hbm4b:s9+s2], $0x18000, $0x38;
	[tilespmem:$0x18080] =	vst v63  }
0x2c: {  	_ =	swait.ge [sflag:s7], $0x18000  }
0x2d: {  	[sflag:s7] =	ssyncset.done $0x0  }
0x2e: {  	[sflag:s7] =	ssyncadd.s32 $0xFFFE8000  }
0x2f: {  	v3 =	vld [tilespmem:$0x0];
	_ =	sdelay $0x4  }
0x30: {  	v4 =	vshrl.u32 v3, $0x3  }
0x31: {  	v4 =	vmul.u32 $0x30, v4  }
0x32: {  	v3 =	vand.u32 $0x7, v3  }
0x33: {  	v3 =	vor.u32 v3, v4  }
0x34: {  	v4 =	vperm.xlane v3, v0;
	_ =	sdelay $0x1  }
0x35: {  	v4 =	vadd.s32 v1, v4;
	_ =	sdelay $0x3  }
0x36: {  	v3 =	vperm.xlane v3, v2  }
0x37: {  	[hbm4b:s3+s2] =	stream.indirect_vreg.scatter [tilespmem:s8], [sflag:$0x1], $0x80, v4, vm0, $0xb8;
	[tilespmem:$0x18080] =	vst v63  }
0x38: {  	s0 =	rddreg [dreg:$0x5];
	v3 =	vadd.s32 v1, v3  }
0x39: {  	[hbm4b:s4+s2] =	stream.indirect_vreg.scatter [tilespmem:s0], [sflag:$0x1], $0x80, v4, vm0, $0xb8;
	[tilespmem:$0x18080] =	vst v63  }
0x3a: {  	s9 =	rddreg [dreg:$0x6]  }
0x3b: {  	[hbm4b:s5+s2] =	stream.indirect_vreg.scatter [tilespmem:s9], [sflag:$0x1], $0x80, v4, vm0, $0xb8;
	[tilespmem:$0x18080] =	vst v63  }
0x3c: {  	s0 =	rddreg [dreg:$0x7]  }
0x3d: {  	[hbm4b:s3+s2] =	stream.indirect_vreg.scatter [tilespmem:s0], [sflag:$0x1], $0x80, v3, vm0, $0xb8;
	[tilespmem:$0x18080] =	vst v63  }
0x3e: {  	s9 =	rddreg [dreg:$0x8]  }
0x3f: {  	[hbm4b:s4+s2] =	stream.indirect_vreg.scatter [tilespmem:s9], [sflag:$0x1], $0x80, v3, vm0, $0xb8;
	[tilespmem:$0x18080] =	vst v63  }
0x40: {  	s0 =	rddreg [dreg:$0x9]  }
0x41: {  	[hbm4b:s5+s2] =	stream.indirect_vreg.scatter [tilespmem:s0], [sflag:$0x1], $0x80, v3, vm0, $0xb8;
	[tilespmem:$0x18080] =	vst v63  }
0x42: {  	v3 =	vld [tilespmem:$0x10];
	_ =	sdelay $0x4  }
0x43: {  	v57 =	vshrl.u32 v3, $0x3  }
0x44: {  	v4 =	vmul.u32 $0x30, v57  }
0x45: {  	v3 =	vand.u32 $0x7, v3  }
0x46: {  	v3 =	vor.u32 v3, v4  }
0x47: {  	v4 =	vperm.xlane v3, v0;
	_ =	sdelay $0x1  }
0x48: {  	v4 =	vadd.s32 v1, v4;
	_ =	sdelay $0x3  }
0x49: {  	s0 =	rddreg [dreg:$0xa];
	v3 =	vperm.xlane v3, v2  }
0x4a: {  	[hbm4b:s3+s2] =	stream.indirect_vreg.scatter [tilespmem:s0], [sflag:$0x1], $0x80, v4, vm0, $0xb8;
	[tilespmem:$0x18080] =	vst v63  }
0x4b: {  	s9 =	rddreg [dreg:$0xb];
	v3 =	vadd.s32 v1, v3  }
0x4c: {  	[hbm4b:s4+s2] =	stream.indirect_vreg.scatter [tilespmem:s9], [sflag:$0x1], $0x80, v4, vm0, $0xb8;
	[tilespmem:$0x18080] =	vst v63  }
0x4d: {  	s0 =	rddreg [dreg:$0xc]  }
0x4e: {  	[hbm4b:s5+s2] =	stream.indirect_vreg.scatter [tilespmem:s0], [sflag:$0x1], $0x80, v4, vm0, $0xb8;
	[tilespmem:$0x18080] =	vst v63  }
0x4f: {  	s9 =	rddreg [dreg:$0xd]  }
0x50: {  	[hbm4b:s3+s2] =	stream.indirect_vreg.scatter [tilespmem:s9], [sflag:$0x1], $0x80, v3, vm0, $0xb8;
	[tilespmem:$0x18080] =	vst v63  }
0x51: {  	s0 =	rddreg [dreg:$0xe]  }
0x52: {  	[hbm4b:s4+s2] =	stream.indirect_vreg.scatter [tilespmem:s0], [sflag:$0x1], $0x80, v3, vm0, $0xb8;
	[tilespmem:$0x18080] =	vst v63  }
0x53: {  	s9 =	rddreg [dreg:$0xf]  }
0x54: {  	[hbm4b:s5+s2] =	stream.indirect_vreg.scatter [tilespmem:s9], [sflag:$0x1], $0x80, v3, vm0, $0xb8;
	[tilespmem:$0x18080] =	vst v63  }
0x55: {  	v3 =	vld [tilespmem:$0x20];
	_ =	sdelay $0x4  }
0x56: {  	v58 =	vshrl.u32 v3, $0x3  }
0x57: {  	v4 =	vmul.u32 $0x30, v58  }
0x58: {  	v3 =	vand.u32 $0x7, v3  }
0x59: {  	v3 =	vor.u32 v3, v4  }
0x5a: {  	v4 =	vperm.xlane v3, v0;
	_ =	sdelay $0x1  }
0x5b: {  	v4 =	vadd.s32 v1, v4;
	_ =	sdelay $0x3  }
0x5c: {  	s0 =	rddreg [dreg:$0x10];
	v3 =	vperm.xlane v3, v2  }
0x5d: {  	[hbm4b:s3+s2] =	stream.indirect_vreg.scatter [tilespmem:s0], [sflag:$0x1], $0x80, v4, vm0, $0xb8;
	[tilespmem:$0x18080] =	vst v63  }
0x5e: {  	s9 =	rddreg [dreg:$0x11];
	v3 =	vadd.s32 v1, v3  }
0x5f: {  	[hbm4b:s4+s2] =	stream.indirect_vreg.scatter [tilespmem:s9], [sflag:$0x1], $0x80, v4, vm0, $0xb8;
	[tilespmem:$0x18080] =	vst v63  }
0x60: {  	s0 =	rddreg [dreg:$0x12]  }
0x61: {  	[hbm4b:s5+s2] =	stream.indirect_vreg.scatter [tilespmem:s0], [sflag:$0x1], $0x80, v4, vm0, $0xb8;
	[tilespmem:$0x18080] =	vst v63  }
0x62: {  	s9 =	rddreg [dreg:$0x13]  }
0x63: {  	[hbm4b:s3+s2] =	stream.indirect_vreg.scatter [tilespmem:s9], [sflag:$0x1], $0x80, v3, vm0, $0xb8;
	[tilespmem:$0x18080] =	vst v63  }
0x64: {  	s0 =	rddreg [dreg:$0x14]  }
0x65: {  	[hbm4b:s4+s2] =	stream.indirect_vreg.scatter [tilespmem:s0], [sflag:$0x1], $0x80, v3, vm0, $0xb8;
	[tilespmem:$0x18080] =	vst v63  }
0x66: {  	s9 =	rddreg [dreg:$0x15]  }
0x67: {  	[hbm4b:s5+s2] =	stream.indirect_vreg.scatter [tilespmem:s9], [sflag:$0x1], $0x80, v3, vm0, $0xb8;
	[tilespmem:$0x18080] =	vst v63  }
0x68: {  	v3 =	vld [tilespmem:$0x30];
	_ =	sdelay $0x4  }
0x69: {  	v59 =	vshrl.u32 v3, $0x3  }
0x6a: {  	v4 =	vmul.u32 $0x30, v59  }
0x6b: {  	v3 =	vand.u32 $0x7, v3  }
0x6c: {  	v3 =	vor.u32 v3, v4  }
0x6d: {  	v4 =	vperm.xlane v3, v0;
	_ =	sdelay $0x1  }
0x6e: {  	v4 =	vadd.s32 v1, v4;
	_ =	sdelay $0x3  }
0x6f: {  	s0 =	rddreg [dreg:$0x16];
	v3 =	vperm.xlane v3, v2  }
0x70: {  	[hbm4b:s3+s2] =	stream.indirect_vreg.scatter [tilespmem:s0], [sflag:$0x1], $0x80, v4, vm0, $0xb8;
	[tilespmem:$0x18080] =	vst v63  }
0x71: {  	s9 =	rddreg [dreg:$0x17];
	v3 =	vadd.s32 v1, v3  }
0x72: {  	[hbm4b:s4+s2] =	stream.indirect_vreg.scatter [tilespmem:s9], [sflag:$0x1], $0x80, v4, vm0, $0xb8;
	[tilespmem:$0x18080] =	vst v63  }
0x73: {  	s0 =	rddreg [dreg:$0x18]  }
0x74: {  	[hbm4b:s5+s2] =	stream.indirect_vreg.scatter [tilespmem:s0], [sflag:$0x1], $0x80, v4, vm0, $0xb8;
	[tilespmem:$0x18080] =	vst v63  }
0x75: {  	s9 =	rddreg [dreg:$0x19]  }
0x76: {  	[hbm4b:s3+s2] =	stream.indirect_vreg.scatter [tilespmem:s9], [sflag:$0x1], $0x80, v3, vm0, $0xb8;
	[tilespmem:$0x18080] =	vst v63  }
0x77: {  	s0 =	rddreg [dreg:$0x1a]  }
0x78: {  	[hbm4b:s4+s2] =	stream.indirect_vreg.scatter [tilespmem:s0], [sflag:$0x1], $0x80, v3, vm0, $0xb8;
	[tilespmem:$0x18080] =	vst v63  }
0x79: {  	s9 =	rddreg [dreg:$0x1b]  }
0x7a: {  	[hbm4b:s5+s2] =	stream.indirect_vreg.scatter [tilespmem:s9], [sflag:$0x1], $0x80, v3, vm0, $0xb8;
	[tilespmem:$0x18080] =	vst v63  }
0x7b: {  	v3 =	vld [tilespmem:$0x40];
	_ =	sdelay $0x4  }
0x7c: {  	v60 =	vshrl.u32 v3, $0x3  }
0x7d: {  	v4 =	vmul.u32 $0x30, v60  }
0x7e: {  	v3 =	vand.u32 $0x7, v3  }
0x7f: {  	v3 =	vor.u32 v3, v4  }
0x80: {  	v4 =	vperm.xlane v3, v0;
	_ =	sdelay $0x1  }
0x81: {  	v4 =	vadd.s32 v1, v4;
	_ =	sdelay $0x3  }
0x82: {  	s0 =	rddreg [dreg:$0x1c];
	v3 =	vperm.xlane v3, v2  }
0x83: {  	[hbm4b:s3+s2] =	stream.indirect_vreg.scatter [tilespmem:s0], [sflag:$0x1], $0x80, v4, vm0, $0xb8;
	[tilespmem:$0x18080] =	vst v63  }
0x84: {  	s9 =	rddreg [dreg:$0x1d];
	v3 =	vadd.s32 v1, v3  }
0x85: {  	[hbm4b:s4+s2] =	stream.indirect_vreg.scatter [tilespmem:s9], [sflag:$0x1], $0x80, v4, vm0, $0xb8;
	[tilespmem:$0x18080] =	vst v63  }
0x86: {  	s9 =	simm.s32 $0xD080  }
0x87: {  	[hbm4b:s5+s2] =	stream.indirect_vreg.scatter [tilespmem:s9], [sflag:$0x1], $0x80, v4, vm0, $0xb8;
	[tilespmem:$0x18080] =	vst v63  }
0x88: {  	_ = 	snop  }
0x89: {  	[hbm4b:s3+s2] =	stream.indirect_vreg.scatter [tilespmem:s10], [sflag:$0x1], $0x80, v3, vm0, $0xb8;
	[tilespmem:$0x18080] =	vst v63  }
0x8a: {  	_ = 	snop  }
0x8b: {  	[hbm4b:s4+s2] =	stream.indirect_vreg.scatter [tilespmem:s11], [sflag:$0x1], $0x80, v3, vm0, $0xb8;
	[tilespmem:$0x18080] =	vst v63  }
0x8c: {  	_ = 	snop  }
0x8d: {  	[hbm4b:s5+s2] =	stream.indirect_vreg.scatter [tilespmem:s12], [sflag:$0x1], $0x80, v3, vm0, $0xb8;
	[tilespmem:$0x18080] =	vst v63  }
0x8e: {  	v3 =	vld [tilespmem:$0x50];
	_ =	sdelay $0x4  }
0x8f: {  	v61 =	vshrl.u32 v3, $0x3  }
0x90: {  	v4 =	vmul.u32 $0x30, v61  }
0x91: {  	v3 =	vand.u32 $0x7, v3  }
0x92: {  	v3 =	vor.u32 v3, v4  }
0x93: {  	v4 =	vperm.xlane v3, v0;
	_ =	sdelay $0x1  }
0x94: {  	v4 =	vadd.s32 v1, v4;
	_ =	sdelay $0x3  }
0x95: {  	v3 =	vperm.xlane v3, v2  }
0x96: {  	[hbm4b:s3+s2] =	stream.indirect_vreg.scatter [tilespmem:s13], [sflag:$0x1], $0x80, v4, vm0, $0xb8;
	[tilespmem:$0x18080] =	vst v63  }
0x97: {  	v3 =	vadd.s32 v1, v3  }
0x98: {  	[hbm4b:s4+s2] =	stream.indirect_vreg.scatter [tilespmem:s14], [sflag:$0x1], $0x80, v4, vm0, $0xb8;
	[tilespmem:$0x18080] =	vst v63  }
0x99: {  	_ = 	snop  }
0x9a: {  	[hbm4b:s5+s2] =	stream.indirect_vreg.scatter [tilespmem:s15], [sflag:$0x1], $0x80, v4, vm0, $0xb8;
	[tilespmem:$0x18080] =	vst v63  }
0x9b: {  	_ = 	snop  }
0x9c: {  	[hbm4b:s3+s2] =	stream.indirect_vreg.scatter [tilespmem:s16], [sflag:$0x1], $0x80, v3, vm0, $0xb8;
	[tilespmem:$0x18080] =	vst v63  }
0x9d: {  	_ = 	snop  }
0x9e: {  	[hbm4b:s4+s2] =	stream.indirect_vreg.scatter [tilespmem:s17], [sflag:$0x1], $0x80, v3, vm0, $0xb8;
	[tilespmem:$0x18080] =	vst v63  }
0x9f: {  	_ = 	snop  }
0xa0: {  	[hbm4b:s5+s2] =	stream.indirect_vreg.scatter [tilespmem:s18], [sflag:$0x1], $0x80, v3, vm0, $0xb8;
	[tilespmem:$0x18080] =	vst v63  }
0xa1: {  	v3 =	vld [tilespmem:$0x60];
	_ =	sdelay $0x4  }
0xa2: {  	v62 =	vshrl.u32 v3, $0x3  }
0xa3: {  	v4 =	vmul.u32 $0x30, v62  }
0xa4: {  	v3 =	vand.u32 $0x7, v3  }
0xa5: {  	v3 =	vor.u32 v3, v4  }
0xa6: {  	v4 =	vperm.xlane v3, v0;
	_ =	sdelay $0x1  }
0xa7: {  	v4 =	vadd.s32 v1, v4;
	_ =	sdelay $0x3  }
0xa8: {  	v3 =	vperm.xlane v3, v2  }
0xa9: {  	[hbm4b:s3+s2] =	stream.indirect_vreg.scatter [tilespmem:s19], [sflag:$0x1], $0x80, v4, vm0, $0xb8;
	[tilespmem:$0x18080] =	vst v63  }
0xaa: {  	v3 =	vadd.s32 v1, v3  }
0xab: {  	[hbm4b:s4+s2] =	stream.indirect_vreg.scatter [tilespmem:s20], [sflag:$0x1], $0x80, v4, vm0, $0xb8;
	[tilespmem:$0x18080] =	vst v63  }
0xac: {  	_ = 	snop  }
0xad: {  	[hbm4b:s5+s2] =	stream.indirect_vreg.scatter [tilespmem:s21], [sflag:$0x1], $0x80, v4, vm0, $0xb8;
	[tilespmem:$0x18080] =	vst v63  }
0xae: {  	_ = 	snop  }
0xaf: {  	[hbm4b:s3+s2] =	stream.indirect_vreg.scatter [tilespmem:s22], [sflag:$0x1], $0x80, v3, vm0, $0xb8;
	[tilespmem:$0x18080] =	vst v63  }
0xb0: {  	_ = 	snop  }
0xb1: {  	[hbm4b:s4+s2] =	stream.indirect_vreg.scatter [tilespmem:s23], [sflag:$0x1], $0x80, v3, vm0, $0xb8;
	[tilespmem:$0x18080] =	vst v63  }
0xb2: {  	_ = 	snop  }
0xb3: {  	[hbm4b:s5+s2] =	stream.indirect_vreg.scatter [tilespmem:s24], [sflag:$0x1], $0x80, v3, vm0, $0xb8;
	[tilespmem:$0x18080] =	vst v63  }
0xb4: {  	v3 =	vld [tilespmem:$0x70];
	_ =	sdelay $0x4  }
0xb5: {  	v63 =	vshrl.u32 v3, $0x3  }
0xb6: {  	v4 =	vmul.u32 $0x30, v63  }
0xb7: {  	v3 =	vand.u32 $0x7, v3  }
0xb8: {  	v3 =	vor.u32 v3, v4  }
0xb9: {  	v4 =	vperm.xlane v3, v0;
	_ =	sdelay $0x1  }
0xba: {  	v4 =	vadd.s32 v1, v4;
	_ =	sdelay $0x3  }
0xbb: {  	v3 =	vperm.xlane v3, v2  }
0xbc: {  	[hbm4b:s3+s2] =	stream.indirect_vreg.scatter [tilespmem:s25], [sflag:$0x1], $0x80, v4, vm0, $0xb8;
	[tilespmem:$0x18080] =	vst v63  }
0xbd: {  	v3 =	vadd.s32 v1, v3  }
0xbe: {  	[hbm4b:s4+s2] =	stream.indirect_vreg.scatter [tilespmem:s26], [sflag:$0x1], $0x80, v4, vm0, $0xb8;
	[tilespmem:$0x18080] =	vst v63  }
0xbf: {  	_ = 	snop  }
0xc0: {  	[hbm4b:s5+s2] =	stream.indirect_vreg.scatter [tilespmem:s28], [sflag:$0x1], $0x80, v4, vm0, $0xb8;
	[tilespmem:$0x18080] =	vst v63  }
0xc1: {  	_ = 	snop  }
0xc2: {  	[hbm4b:s3+s2] =	stream.indirect_vreg.scatter [tilespmem:s29], [sflag:$0x1], $0x80, v3, vm0, $0xb8;
	[tilespmem:$0x18080] =	vst v63  }
0xc3: {  	p0 =	sne.s32 s6, $0x1  }
0xc4: {  	[hbm4b:s4+s2] =	stream.indirect_vreg.scatter [tilespmem:s30], [sflag:$0x1], $0x80, v3, vm0, $0xb8;
	[tilespmem:$0x18080] =	vst v63  }
.Ltmp0:
0xc5: {  	_ = 	snop;
	(pc) =	sbr.rel @p0 .LBB2_1-.Ltmp0, $4  }
0xc6: {  	[hbm4b:s5+s2] =	stream.indirect_vreg.scatter [tilespmem:s31], [sflag:$0x1], $0x80, v3, vm0, $0xb8;
	[tilespmem:$0x18080] =	vst v63  }
0xc7: {  	_ =	swait.ge [sflag:s1], $0x18000  }
0xc8: {  	[sflag:s1] =	ssyncset.done $0x0  }
0xc9: {  	s6 =	sadd.s32 $0xFFFFFFFF, s6;
	[sflag:s1] =	ssyncadd.s32 $0xFFFE8000  }
0xca: {  	_ =	sfence.sel $0x180000  }
0xcb: {  	[bflag:$0x0] =	sbarrier.arrive $0xFFFF  }
0xcc: {  	_ =	strace $0x90000047  }
0xcd: {  	s0 =	stileid.u32;
	[bflag:$0x2] =	sbarrier.arrive $0xFFFF  }
0xce: {  	p0 =	sne.s32 s0, $0x0;
	s0 =	rddreg [dreg:$0x2]  }
0xcf: {  	s0 =	sadd.s32 @!p0 $0x100000, s0  }
0xd0: {  	[sflag:s0] =	ssyncadd.tile.s32 @!p0 $0x1;
	_ =	shalt  }
.Lfunc_end2:
_tile_overlayer_lowered:
.L_overlay_start_2:
0xd1: {  	(tag) =	ssettag $0x2  }
0xd2: {  	s0 =	rddreg [dreg:$0x0];
	s2 =	stileid.u32  }
0xd3: {  	s1 =	rddreg [dreg:$0x1];
	p0 =	sne.s32 s2, $0x0  }
0xd4: {  	s3 =	rddreg [dreg:$0x2];
	[bflag:$0x3] =	sbarrier.arrive $0xFFFF;
	s2 =	simm.s32 @!p0 $0x1C02  }
0xd5: {  	[timem:s3], [sflag:s2] =	dma.local @!p0 [hbm:s0], s1  }
0xd6: {  	s0 =	simm.s32 @!p0 $0x2  }
0xd7: {  	_ =	swait.ge @!p0 [sflag:s0], s1  }
0xd8: {  	s1 =	ssub.s32 @!p0 $0x0, s1;
	[sflag:s0] =	ssyncset.done @!p0 $0x0  }
0xd9: {  	[sflag:s0] =	ssyncadd.s32 @!p0 s1  }
0xda: {  	[bflag:$0x3] =	sbarrier.arrive $0xFFFF  }
0xdb: {  	_ =	shalt  }

</sc_bundles>
